<compile_context>
chip_gen: v7x
topology: tpu7x:2x2x1
jax: 0.10.2.dev20260603
libtpu: 0.0.44.dev20260713+nightly
codegen_flags: <defaults>
</compile_context>

<pallas_src>
import functools

import jax
import jax.numpy as jnp
from jax import lax
from jax.experimental import pallas as pl
from jax.experimental.pallas import tpu as pltpu
from jax.experimental.pallas import tpu_sc as plsc

_NC = 2
_NS = 16
_NW = _NC * _NS
_LANES = 16


def _sc_gather_agg(x, nodes, nb_flat, dest, *, B, S, R, D, CB):
    rows_w = B // _NW
    nch = rows_w // CB
    segs = D // _LANES
    windows = []
    off = 0
    while off < CB * S:
        w = min(128, CB * S - off)
        windows.append((off, w))
        off += w

    mesh = plsc.VectorSubcoreMesh(core_axis_name="c", subcore_axis_name="s")

    @functools.partial(
        pl.kernel,
        out_type=(
            jax.ShapeDtypeStruct((B, D), jnp.float32),
            jax.ShapeDtypeStruct((B * R, D), jnp.float32),
        ),
        mesh=mesh,
        scratch_types=[
            pltpu.VMEM((CB * S,), jnp.int32),
            pltpu.VMEM((CB * S,), jnp.int32),
            pltpu.VMEM((CB,), jnp.int32),
            pltpu.VMEM((CB,), jnp.int32),
            pltpu.VMEM((CB * S,), jnp.int32),
            pltpu.VMEM((CB * S,), jnp.int32),
            pltpu.VMEM((CB * S, D), jnp.float32),
            pltpu.VMEM((CB * S, D), jnp.float32),
            pltpu.VMEM((CB, D), jnp.float32),
            pltpu.VMEM((CB, D), jnp.float32),
            pltpu.VMEM((CB * R, D), jnp.float32),
            pltpu.VMEM_SHARED((_NS * CB * R, D), jnp.float32),
            pltpu.SemaphoreType.DMA,
            pltpu.SemaphoreType.DMA,
            pltpu.SemaphoreType.DMA,
            pltpu.SemaphoreType.DMA,
            pltpu.SemaphoreType.DMA,
        ],
    )
    def k(x_hbm, nodes_hbm, nb_hbm, dest_hbm, self_hbm, agg_hbm,
          nb_idx0, nb_idx1, s_idx0, s_idx1, dst0, dst1, gbuf0, gbuf1,
          sbuf0, sbuf1, zbuf, abuf_sh, sem_i0, sem_i1, sem_g0, sem_g1,
          sem_f):
        nb_idx = (nb_idx0, nb_idx1)
        s_idx = (s_idx0, s_idx1)
        dst = (dst0, dst1)
        gbuf = (gbuf0, gbuf1)
        sbuf = (sbuf0, sbuf1)
        sem_i = (sem_i0, sem_i1)
        sem_g = (sem_g0, sem_g1)

        sid = lax.axis_index("s")
        wid = sid * _NC + lax.axis_index("c")
        wbase = wid * rows_w
        rbase = sid * (CB * R)

        @pl.loop(0, CB * R)
        def _z(i):
            for kk in range(segs):
                zbuf[i, pl.ds(kk * _LANES, _LANES)] = jnp.zeros(
                    (_LANES,), jnp.float32)

        idx_descs = {}
        g_descs = {}
        f_descs = {}

        def start_idx(c):
            p = c % 2
            base = wbase + c * CB
            ebase = base * S
            idx_descs[c] = (
                pltpu.async_copy(nb_hbm.at[pl.ds(ebase, CB * S)],
                                 nb_idx[p], sem_i[p]),
                pltpu.async_copy(nodes_hbm.at[pl.ds(base, CB)],
                                 s_idx[p], sem_i[p]),
                pltpu.async_copy(dest_hbm.at[pl.ds(ebase, CB * S)],
                                 dst[p], sem_i[p]),
            )

        def start_gathers(c):
            p = c % 2
            descs = [pltpu.async_copy(x_hbm.at[s_idx[p]], sbuf[p], sem_g[p])]
            for (o, w) in windows:
                descs.append(pltpu.async_copy(
                    x_hbm.at[nb_idx[p].at[pl.ds(o, w)]],
                    gbuf[p].at[pl.ds(o, w)], sem_g[p]))
            g_descs[c] = descs

        start_idx(0)
        for d in idx_descs[0]:
            d.wait()
        start_gathers(0)
        if nch > 1:
            start_idx(1)

        for c in range(nch):
            p = c % 2
            base = wbase + c * CB
            for d in g_descs[c]:
                d.wait()

            if c > 0:
                f_descs[c - 1].wait()
            pltpu.sync_copy(zbuf, abuf_sh.at[pl.ds(rbase, CB * R)])
            pltpu.sync_copy(gbuf[p], abuf_sh.at[dst[p]], add=True)
            if c + 2 < nch:
                start_idx(c + 2)
            if c + 1 < nch:
                for d in idx_descs[c + 1]:
                    d.wait()
                start_gathers(c + 1)
            f_descs[c] = pltpu.async_copy(
                abuf_sh.at[pl.ds(rbase, CB * R)],
                agg_hbm.at[pl.ds(base * R, CB * R)], sem_f)
            pltpu.sync_copy(sbuf[p], self_hbm.at[pl.ds(base, CB)])
        f_descs[nch - 1].wait()

    return k(x, nodes, nb_flat, dest)


def _tc_combine(self_emb, agg, relations, weight, rel_weight,
                *, B, S, R, D, DOUT, BB):

    def body(self_ref, agg_ref, rel_ref, w_ref, rw_ref, out_ref):
        acc = lax.dot_general(self_ref[...], w_ref[...],
                              (((1,), (1,)), ((), ())),
                              preferred_element_type=jnp.float32)
        rel = rel_ref[...]
        for r in range(R):
            cnt = jnp.sum((rel == r).astype(jnp.float32), axis=1,
                          keepdims=True)
            a = agg_ref[:, r * D:(r + 1) * D] * (1.0 / (cnt + 1e-10))
            acc = acc + lax.dot_general(a, rw_ref[r],
                                        (((1,), (1,)), ((), ())),
                                        preferred_element_type=jnp.float32)
        out_ref[...] = jnp.maximum(acc, 0.0)

    return pl.pallas_call(
        body,
        grid=(B // BB,),
        in_specs=[
            pl.BlockSpec((BB, D), lambda i: (i, 0)),
            pl.BlockSpec((BB, R * D), lambda i: (i, 0)),
            pl.BlockSpec((BB, S), lambda i: (i, 0)),
            pl.BlockSpec((DOUT, D), lambda i: (0, 0)),
            pl.BlockSpec((R, DOUT, D), lambda i: (0, 0, 0)),
        ],
        out_specs=pl.BlockSpec((BB, DOUT), lambda i: (i, 0)),
        out_shape=jax.ShapeDtypeStruct((B, DOUT), jnp.float32),
    )(self_emb, agg, relations, weight, rel_weight)


def kernel(x, weight, rel_weight, nodes, neighbors, relations):
    N, D = x.shape
    B, S = neighbors.shape
    R = rel_weight.shape[0]
    DOUT = weight.shape[0]
    CB = 32

    nodes = nodes.astype(jnp.int32)
    nb_flat = neighbors.astype(jnp.int32).reshape(B * S)
    rel = relations.astype(jnp.int32)
    rows_w = B // _NW
    barange = jnp.arange(B, dtype=jnp.int32)
    sub = (barange // rows_w) // _NC
    dest = ((sub * (CB * R) + (barange % CB) * R)[:, None]
            + rel).reshape(B * S)

    self_emb, agg = _sc_gather_agg(x, nodes, nb_flat, dest,
                                   B=B, S=S, R=R, D=D, CB=CB)
    return _tc_combine(self_emb, agg.reshape(B, R * D), rel, weight,
                       rel_weight, B=B, S=S, R=R, D=D, DOUT=DOUT, BB=1024)

# --- scband reference (transcript-rebuilt; emitter-appended) ---
"""Pipeline reference for scband-abstract-relational-graph-convolution-5909875000110 (READ-ONLY COPY).

The authoritative reference and input builder live on the scoring server;
editing this copy changes nothing except your own understanding.
"""

import jax, jax.numpy as jnp
import numpy as np

N, D, B, S, R, DOUT = 100000, 128, 8192, 10, 4, 128

def setup_inputs(seed: int = 0) -> dict:
    key = jax.random.key(seed)
    ks = jax.random.split(key, 6)
    nodes = jax.random.randint(ks[0], (B,), 0, N)
    neighbors = jax.random.randint(ks[1], (B, S), 0, N)
    relations = jax.random.randint(ks[2], (B, S), 0, R)
    x = jax.random.normal(ks[3], (N, D), dtype=jnp.float32)
    weight = jax.random.normal(ks[4], (DOUT, D), dtype=jnp.float32) * (1.0 / np.sqrt(D))
    rel_weight = jax.random.normal(ks[5], (R, DOUT, D), dtype=jnp.float32) * (1.0 / np.sqrt(D))
    return {"x": x, "weight": weight, "rel_weight": rel_weight,
            "nodes": nodes, "neighbors": neighbors, "relations": relations}

def reference(x, weight, rel_weight, nodes, neighbors, relations):
    # Self path: input_embeddings.mm(weight.T)
    input_emb = jnp.take(x, nodes, axis=0)                      # [B, D] gather
    out = input_emb @ weight.T                                   # [B, DOUT]
    # Neighbor path: gather sampled neighbor embeddings
    nb_emb = jnp.take(x, neighbors, axis=0)                      # [B, S, D] gather
    # Per-relation normalized mean aggregation (dense equivalent of the
    # per-relation mask / count normalization in forward_bmm)
    onehot = jax.nn.one_hot(relations, R, dtype=x.dtype)         # [B, S, R]
    counts = onehot.sum(axis=1)                                  # [B, R]
    agg = jnp.einsum('bsr,bsd->brd', onehot, nb_emb)             # [B, R, D]
    agg = agg / (counts[..., None] + 1e-10)
    # aggregated_embeddings_per_relation.bmm(relation_weights.T).sum(0)
    out = out + jnp.einsum('brd,rod->bo', agg, rel_weight)       # [B, DOUT]
    return jax.nn.relu(out)

if __name__ == "__main__":
    import jax
    _d = setup_inputs()
    print(jax.jit(kernel)(*tuple(_d.values())))

</pallas_src>

<mosaic_0001>
#map = affine_map<(d0, d1) -> (0, 0)>
#map1 = affine_map<(d0, d1) -> (0)>
module attributes {stable_mosaic.version = 14 : i64} {
  func.func @k(%arg0: i32, %arg1: i32, %arg2: memref<100000x128xf32, #tpu.memory_space<hbm>>, %arg3: memref<8192xi32, #tpu.memory_space<hbm>>, %arg4: memref<81920xi32, #tpu.memory_space<hbm>>, %arg5: memref<81920xi32, #tpu.memory_space<hbm>>, %arg6: memref<8192x128xf32, #tpu.memory_space<hbm>>, %arg7: memref<32768x128xf32, #tpu.memory_space<hbm>>, %arg8: memref<320xi32, #tpu.memory_space<vmem>>, %arg9: memref<320xi32, #tpu.memory_space<vmem>>, %arg10: memref<32xi32, #tpu.memory_space<vmem>>, %arg11: memref<32xi32, #tpu.memory_space<vmem>>, %arg12: memref<320xi32, #tpu.memory_space<vmem>>, %arg13: memref<320xi32, #tpu.memory_space<vmem>>, %arg14: memref<320x128xf32, #tpu.memory_space<vmem>>, %arg15: memref<320x128xf32, #tpu.memory_space<vmem>>, %arg16: memref<32x128xf32, #tpu.memory_space<vmem>>, %arg17: memref<32x128xf32, #tpu.memory_space<vmem>>, %arg18: memref<128x128xf32, #tpu.memory_space<vmem>>, %arg19: memref<2048x128xf32, #tpu.memory_space<vmem_shared>>, %arg20: memref<!tpu.dma_semaphore, #tpu.memory_space<semaphore_mem>>, %arg21: memref<!tpu.dma_semaphore, #tpu.memory_space<semaphore_mem>>, %arg22: memref<!tpu.dma_semaphore, #tpu.memory_space<semaphore_mem>>, %arg23: memref<!tpu.dma_semaphore, #tpu.memory_space<semaphore_mem>>, %arg24: memref<!tpu.dma_semaphore, #tpu.memory_space<semaphore_mem>>) attributes {dimension_semantics = [#tpu.dimension_semantics<core_parallel>, #tpu.dimension_semantics<subcore_parallel>], iteration_bounds = array<i64: 2, 16>, scalar_prefetch = 0 : i64, scratch_operands = 17 : i64, tpu.core_type = #tpu.core_type<sc_vector_subcore>, window_params = [{transform_indices = #map}, {transform_indices = #map1}, {transform_indices = #map1}, {transform_indices = #map1}, {transform_indices = #map}, {transform_indices = #map}]} {
    %mul3A = arith.constant 2 : i32
    %mul3A_0 = arith.muli %arg1, %mul3A : i32
    %add3A = arith.addi %mul3A_0, %arg0 : i32
    %mul3A_1 = arith.constant 256 : i32
    %mul3A_2 = arith.muli %add3A, %mul3A_1 : i32
    %mul3A_3 = arith.constant 128 : i32
    %mul3A_4 = arith.muli %arg1, %mul3A_3 : i32
    %scan3A = arith.constant 0 : i32
    %scan3A_5 = arith.constant 128 : i32
    %scan3A_6 = arith.addi %scan3A, %scan3A_5 : i32
    %scan3A_7 = arith.constant 1 : i32
    scf.for %scan3A_663 = %scan3A to %scan3A_6 step %scan3A_7  : i32 {
      %mul3A_664 = arith.constant 1 : i32
      %mul3A_665 = arith.muli %scan3A_663, %mul3A_664 : i32
      %add3A_666 = arith.constant 0 : i32
      %add3A_667 = arith.addi %add3A_666, %mul3A_665 : i32
      %broadcast_in_dim3A = arith.constant 0.000000e+00 : f32
      %broadcast_in_dim3A_668 = vector.broadcast %broadcast_in_dim3A : f32 to vector<16xf32>
      %swap3A = arith.index_cast %add3A_667 : i32 to index
      %swap3A_669 = arith.constant 0 : index
      %swap3A_670 = tpu.vector_load %arg18[%swap3A, %swap3A_669] {strides = array<i32>} : memref<128x128xf32, #tpu.memory_space<vmem>>, vector<1x16xf32>,
      %swap3A_671 = vector.shape_cast %swap3A_670 : vector<1x16xf32> to vector<16xf32>
      %swap3A_672 = vector.shape_cast %broadcast_in_dim3A_668 : vector<16xf32> to vector<1x16xf32>
      tpu.vector_store %arg18[%swap3A, %swap3A_669], %swap3A_672 {strides = array<i32>} : memref<128x128xf32, #tpu.memory_space<vmem>>, vector<1x16xf32>,
      %broadcast_in_dim3A_673 = arith.constant 0.000000e+00 : f32
      %broadcast_in_dim3A_674 = vector.broadcast %broadcast_in_dim3A_673 : f32 to vector<16xf32>
      %swap3A_675 = arith.index_cast %add3A_667 : i32 to index
      %swap3A_676 = arith.constant 16 : index
      %swap3A_677 = tpu.vector_load %arg18[%swap3A_675, %swap3A_676] {strides = array<i32>} : memref<128x128xf32, #tpu.memory_space<vmem>>, vector<1x16xf32>,
      %swap3A_678 = vector.shape_cast %swap3A_677 : vector<1x16xf32> to vector<16xf32>
      %swap3A_679 = vector.shape_cast %broadcast_in_dim3A_674 : vector<16xf32> to vector<1x16xf32>
      tpu.vector_store %arg18[%swap3A_675, %swap3A_676], %swap3A_679 {strides = array<i32>} : memref<128x128xf32, #tpu.memory_space<vmem>>, vector<1x16xf32>,
      %broadcast_in_dim3A_680 = arith.constant 0.000000e+00 : f32
      %broadcast_in_dim3A_681 = vector.broadcast %broadcast_in_dim3A_680 : f32 to vector<16xf32>
      %swap3A_682 = arith.index_cast %add3A_667 : i32 to index
      %swap3A_683 = arith.constant 32 : index
      %swap3A_684 = tpu.vector_load %arg18[%swap3A_682, %swap3A_683] {strides = array<i32>} : memref<128x128xf32, #tpu.memory_space<vmem>>, vector<1x16xf32>,
      %swap3A_685 = vector.shape_cast %swap3A_684 : vector<1x16xf32> to vector<16xf32>
      %swap3A_686 = vector.shape_cast %broadcast_in_dim3A_681 : vector<16xf32> to vector<1x16xf32>
      tpu.vector_store %arg18[%swap3A_682, %swap3A_683], %swap3A_686 {strides = array<i32>} : memref<128x128xf32, #tpu.memory_space<vmem>>, vector<1x16xf32>,
      %broadcast_in_dim3A_687 = arith.constant 0.000000e+00 : f32
      %broadcast_in_dim3A_688 = vector.broadcast %broadcast_in_dim3A_687 : f32 to vector<16xf32>
      %swap3A_689 = arith.index_cast %add3A_667 : i32 to index
      %swap3A_690 = arith.constant 48 : index
      %swap3A_691 = tpu.vector_load %arg18[%swap3A_689, %swap3A_690] {strides = array<i32>} : memref<128x128xf32, #tpu.memory_space<vmem>>, vector<1x16xf32>,
      %swap3A_692 = vector.shape_cast %swap3A_691 : vector<1x16xf32> to vector<16xf32>
      %swap3A_693 = vector.shape_cast %broadcast_in_dim3A_688 : vector<16xf32> to vector<1x16xf32>
      tpu.vector_store %arg18[%swap3A_689, %swap3A_690], %swap3A_693 {strides = array<i32>} : memref<128x128xf32, #tpu.memory_space<vmem>>, vector<1x16xf32>,
      %broadcast_in_dim3A_694 = arith.constant 0.000000e+00 : f32
      %broadcast_in_dim3A_695 = vector.broadcast %broadcast_in_dim3A_694 : f32 to vector<16xf32>
      %swap3A_696 = arith.index_cast %add3A_667 : i32 to index
      %swap3A_697 = arith.constant 64 : index
      %swap3A_698 = tpu.vector_load %arg18[%swap3A_696, %swap3A_697] {strides = array<i32>} : memref<128x128xf32, #tpu.memory_space<vmem>>, vector<1x16xf32>,
      %swap3A_699 = vector.shape_cast %swap3A_698 : vector<1x16xf32> to vector<16xf32>
      %swap3A_700 = vector.shape_cast %broadcast_in_dim3A_695 : vector<16xf32> to vector<1x16xf32>
      tpu.vector_store %arg18[%swap3A_696, %swap3A_697], %swap3A_700 {strides = array<i32>} : memref<128x128xf32, #tpu.memory_space<vmem>>, vector<1x16xf32>,
      %broadcast_in_dim3A_701 = arith.constant 0.000000e+00 : f32
      %broadcast_in_dim3A_702 = vector.broadcast %broadcast_in_dim3A_701 : f32 to vector<16xf32>
      %swap3A_703 = arith.index_cast %add3A_667 : i32 to index
      %swap3A_704 = arith.constant 80 : index
      %swap3A_705 = tpu.vector_load %arg18[%swap3A_703, %swap3A_704] {strides = array<i32>} : memref<128x128xf32, #tpu.memory_space<vmem>>, vector<1x16xf32>,
      %swap3A_706 = vector.shape_cast %swap3A_705 : vector<1x16xf32> to vector<16xf32>
      %swap3A_707 = vector.shape_cast %broadcast_in_dim3A_702 : vector<16xf32> to vector<1x16xf32>
      tpu.vector_store %arg18[%swap3A_703, %swap3A_704], %swap3A_707 {strides = array<i32>} : memref<128x128xf32, #tpu.memory_space<vmem>>, vector<1x16xf32>,
      %broadcast_in_dim3A_708 = arith.constant 0.000000e+00 : f32
      %broadcast_in_dim3A_709 = vector.broadcast %broadcast_in_dim3A_708 : f32 to vector<16xf32>
      %swap3A_710 = arith.index_cast %add3A_667 : i32 to index
      %swap3A_711 = arith.constant 96 : index
      %swap3A_712 = tpu.vector_load %arg18[%swap3A_710, %swap3A_711] {strides = array<i32>} : memref<128x128xf32, #tpu.memory_space<vmem>>, vector<1x16xf32>,
      %swap3A_713 = vector.shape_cast %swap3A_712 : vector<1x16xf32> to vector<16xf32>
      %swap3A_714 = vector.shape_cast %broadcast_in_dim3A_709 : vector<16xf32> to vector<1x16xf32>
      tpu.vector_store %arg18[%swap3A_710, %swap3A_711], %swap3A_714 {strides = array<i32>} : memref<128x128xf32, #tpu.memory_space<vmem>>, vector<1x16xf32>,
      %broadcast_in_dim3A_715 = arith.constant 0.000000e+00 : f32
      %broadcast_in_dim3A_716 = vector.broadcast %broadcast_in_dim3A_715 : f32 to vector<16xf32>
      %swap3A_717 = arith.index_cast %add3A_667 : i32 to index
      %swap3A_718 = arith.constant 112 : index
      %swap3A_719 = tpu.vector_load %arg18[%swap3A_717, %swap3A_718] {strides = array<i32>} : memref<128x128xf32, #tpu.memory_space<vmem>>, vector<1x16xf32>,
      %swap3A_720 = vector.shape_cast %swap3A_719 : vector<1x16xf32> to vector<16xf32>
      %swap3A_721 = vector.shape_cast %broadcast_in_dim3A_716 : vector<16xf32> to vector<1x16xf32>
      tpu.vector_store %arg18[%swap3A_717, %swap3A_718], %swap3A_721 {strides = array<i32>} : memref<128x128xf32, #tpu.memory_space<vmem>>, vector<1x16xf32>,
    }
    %scan3A_8 = arith.constant 128 : i32
    %add3A_9 = arith.constant 0 : i32
    %add3A_10 = arith.addi %mul3A_2, %add3A_9 : i32
    %mul3A_11 = arith.constant 10 : i32
    %mul3A_12 = arith.muli %add3A_10, %mul3A_11 : i32
    %dma_start3A = tpu.memref_slice %arg4[%mul3A_12] : memref<81920xi32, #tpu.memory_space<hbm>> -> memref<320xi32, #tpu.memory_space<hbm>>
    %dma_start3A_13 = tpu.memref_slice %arg4[%mul3A_12] : memref<81920xi32, #tpu.memory_space<hbm>> -> memref<320xi32, #tpu.memory_space<hbm>>
    tpu.enqueue_dma source(%dma_start3A_13 : memref<320xi32, #tpu.memory_space<hbm>>) target(%arg8 : memref<320xi32, #tpu.memory_space<vmem>>) target_semaphore(%arg20 : memref<!tpu.dma_semaphore, #tpu.memory_space<semaphore_mem>>)
    %dma_start3A_14 = tpu.memref_slice %arg3[%add3A_10] : memref<8192xi32, #tpu.memory_space<hbm>> -> memref<32xi32, #tpu.memory_space<hbm>>
    %dma_start3A_15 = tpu.memref_slice %arg3[%add3A_10] : memref<8192xi32, #tpu.memory_space<hbm>> -> memref<32xi32, #tpu.memory_space<hbm>>
    tpu.enqueue_dma source(%dma_start3A_15 : memref<32xi32, #tpu.memory_space<hbm>>) target(%arg10 : memref<32xi32, #tpu.memory_space<vmem>>) target_semaphore(%arg20 : memref<!tpu.dma_semaphore, #tpu.memory_space<semaphore_mem>>)
    %dma_start3A_16 = tpu.memref_slice %arg5[%mul3A_12] : memref<81920xi32, #tpu.memory_space<hbm>> -> memref<320xi32, #tpu.memory_space<hbm>>
    %dma_start3A_17 = tpu.memref_slice %arg5[%mul3A_12] : memref<81920xi32, #tpu.memory_space<hbm>> -> memref<320xi32, #tpu.memory_space<hbm>>
    tpu.enqueue_dma source(%dma_start3A_17 : memref<320xi32, #tpu.memory_space<hbm>>) target(%arg12 : memref<320xi32, #tpu.memory_space<vmem>>) target_semaphore(%arg20 : memref<!tpu.dma_semaphore, #tpu.memory_space<semaphore_mem>>)
    %dma_wait3A = tpu.memref_slice %arg4[%mul3A_12] : memref<81920xi32, #tpu.memory_space<hbm>> -> memref<320xi32, #tpu.memory_space<hbm>>
    %dma_wait3A_18 = tpu.memref_slice %arg4[%mul3A_12] : memref<81920xi32, #tpu.memory_space<hbm>> -> memref<320xi32, #tpu.memory_space<hbm>>
    tpu.wait_dma2 semaphore(%arg20 : memref<!tpu.dma_semaphore, #tpu.memory_space<semaphore_mem>>) src(%dma_wait3A_18 : memref<320xi32, #tpu.memory_space<hbm>>) dst(%arg8 : memref<320xi32, #tpu.memory_space<vmem>>)
    %dma_wait3A_19 = tpu.memref_slice %arg3[%add3A_10] : memref<8192xi32, #tpu.memory_space<hbm>> -> memref<32xi32, #tpu.memory_space<hbm>>
    %dma_wait3A_20 = tpu.memref_slice %arg3[%add3A_10] : memref<8192xi32, #tpu.memory_space<hbm>> -> memref<32xi32, #tpu.memory_space<hbm>>
    tpu.wait_dma2 semaphore(%arg20 : memref<!tpu.dma_semaphore, #tpu.memory_space<semaphore_mem>>) src(%dma_wait3A_20 : memref<32xi32, #tpu.memory_space<hbm>>) dst(%arg10 : memref<32xi32, #tpu.memory_space<vmem>>)
    %dma_wait3A_21 = tpu.memref_slice %arg5[%mul3A_12] : memref<81920xi32, #tpu.memory_space<hbm>> -> memref<320xi32, #tpu.memory_space<hbm>>
    %dma_wait3A_22 = tpu.memref_slice %arg5[%mul3A_12] : memref<81920xi32, #tpu.memory_space<hbm>> -> memref<320xi32, #tpu.memory_space<hbm>>
    tpu.wait_dma2 semaphore(%arg20 : memref<!tpu.dma_semaphore, #tpu.memory_space<semaphore_mem>>) src(%dma_wait3A_22 : memref<320xi32, #tpu.memory_space<hbm>>) dst(%arg12 : memref<320xi32, #tpu.memory_space<vmem>>)
    %dma_start3A_23 = arith.constant 0 : i32
    %dma_start3A_24 = arith.constant 0 : i32
    %dma_start3A_25 = tpu.memref_slice %arg2[%dma_start3A_23, %dma_start3A_24] : memref<100000x128xf32, #tpu.memory_space<hbm>> -> memref<100000x128xf32, #tpu.memory_space<hbm>>
    tpu.enqueue_indirect_dma source(%dma_start3A_25 : memref<100000x128xf32, #tpu.memory_space<hbm>>) target(%arg16 : memref<32x128xf32, #tpu.memory_space<vmem>>) offsets(%arg10 : memref<32xi32, #tpu.memory_space<vmem>>) semaphore(%arg22 : memref<!tpu.dma_semaphore, #tpu.memory_space<semaphore_mem>>)
    %dma_start3A_26 = arith.constant 0 : i32
    %dma_start3A_27 = arith.constant 0 : i32
    %dma_start3A_28 = tpu.memref_slice %arg14[%dma_start3A_26, %dma_start3A_27] : memref<320x128xf32, #tpu.memory_space<vmem>> -> memref<128x128xf32, #tpu.memory_space<vmem>>
    %dma_start3A_29 = arith.constant 0 : i32
    %dma_start3A_30 = tpu.memref_slice %arg8[%dma_start3A_29] : memref<320xi32, #tpu.memory_space<vmem>> -> memref<128xi32, #tpu.memory_space<vmem>>
    %dma_start3A_31 = arith.constant 0 : i32
    %dma_start3A_32 = arith.constant 0 : i32
    %dma_start3A_33 = tpu.memref_slice %arg2[%dma_start3A_31, %dma_start3A_32] : memref<100000x128xf32, #tpu.memory_space<hbm>> -> memref<100000x128xf32, #tpu.memory_space<hbm>>
    tpu.enqueue_indirect_dma source(%dma_start3A_33 : memref<100000x128xf32, #tpu.memory_space<hbm>>) target(%dma_start3A_28 : memref<128x128xf32, #tpu.memory_space<vmem>>) offsets(%dma_start3A_30 : memref<128xi32, #tpu.memory_space<vmem>>) semaphore(%arg22 : memref<!tpu.dma_semaphore, #tpu.memory_space<semaphore_mem>>)
    %dma_start3A_34 = arith.constant 128 : i32
    %dma_start3A_35 = arith.constant 0 : i32
    %dma_start3A_36 = tpu.memref_slice %arg14[%dma_start3A_34, %dma_start3A_35] : memref<320x128xf32, #tpu.memory_space<vmem>> -> memref<128x128xf32, #tpu.memory_space<vmem>>
    %dma_start3A_37 = arith.constant 128 : i32
    %dma_start3A_38 = tpu.memref_slice %arg8[%dma_start3A_37] : memref<320xi32, #tpu.memory_space<vmem>> -> memref<128xi32, #tpu.memory_space<vmem>>
    %dma_start3A_39 = arith.constant 0 : i32
    %dma_start3A_40 = arith.constant 0 : i32
    %dma_start3A_41 = tpu.memref_slice %arg2[%dma_start3A_39, %dma_start3A_40] : memref<100000x128xf32, #tpu.memory_space<hbm>> -> memref<100000x128xf32, #tpu.memory_space<hbm>>
    tpu.enqueue_indirect_dma source(%dma_start3A_41 : memref<100000x128xf32, #tpu.memory_space<hbm>>) target(%dma_start3A_36 : memref<128x128xf32, #tpu.memory_space<vmem>>) offsets(%dma_start3A_38 : memref<128xi32, #tpu.memory_space<vmem>>) semaphore(%arg22 : memref<!tpu.dma_semaphore, #tpu.memory_space<semaphore_mem>>)
    %dma_start3A_42 = arith.constant 256 : i32
    %dma_start3A_43 = arith.constant 0 : i32
    %dma_start3A_44 = tpu.memref_slice %arg14[%dma_start3A_42, %dma_start3A_43] : memref<320x128xf32, #tpu.memory_space<vmem>> -> memref<64x128xf32, #tpu.memory_space<vmem>>
    %dma_start3A_45 = arith.constant 256 : i32
    %dma_start3A_46 = tpu.memref_slice %arg8[%dma_start3A_45] : memref<320xi32, #tpu.memory_space<vmem>> -> memref<64xi32, #tpu.memory_space<vmem>>
    %dma_start3A_47 = arith.constant 0 : i32
    %dma_start3A_48 = arith.constant 0 : i32
    %dma_start3A_49 = tpu.memref_slice %arg2[%dma_start3A_47, %dma_start3A_48] : memref<100000x128xf32, #tpu.memory_space<hbm>> -> memref<100000x128xf32, #tpu.memory_space<hbm>>
    tpu.enqueue_indirect_dma source(%dma_start3A_49 : memref<100000x128xf32, #tpu.memory_space<hbm>>) target(%dma_start3A_44 : memref<64x128xf32, #tpu.memory_space<vmem>>) offsets(%dma_start3A_46 : memref<64xi32, #tpu.memory_space<vmem>>) semaphore(%arg22 : memref<!tpu.dma_semaphore, #tpu.memory_space<semaphore_mem>>)
    %add3A_50 = arith.constant 32 : i32
    %add3A_51 = arith.addi %mul3A_2, %add3A_50 : i32
    %mul3A_52 = arith.constant 10 : i32
    %mul3A_53 = arith.muli %add3A_51, %mul3A_52 : i32
    %dma_start3A_54 = tpu.memref_slice %arg4[%mul3A_53] : memref<81920xi32, #tpu.memory_space<hbm>> -> memref<320xi32, #tpu.memory_space<hbm>>
    %dma_start3A_55 = tpu.memref_slice %arg4[%mul3A_53] : memref<81920xi32, #tpu.memory_space<hbm>> -> memref<320xi32, #tpu.memory_space<hbm>>
    tpu.enqueue_dma source(%dma_start3A_55 : memref<320xi32, #tpu.memory_space<hbm>>) target(%arg9 : memref<320xi32, #tpu.memory_space<vmem>>) target_semaphore(%arg21 : memref<!tpu.dma_semaphore, #tpu.memory_space<semaphore_mem>>)
    %dma_start3A_56 = tpu.memref_slice %arg3[%add3A_51] : memref<8192xi32, #tpu.memory_space<hbm>> -> memref<32xi32, #tpu.memory_space<hbm>>
    %dma_start3A_57 = tpu.memref_slice %arg3[%add3A_51] : memref<8192xi32, #tpu.memory_space<hbm>> -> memref<32xi32, #tpu.memory_space<hbm>>
    tpu.enqueue_dma source(%dma_start3A_57 : memref<32xi32, #tpu.memory_space<hbm>>) target(%arg11 : memref<32xi32, #tpu.memory_space<vmem>>) target_semaphore(%arg21 : memref<!tpu.dma_semaphore, #tpu.memory_space<semaphore_mem>>)
    %dma_start3A_58 = tpu.memref_slice %arg5[%mul3A_53] : memref<81920xi32, #tpu.memory_space<hbm>> -> memref<320xi32, #tpu.memory_space<hbm>>
    %dma_start3A_59 = tpu.memref_slice %arg5[%mul3A_53] : memref<81920xi32, #tpu.memory_space<hbm>> -> memref<320xi32, #tpu.memory_space<hbm>>
    tpu.enqueue_dma source(%dma_start3A_59 : memref<320xi32, #tpu.memory_space<hbm>>) target(%arg13 : memref<320xi32, #tpu.memory_space<vmem>>) target_semaphore(%arg21 : memref<!tpu.dma_semaphore, #tpu.memory_space<semaphore_mem>>)
    %add3A_60 = arith.constant 0 : i32
    %add3A_61 = arith.addi %mul3A_2, %add3A_60 : i32
    %dma_wait3A_62 = arith.constant 0 : i32
    %dma_wait3A_63 = arith.constant 0 : i32
    %dma_wait3A_64 = tpu.memref_slice %arg2[%dma_wait3A_62, %dma_wait3A_63] : memref<100000x128xf32, #tpu.memory_space<hbm>> -> memref<100000x128xf32, #tpu.memory_space<hbm>>
    tpu.wait_indirect_dma semaphore(%arg22 : memref<!tpu.dma_semaphore, #tpu.memory_space<semaphore_mem>>) src(%dma_wait3A_64 : memref<100000x128xf32, #tpu.memory_space<hbm>>) dst(%arg16 : memref<32x128xf32, #tpu.memory_space<vmem>>)
    %dma_wait3A_65 = arith.constant 0 : i32
    %dma_wait3A_66 = arith.constant 0 : i32
    %dma_wait3A_67 = tpu.memref_slice %arg14[%dma_wait3A_65, %dma_wait3A_66] : memref<320x128xf32, #tpu.memory_space<vmem>> -> memref<128x128xf32, #tpu.memory_space<vmem>>
    %dma_wait3A_68 = arith.constant 0 : i32
    %dma_wait3A_69 = tpu.memref_slice %arg8[%dma_wait3A_68] : memref<320xi32, #tpu.memory_space<vmem>> -> memref<128xi32, #tpu.memory_space<vmem>>
    %dma_wait3A_70 = arith.constant 0 : i32
    %dma_wait3A_71 = arith.constant 0 : i32
    %dma_wait3A_72 = tpu.memref_slice %arg2[%dma_wait3A_70, %dma_wait3A_71] : memref<100000x128xf32, #tpu.memory_space<hbm>> -> memref<100000x128xf32, #tpu.memory_space<hbm>>
    tpu.wait_indirect_dma semaphore(%arg22 : memref<!tpu.dma_semaphore, #tpu.memory_space<semaphore_mem>>) src(%dma_wait3A_72 : memref<100000x128xf32, #tpu.memory_space<hbm>>) dst(%dma_wait3A_67 : memref<128x128xf32, #tpu.memory_space<vmem>>)
    %dma_wait3A_73 = arith.constant 128 : i32
    %dma_wait3A_74 = arith.constant 0 : i32
    %dma_wait3A_75 = tpu.memref_slice %arg14[%dma_wait3A_73, %dma_wait3A_74] : memref<320x128xf32, #tpu.memory_space<vmem>> -> memref<128x128xf32, #tpu.memory_space<vmem>>
    %dma_wait3A_76 = arith.constant 128 : i32
    %dma_wait3A_77 = tpu.memref_slice %arg8[%dma_wait3A_76] : memref<320xi32, #tpu.memory_space<vmem>> -> memref<128xi32, #tpu.memory_space<vmem>>
    %dma_wait3A_78 = arith.constant 0 : i32
    %dma_wait3A_79 = arith.constant 0 : i32
    %dma_wait3A_80 = tpu.memref_slice %arg2[%dma_wait3A_78, %dma_wait3A_79] : memref<100000x128xf32, #tpu.memory_space<hbm>> -> memref<100000x128xf32, #tpu.memory_space<hbm>>
    tpu.wait_indirect_dma semaphore(%arg22 : memref<!tpu.dma_semaphore, #tpu.memory_space<semaphore_mem>>) src(%dma_wait3A_80 : memref<100000x128xf32, #tpu.memory_space<hbm>>) dst(%dma_wait3A_75 : memref<128x128xf32, #tpu.memory_space<vmem>>)
    %dma_wait3A_81 = arith.constant 256 : i32
    %dma_wait3A_82 = arith.constant 0 : i32
    %dma_wait3A_83 = tpu.memref_slice %arg14[%dma_wait3A_81, %dma_wait3A_82] : memref<320x128xf32, #tpu.memory_space<vmem>> -> memref<64x128xf32, #tpu.memory_space<vmem>>
    %dma_wait3A_84 = arith.constant 256 : i32
    %dma_wait3A_85 = tpu.memref_slice %arg8[%dma_wait3A_84] : memref<320xi32, #tpu.memory_space<vmem>> -> memref<64xi32, #tpu.memory_space<vmem>>
    %dma_wait3A_86 = arith.constant 0 : i32
    %dma_wait3A_87 = arith.constant 0 : i32
    %dma_wait3A_88 = tpu.memref_slice %arg2[%dma_wait3A_86, %dma_wait3A_87] : memref<100000x128xf32, #tpu.memory_space<hbm>> -> memref<100000x128xf32, #tpu.memory_space<hbm>>
    tpu.wait_indirect_dma semaphore(%arg22 : memref<!tpu.dma_semaphore, #tpu.memory_space<semaphore_mem>>) src(%dma_wait3A_88 : memref<100000x128xf32, #tpu.memory_space<hbm>>) dst(%dma_wait3A_83 : memref<64x128xf32, #tpu.memory_space<vmem>>)
    "tpu.region"() ({
      %run_scoped3A = tpu.sem_alloc : memref<!tpu.dma_semaphore, #tpu.memory_space<semaphore_mem>>
      %dma_start3A_663 = arith.constant 0 : i32
      %dma_start3A_664 = tpu.memref_slice %arg19[%mul3A_4, %dma_start3A_663] : memref<2048x128xf32, #tpu.memory_space<vmem_shared>> -> memref<128x128xf32, #tpu.memory_space<vmem_shared>>
      %dma_start3A_665 = arith.constant 0 : i32
      %dma_start3A_666 = tpu.memref_slice %arg19[%mul3A_4, %dma_start3A_665] : memref<2048x128xf32, #tpu.memory_space<vmem_shared>> -> memref<128x128xf32, #tpu.memory_space<vmem_shared>>
      tpu.enqueue_dma source(%arg18 : memref<128x128xf32, #tpu.memory_space<vmem>>) target(%dma_start3A_666 : memref<128x128xf32, #tpu.memory_space<vmem_shared>>) target_semaphore(%run_scoped3A : memref<!tpu.dma_semaphore, #tpu.memory_space<semaphore_mem>>)
      %dma_wait3A_667 = arith.constant 0 : i32
      %dma_wait3A_668 = tpu.memref_slice %arg19[%mul3A_4, %dma_wait3A_667] : memref<2048x128xf32, #tpu.memory_space<vmem_shared>> -> memref<128x128xf32, #tpu.memory_space<vmem_shared>>
      %dma_wait3A_669 = arith.constant 0 : i32
      %dma_wait3A_670 = tpu.memref_slice %arg19[%mul3A_4, %dma_wait3A_669] : memref<2048x128xf32, #tpu.memory_space<vmem_shared>> -> memref<128x128xf32, #tpu.memory_space<vmem_shared>>
      tpu.wait_dma2 semaphore(%run_scoped3A : memref<!tpu.dma_semaphore, #tpu.memory_space<semaphore_mem>>) src(%arg18 : memref<128x128xf32, #tpu.memory_space<vmem>>) dst(%dma_wait3A_670 : memref<128x128xf32, #tpu.memory_space<vmem_shared>>)
      tpu.yield
    }) : () -> ()
    "tpu.region"() ({
      %run_scoped3A = tpu.sem_alloc : memref<!tpu.dma_semaphore, #tpu.memory_space<semaphore_mem>>
      %dma_start3A_663 = arith.constant 0 : i32
      %dma_start3A_664 = arith.constant 0 : i32
      %dma_start3A_665 = tpu.memref_slice %arg19[%dma_start3A_663, %dma_start3A_664] : memref<2048x128xf32, #tpu.memory_space<vmem_shared>> -> memref<2048x128xf32, #tpu.memory_space<vmem_shared>>
      tpu.enqueue_indirect_dma source(%arg14 : memref<320x128xf32, #tpu.memory_space<vmem>>) target(%dma_start3A_665 : memref<2048x128xf32, #tpu.memory_space<vmem_shared>>) offsets(%arg12 : memref<320xi32, #tpu.memory_space<vmem>>) semaphore(%run_scoped3A : memref<!tpu.dma_semaphore, #tpu.memory_space<semaphore_mem>>) {add = true}
      %dma_wait3A_666 = arith.constant 0 : i32
      %dma_wait3A_667 = arith.constant 0 : i32
      %dma_wait3A_668 = tpu.memref_slice %arg19[%dma_wait3A_666, %dma_wait3A_667] : memref<2048x128xf32, #tpu.memory_space<vmem_shared>> -> memref<2048x128xf32, #tpu.memory_space<vmem_shared>>
      tpu.wait_indirect_dma semaphore(%run_scoped3A : memref<!tpu.dma_semaphore, #tpu.memory_space<semaphore_mem>>) src(%arg14 : memref<320x128xf32, #tpu.memory_space<vmem>>) dst(%dma_wait3A_668 : memref<2048x128xf32, #tpu.memory_space<vmem_shared>>)
      tpu.yield
    }) : () -> ()
    %add3A_89 = arith.constant 64 : i32
    %add3A_90 = arith.addi %mul3A_2, %add3A_89 : i32
    %mul3A_91 = arith.constant 10 : i32
    %mul3A_92 = arith.muli %add3A_90, %mul3A_91 : i32
    %dma_start3A_93 = tpu.memref_slice %arg4[%mul3A_92] : memref<81920xi32, #tpu.memory_space<hbm>> -> memref<320xi32, #tpu.memory_space<hbm>>
    %dma_start3A_94 = tpu.memref_slice %arg4[%mul3A_92] : memref<81920xi32, #tpu.memory_space<hbm>> -> memref<320xi32, #tpu.memory_space<hbm>>
    tpu.enqueue_dma source(%dma_start3A_94 : memref<320xi32, #tpu.memory_space<hbm>>) target(%arg8 : memref<320xi32, #tpu.memory_space<vmem>>) target_semaphore(%arg20 : memref<!tpu.dma_semaphore, #tpu.memory_space<semaphore_mem>>)
    %dma_start3A_95 = tpu.memref_slice %arg3[%add3A_90] : memref<8192xi32, #tpu.memory_space<hbm>> -> memref<32xi32, #tpu.memory_space<hbm>>
    %dma_start3A_96 = tpu.memref_slice %arg3[%add3A_90] : memref<8192xi32, #tpu.memory_space<hbm>> -> memref<32xi32, #tpu.memory_space<hbm>>
    tpu.enqueue_dma source(%dma_start3A_96 : memref<32xi32, #tpu.memory_space<hbm>>) target(%arg10 : memref<32xi32, #tpu.memory_space<vmem>>) target_semaphore(%arg20 : memref<!tpu.dma_semaphore, #tpu.memory_space<semaphore_mem>>)
    %dma_start3A_97 = tpu.memref_slice %arg5[%mul3A_92] : memref<81920xi32, #tpu.memory_space<hbm>> -> memref<320xi32, #tpu.memory_space<hbm>>
    %dma_start3A_98 = tpu.memref_slice %arg5[%mul3A_92] : memref<81920xi32, #tpu.memory_space<hbm>> -> memref<320xi32, #tpu.memory_space<hbm>>
    tpu.enqueue_dma source(%dma_start3A_98 : memref<320xi32, #tpu.memory_space<hbm>>) target(%arg12 : memref<320xi32, #tpu.memory_space<vmem>>) target_semaphore(%arg20 : memref<!tpu.dma_semaphore, #tpu.memory_space<semaphore_mem>>)
    %dma_wait3A_99 = tpu.memref_slice %arg4[%mul3A_53] : memref<81920xi32, #tpu.memory_space<hbm>> -> memref<320xi32, #tpu.memory_space<hbm>>
    %dma_wait3A_100 = tpu.memref_slice %arg4[%mul3A_53] : memref<81920xi32, #tpu.memory_space<hbm>> -> memref<320xi32, #tpu.memory_space<hbm>>
    tpu.wait_dma2 semaphore(%arg21 : memref<!tpu.dma_semaphore, #tpu.memory_space<semaphore_mem>>) src(%dma_wait3A_100 : memref<320xi32, #tpu.memory_space<hbm>>) dst(%arg9 : memref<320xi32, #tpu.memory_space<vmem>>)
    %dma_wait3A_101 = tpu.memref_slice %arg3[%add3A_51] : memref<8192xi32, #tpu.memory_space<hbm>> -> memref<32xi32, #tpu.memory_space<hbm>>
    %dma_wait3A_102 = tpu.memref_slice %arg3[%add3A_51] : memref<8192xi32, #tpu.memory_space<hbm>> -> memref<32xi32, #tpu.memory_space<hbm>>
    tpu.wait_dma2 semaphore(%arg21 : memref<!tpu.dma_semaphore, #tpu.memory_space<semaphore_mem>>) src(%dma_wait3A_102 : memref<32xi32, #tpu.memory_space<hbm>>) dst(%arg11 : memref<32xi32, #tpu.memory_space<vmem>>)
    %dma_wait3A_103 = tpu.memref_slice %arg5[%mul3A_53] : memref<81920xi32, #tpu.memory_space<hbm>> -> memref<320xi32, #tpu.memory_space<hbm>>
    %dma_wait3A_104 = tpu.memref_slice %arg5[%mul3A_53] : memref<81920xi32, #tpu.memory_space<hbm>> -> memref<320xi32, #tpu.memory_space<hbm>>
    tpu.wait_dma2 semaphore(%arg21 : memref<!tpu.dma_semaphore, #tpu.memory_space<semaphore_mem>>) src(%dma_wait3A_104 : memref<320xi32, #tpu.memory_space<hbm>>) dst(%arg13 : memref<320xi32, #tpu.memory_space<vmem>>)
    %dma_start3A_105 = arith.constant 0 : i32
    %dma_start3A_106 = arith.constant 0 : i32
    %dma_start3A_107 = tpu.memref_slice %arg2[%dma_start3A_105, %dma_start3A_106] : memref<100000x128xf32, #tpu.memory_space<hbm>> -> memref<100000x128xf32, #tpu.memory_space<hbm>>
    tpu.enqueue_indirect_dma source(%dma_start3A_107 : memref<100000x128xf32, #tpu.memory_space<hbm>>) target(%arg17 : memref<32x128xf32, #tpu.memory_space<vmem>>) offsets(%arg11 : memref<32xi32, #tpu.memory_space<vmem>>) semaphore(%arg23 : memref<!tpu.dma_semaphore, #tpu.memory_space<semaphore_mem>>)
    %dma_start3A_108 = arith.constant 0 : i32
    %dma_start3A_109 = arith.constant 0 : i32
    %dma_start3A_110 = tpu.memref_slice %arg15[%dma_start3A_108, %dma_start3A_109] : memref<320x128xf32, #tpu.memory_space<vmem>> -> memref<128x128xf32, #tpu.memory_space<vmem>>
    %dma_start3A_111 = arith.constant 0 : i32
    %dma_start3A_112 = tpu.memref_slice %arg9[%dma_start3A_111] : memref<320xi32, #tpu.memory_space<vmem>> -> memref<128xi32, #tpu.memory_space<vmem>>
    %dma_start3A_113 = arith.constant 0 : i32
    %dma_start3A_114 = arith.constant 0 : i32
    %dma_start3A_115 = tpu.memref_slice %arg2[%dma_start3A_113, %dma_start3A_114] : memref<100000x128xf32, #tpu.memory_space<hbm>> -> memref<100000x128xf32, #tpu.memory_space<hbm>>
    tpu.enqueue_indirect_dma source(%dma_start3A_115 : memref<100000x128xf32, #tpu.memory_space<hbm>>) target(%dma_start3A_110 : memref<128x128xf32, #tpu.memory_space<vmem>>) offsets(%dma_start3A_112 : memref<128xi32, #tpu.memory_space<vmem>>) semaphore(%arg23 : memref<!tpu.dma_semaphore, #tpu.memory_space<semaphore_mem>>)
    %dma_start3A_116 = arith.constant 128 : i32
    %dma_start3A_117 = arith.constant 0 : i32
    %dma_start3A_118 = tpu.memref_slice %arg15[%dma_start3A_116, %dma_start3A_117] : memref<320x128xf32, #tpu.memory_space<vmem>> -> memref<128x128xf32, #tpu.memory_space<vmem>>
    %dma_start3A_119 = arith.constant 128 : i32
    %dma_start3A_120 = tpu.memref_slice %arg9[%dma_start3A_119] : memref<320xi32, #tpu.memory_space<vmem>> -> memref<128xi32, #tpu.memory_space<vmem>>
    %dma_start3A_121 = arith.constant 0 : i32
    %dma_start3A_122 = arith.constant 0 : i32
    %dma_start3A_123 = tpu.memref_slice %arg2[%dma_start3A_121, %dma_start3A_122] : memref<100000x128xf32, #tpu.memory_space<hbm>> -> memref<100000x128xf32, #tpu.memory_space<hbm>>
    tpu.enqueue_indirect_dma source(%dma_start3A_123 : memref<100000x128xf32, #tpu.memory_space<hbm>>) target(%dma_start3A_118 : memref<128x128xf32, #tpu.memory_space<vmem>>) offsets(%dma_start3A_120 : memref<128xi32, #tpu.memory_space<vmem>>) semaphore(%arg23 : memref<!tpu.dma_semaphore, #tpu.memory_space<semaphore_mem>>)
    %dma_start3A_124 = arith.constant 256 : i32
    %dma_start3A_125 = arith.constant 0 : i32
    %dma_start3A_126 = tpu.memref_slice %arg15[%dma_start3A_124, %dma_start3A_125] : memref<320x128xf32, #tpu.memory_space<vmem>> -> memref<64x128xf32, #tpu.memory_space<vmem>>
    %dma_start3A_127 = arith.constant 256 : i32
    %dma_start3A_128 = tpu.memref_slice %arg9[%dma_start3A_127] : memref<320xi32, #tpu.memory_space<vmem>> -> memref<64xi32, #tpu.memory_space<vmem>>
    %dma_start3A_129 = arith.constant 0 : i32
    %dma_start3A_130 = arith.constant 0 : i32
    %dma_start3A_131 = tpu.memref_slice %arg2[%dma_start3A_129, %dma_start3A_130] : memref<100000x128xf32, #tpu.memory_space<hbm>> -> memref<100000x128xf32, #tpu.memory_space<hbm>>
    tpu.enqueue_indirect_dma source(%dma_start3A_131 : memref<100000x128xf32, #tpu.memory_space<hbm>>) target(%dma_start3A_126 : memref<64x128xf32, #tpu.memory_space<vmem>>) offsets(%dma_start3A_128 : memref<64xi32, #tpu.memory_space<vmem>>) semaphore(%arg23 : memref<!tpu.dma_semaphore, #tpu.memory_space<semaphore_mem>>)
    %mul3A_132 = arith.constant 4 : i32
    %mul3A_133 = arith.muli %add3A_61, %mul3A_132 : i32
    %dma_start3A_134 = arith.constant 0 : i32
    %dma_start3A_135 = tpu.memref_slice %arg7[%mul3A_133, %dma_start3A_134] : memref<32768x128xf32, #tpu.memory_space<hbm>> -> memref<128x128xf32, #tpu.memory_space<hbm>>
    %dma_start3A_136 = arith.constant 0 : i32
    %dma_start3A_137 = tpu.memref_slice %arg19[%mul3A_4, %dma_start3A_136] : memref<2048x128xf32, #tpu.memory_space<vmem_shared>> -> memref<128x128xf32, #tpu.memory_space<vmem_shared>>
    tpu.enqueue_dma source(%dma_start3A_137 : memref<128x128xf32, #tpu.memory_space<vmem_shared>>) target(%dma_start3A_135 : memref<128x128xf32, #tpu.memory_space<hbm>>) target_semaphore(%arg24 : memref<!tpu.dma_semaphore, #tpu.memory_space<semaphore_mem>>)
    "tpu.region"() ({
      %run_scoped3A = tpu.sem_alloc : memref<!tpu.dma_semaphore, #tpu.memory_space<semaphore_mem>>
      %dma_start3A_663 = arith.constant 0 : i32
      %dma_start3A_664 = tpu.memref_slice %arg6[%add3A_61, %dma_start3A_663] : memref<8192x128xf32, #tpu.memory_space<hbm>> -> memref<32x128xf32, #tpu.memory_space<hbm>>
      %dma_start3A_665 = arith.constant 0 : i32
      %dma_start3A_666 = tpu.memref_slice %arg6[%add3A_61, %dma_start3A_665] : memref<8192x128xf32, #tpu.memory_space<hbm>> -> memref<32x128xf32, #tpu.memory_space<hbm>>
      tpu.enqueue_dma source(%arg16 : memref<32x128xf32, #tpu.memory_space<vmem>>) target(%dma_start3A_666 : memref<32x128xf32, #tpu.memory_space<hbm>>) target_semaphore(%run_scoped3A : memref<!tpu.dma_semaphore, #tpu.memory_space<semaphore_mem>>)
      %dma_wait3A_667 = arith.constant 0 : i32
      %dma_wait3A_668 = tpu.memref_slice %arg6[%add3A_61, %dma_wait3A_667] : memref<8192x128xf32, #tpu.memory_space<hbm>> -> memref<32x128xf32, #tpu.memory_space<hbm>>
      %dma_wait3A_669 = arith.constant 0 : i32
      %dma_wait3A_670 = tpu.memref_slice %arg6[%add3A_61, %dma_wait3A_669] : memref<8192x128xf32, #tpu.memory_space<hbm>> -> memref<32x128xf32, #tpu.memory_space<hbm>>
      tpu.wait_dma2 semaphore(%run_scoped3A : memref<!tpu.dma_semaphore, #tpu.memory_space<semaphore_mem>>) src(%arg16 : memref<32x128xf32, #tpu.memory_space<vmem>>) dst(%dma_wait3A_670 : memref<32x128xf32, #tpu.memory_space<hbm>>)
      tpu.yield
    }) : () -> ()
    %add3A_138 = arith.constant 32 : i32
    %add3A_139 = arith.addi %mul3A_2, %add3A_138 : i32
    %dma_wait3A_140 = arith.constant 0 : i32
    %dma_wait3A_141 = arith.constant 0 : i32
    %dma_wait3A_142 = tpu.memref_slice %arg2[%dma_wait3A_140, %dma_wait3A_141] : memref<100000x128xf32, #tpu.memory_space<hbm>> -> memref<100000x128xf32, #tpu.memory_space<hbm>>
    tpu.wait_indirect_dma semaphore(%arg23 : memref<!tpu.dma_semaphore, #tpu.memory_space<semaphore_mem>>) src(%dma_wait3A_142 : memref<100000x128xf32, #tpu.memory_space<hbm>>) dst(%arg17 : memref<32x128xf32, #tpu.memory_space<vmem>>)
    %dma_wait3A_143 = arith.constant 0 : i32
    %dma_wait3A_144 = arith.constant 0 : i32
    %dma_wait3A_145 = tpu.memref_slice %arg15[%dma_wait3A_143, %dma_wait3A_144] : memref<320x128xf32, #tpu.memory_space<vmem>> -> memref<128x128xf32, #tpu.memory_space<vmem>>
    %dma_wait3A_146 = arith.constant 0 : i32
    %dma_wait3A_147 = tpu.memref_slice %arg9[%dma_wait3A_146] : memref<320xi32, #tpu.memory_space<vmem>> -> memref<128xi32, #tpu.memory_space<vmem>>
    %dma_wait3A_148 = arith.constant 0 : i32
    %dma_wait3A_149 = arith.constant 0 : i32
    %dma_wait3A_150 = tpu.memref_slice %arg2[%dma_wait3A_148, %dma_wait3A_149] : memref<100000x128xf32, #tpu.memory_space<hbm>> -> memref<100000x128xf32, #tpu.memory_space<hbm>>
    tpu.wait_indirect_dma semaphore(%arg23 : memref<!tpu.dma_semaphore, #tpu.memory_space<semaphore_mem>>) src(%dma_wait3A_150 : memref<100000x128xf32, #tpu.memory_space<hbm>>) dst(%dma_wait3A_145 : memref<128x128xf32, #tpu.memory_space<vmem>>)
    %dma_wait3A_151 = arith.constant 128 : i32
    %dma_wait3A_152 = arith.constant 0 : i32
    %dma_wait3A_153 = tpu.memref_slice %arg15[%dma_wait3A_151, %dma_wait3A_152] : memref<320x128xf32, #tpu.memory_space<vmem>> -> memref<128x128xf32, #tpu.memory_space<vmem>>
    %dma_wait3A_154 = arith.constant 128 : i32
    %dma_wait3A_155 = tpu.memref_slice %arg9[%dma_wait3A_154] : memref<320xi32, #tpu.memory_space<vmem>> -> memref<128xi32, #tpu.memory_space<vmem>>
    %dma_wait3A_156 = arith.constant 0 : i32
    %dma_wait3A_157 = arith.constant 0 : i32
    %dma_wait3A_158 = tpu.memref_slice %arg2[%dma_wait3A_156, %dma_wait3A_157] : memref<100000x128xf32, #tpu.memory_space<hbm>> -> memref<100000x128xf32, #tpu.memory_space<hbm>>
    tpu.wait_indirect_dma semaphore(%arg23 : memref<!tpu.dma_semaphore, #tpu.memory_space<semaphore_mem>>) src(%dma_wait3A_158 : memref<100000x128xf32, #tpu.memory_space<hbm>>) dst(%dma_wait3A_153 : memref<128x128xf32, #tpu.memory_space<vmem>>)
    %dma_wait3A_159 = arith.constant 256 : i32
    %dma_wait3A_160 = arith.constant 0 : i32
    %dma_wait3A_161 = tpu.memref_slice %arg15[%dma_wait3A_159, %dma_wait3A_160] : memref<320x128xf32, #tpu.memory_space<vmem>> -> memref<64x128xf32, #tpu.memory_space<vmem>>
    %dma_wait3A_162 = arith.constant 256 : i32
    %dma_wait3A_163 = tpu.memref_slice %arg9[%dma_wait3A_162] : memref<320xi32, #tpu.memory_space<vmem>> -> memref<64xi32, #tpu.memory_space<vmem>>
    %dma_wait3A_164 = arith.constant 0 : i32
    %dma_wait3A_165 = arith.constant 0 : i32
    %dma_wait3A_166 = tpu.memref_slice %arg2[%dma_wait3A_164, %dma_wait3A_165] : memref<100000x128xf32, #tpu.memory_space<hbm>> -> memref<100000x128xf32, #tpu.memory_space<hbm>>
    tpu.wait_indirect_dma semaphore(%arg23 : memref<!tpu.dma_semaphore, #tpu.memory_space<semaphore_mem>>) src(%dma_wait3A_166 : memref<100000x128xf32, #tpu.memory_space<hbm>>) dst(%dma_wait3A_161 : memref<64x128xf32, #tpu.memory_space<vmem>>)
    %dma_wait3A_167 = arith.constant 0 : i32
    %dma_wait3A_168 = tpu.memref_slice %arg7[%mul3A_133, %dma_wait3A_167] : memref<32768x128xf32, #tpu.memory_space<hbm>> -> memref<128x128xf32, #tpu.memory_space<hbm>>
    %dma_wait3A_169 = arith.constant 0 : i32
    %dma_wait3A_170 = tpu.memref_slice %arg19[%mul3A_4, %dma_wait3A_169] : memref<2048x128xf32, #tpu.memory_space<vmem_shared>> -> memref<128x128xf32, #tpu.memory_space<vmem_shared>>
    tpu.wait_dma2 semaphore(%arg24 : memref<!tpu.dma_semaphore, #tpu.memory_space<semaphore_mem>>) src(%dma_wait3A_170 : memref<128x128xf32, #tpu.memory_space<vmem_shared>>) dst(%dma_wait3A_168 : memref<128x128xf32, #tpu.memory_space<hbm>>)
    "tpu.region"() ({
      %run_scoped3A = tpu.sem_alloc : memref<!tpu.dma_semaphore, #tpu.memory_space<semaphore_mem>>
      %dma_start3A_663 = arith.constant 0 : i32
      %dma_start3A_664 = tpu.memref_slice %arg19[%mul3A_4, %dma_start3A_663] : memref<2048x128xf32, #tpu.memory_space<vmem_shared>> -> memref<128x128xf32, #tpu.memory_space<vmem_shared>>
      %dma_start3A_665 = arith.constant 0 : i32
      %dma_start3A_666 = tpu.memref_slice %arg19[%mul3A_4, %dma_start3A_665] : memref<2048x128xf32, #tpu.memory_space<vmem_shared>> -> memref<128x128xf32, #tpu.memory_space<vmem_shared>>
      tpu.enqueue_dma source(%arg18 : memref<128x128xf32, #tpu.memory_space<vmem>>) target(%dma_start3A_666 : memref<128x128xf32, #tpu.memory_space<vmem_shared>>) target_semaphore(%run_scoped3A : memref<!tpu.dma_semaphore, #tpu.memory_space<semaphore_mem>>)
      %dma_wait3A_667 = arith.constant 0 : i32
      %dma_wait3A_668 = tpu.memref_slice %arg19[%mul3A_4, %dma_wait3A_667] : memref<2048x128xf32, #tpu.memory_space<vmem_shared>> -> memref<128x128xf32, #tpu.memory_space<vmem_shared>>
      %dma_wait3A_669 = arith.constant 0 : i32
      %dma_wait3A_670 = tpu.memref_slice %arg19[%mul3A_4, %dma_wait3A_669] : memref<2048x128xf32, #tpu.memory_space<vmem_shared>> -> memref<128x128xf32, #tpu.memory_space<vmem_shared>>
      tpu.wait_dma2 semaphore(%run_scoped3A : memref<!tpu.dma_semaphore, #tpu.memory_space<semaphore_mem>>) src(%arg18 : memref<128x128xf32, #tpu.memory_space<vmem>>) dst(%dma_wait3A_670 : memref<128x128xf32, #tpu.memory_space<vmem_shared>>)
      tpu.yield
    }) : () -> ()
    "tpu.region"() ({
      %run_scoped3A = tpu.sem_alloc : memref<!tpu.dma_semaphore, #tpu.memory_space<semaphore_mem>>
      %dma_start3A_663 = arith.constant 0 : i32
      %dma_start3A_664 = arith.constant 0 : i32
      %dma_start3A_665 = tpu.memref_slice %arg19[%dma_start3A_663, %dma_start3A_664] : memref<2048x128xf32, #tpu.memory_space<vmem_shared>> -> memref<2048x128xf32, #tpu.memory_space<vmem_shared>>
      tpu.enqueue_indirect_dma source(%arg15 : memref<320x128xf32, #tpu.memory_space<vmem>>) target(%dma_start3A_665 : memref<2048x128xf32, #tpu.memory_space<vmem_shared>>) offsets(%arg13 : memref<320xi32, #tpu.memory_space<vmem>>) semaphore(%run_scoped3A : memref<!tpu.dma_semaphore, #tpu.memory_space<semaphore_mem>>) {add = true}
      %dma_wait3A_666 = arith.constant 0 : i32
      %dma_wait3A_667 = arith.constant 0 : i32
      %dma_wait3A_668 = tpu.memref_slice %arg19[%dma_wait3A_666, %dma_wait3A_667] : memref<2048x128xf32, #tpu.memory_space<vmem_shared>> -> memref<2048x128xf32, #tpu.memory_space<vmem_shared>>
      tpu.wait_indirect_dma semaphore(%run_scoped3A : memref<!tpu.dma_semaphore, #tpu.memory_space<semaphore_mem>>) src(%arg15 : memref<320x128xf32, #tpu.memory_space<vmem>>) dst(%dma_wait3A_668 : memref<2048x128xf32, #tpu.memory_space<vmem_shared>>)
      tpu.yield
    }) : () -> ()
    %add3A_171 = arith.constant 96 : i32
    %add3A_172 = arith.addi %mul3A_2, %add3A_171 : i32
    %mul3A_173 = arith.constant 10 : i32
    %mul3A_174 = arith.muli %add3A_172, %mul3A_173 : i32
    %dma_start3A_175 = tpu.memref_slice %arg4[%mul3A_174] : memref<81920xi32, #tpu.memory_space<hbm>> -> memref<320xi32, #tpu.memory_space<hbm>>
    %dma_start3A_176 = tpu.memref_slice %arg4[%mul3A_174] : memref<81920xi32, #tpu.memory_space<hbm>> -> memref<320xi32, #tpu.memory_space<hbm>>
    tpu.enqueue_dma source(%dma_start3A_176 : memref<320xi32, #tpu.memory_space<hbm>>) target(%arg9 : memref<320xi32, #tpu.memory_space<vmem>>) target_semaphore(%arg21 : memref<!tpu.dma_semaphore, #tpu.memory_space<semaphore_mem>>)
    %dma_start3A_177 = tpu.memref_slice %arg3[%add3A_172] : memref<8192xi32, #tpu.memory_space<hbm>> -> memref<32xi32, #tpu.memory_space<hbm>>
    %dma_start3A_178 = tpu.memref_slice %arg3[%add3A_172] : memref<8192xi32, #tpu.memory_space<hbm>> -> memref<32xi32, #tpu.memory_space<hbm>>
    tpu.enqueue_dma source(%dma_start3A_178 : memref<32xi32, #tpu.memory_space<hbm>>) target(%arg11 : memref<32xi32, #tpu.memory_space<vmem>>) target_semaphore(%arg21 : memref<!tpu.dma_semaphore, #tpu.memory_space<semaphore_mem>>)
    %dma_start3A_179 = tpu.memref_slice %arg5[%mul3A_174] : memref<81920xi32, #tpu.memory_space<hbm>> -> memref<320xi32, #tpu.memory_space<hbm>>
    %dma_start3A_180 = tpu.memref_slice %arg5[%mul3A_174] : memref<81920xi32, #tpu.memory_space<hbm>> -> memref<320xi32, #tpu.memory_space<hbm>>
    tpu.enqueue_dma source(%dma_start3A_180 : memref<320xi32, #tpu.memory_space<hbm>>) target(%arg13 : memref<320xi32, #tpu.memory_space<vmem>>) target_semaphore(%arg21 : memref<!tpu.dma_semaphore, #tpu.memory_space<semaphore_mem>>)
    %dma_wait3A_181 = tpu.memref_slice %arg4[%mul3A_92] : memref<81920xi32, #tpu.memory_space<hbm>> -> memref<320xi32, #tpu.memory_space<hbm>>
    %dma_wait3A_182 = tpu.memref_slice %arg4[%mul3A_92] : memref<81920xi32, #tpu.memory_space<hbm>> -> memref<320xi32, #tpu.memory_space<hbm>>
    tpu.wait_dma2 semaphore(%arg20 : memref<!tpu.dma_semaphore, #tpu.memory_space<semaphore_mem>>) src(%dma_wait3A_182 : memref<320xi32, #tpu.memory_space<hbm>>) dst(%arg8 : memref<320xi32, #tpu.memory_space<vmem>>)
    %dma_wait3A_183 = tpu.memref_slice %arg3[%add3A_90] : memref<8192xi32, #tpu.memory_space<hbm>> -> memref<32xi32, #tpu.memory_space<hbm>>
    %dma_wait3A_184 = tpu.memref_slice %arg3[%add3A_90] : memref<8192xi32, #tpu.memory_space<hbm>> -> memref<32xi32, #tpu.memory_space<hbm>>
    tpu.wait_dma2 semaphore(%arg20 : memref<!tpu.dma_semaphore, #tpu.memory_space<semaphore_mem>>) src(%dma_wait3A_184 : memref<32xi32, #tpu.memory_space<hbm>>) dst(%arg10 : memref<32xi32, #tpu.memory_space<vmem>>)
    %dma_wait3A_185 = tpu.memref_slice %arg5[%mul3A_92] : memref<81920xi32, #tpu.memory_space<hbm>> -> memref<320xi32, #tpu.memory_space<hbm>>
    %dma_wait3A_186 = tpu.memref_slice %arg5[%mul3A_92] : memref<81920xi32, #tpu.memory_space<hbm>> -> memref<320xi32, #tpu.memory_space<hbm>>
    tpu.wait_dma2 semaphore(%arg20 : memref<!tpu.dma_semaphore, #tpu.memory_space<semaphore_mem>>) src(%dma_wait3A_186 : memref<320xi32, #tpu.memory_space<hbm>>) dst(%arg12 : memref<320xi32, #tpu.memory_space<vmem>>)
    %dma_start3A_187 = arith.constant 0 : i32
    %dma_start3A_188 = arith.constant 0 : i32
    %dma_start3A_189 = tpu.memref_slice %arg2[%dma_start3A_187, %dma_start3A_188] : memref<100000x128xf32, #tpu.memory_space<hbm>> -> memref<100000x128xf32, #tpu.memory_space<hbm>>
    tpu.enqueue_indirect_dma source(%dma_start3A_189 : memref<100000x128xf32, #tpu.memory_space<hbm>>) target(%arg16 : memref<32x128xf32, #tpu.memory_space<vmem>>) offsets(%arg10 : memref<32xi32, #tpu.memory_space<vmem>>) semaphore(%arg22 : memref<!tpu.dma_semaphore, #tpu.memory_space<semaphore_mem>>)
    %dma_start3A_190 = arith.constant 0 : i32
    %dma_start3A_191 = arith.constant 0 : i32
    %dma_start3A_192 = tpu.memref_slice %arg14[%dma_start3A_190, %dma_start3A_191] : memref<320x128xf32, #tpu.memory_space<vmem>> -> memref<128x128xf32, #tpu.memory_space<vmem>>
    %dma_start3A_193 = arith.constant 0 : i32
    %dma_start3A_194 = tpu.memref_slice %arg8[%dma_start3A_193] : memref<320xi32, #tpu.memory_space<vmem>> -> memref<128xi32, #tpu.memory_space<vmem>>
    %dma_start3A_195 = arith.constant 0 : i32
    %dma_start3A_196 = arith.constant 0 : i32
    %dma_start3A_197 = tpu.memref_slice %arg2[%dma_start3A_195, %dma_start3A_196] : memref<100000x128xf32, #tpu.memory_space<hbm>> -> memref<100000x128xf32, #tpu.memory_space<hbm>>
    tpu.enqueue_indirect_dma source(%dma_start3A_197 : memref<100000x128xf32, #tpu.memory_space<hbm>>) target(%dma_start3A_192 : memref<128x128xf32, #tpu.memory_space<vmem>>) offsets(%dma_start3A_194 : memref<128xi32, #tpu.memory_space<vmem>>) semaphore(%arg22 : memref<!tpu.dma_semaphore, #tpu.memory_space<semaphore_mem>>)
    %dma_start3A_198 = arith.constant 128 : i32
    %dma_start3A_199 = arith.constant 0 : i32
    %dma_start3A_200 = tpu.memref_slice %arg14[%dma_start3A_198, %dma_start3A_199] : memref<320x128xf32, #tpu.memory_space<vmem>> -> memref<128x128xf32, #tpu.memory_space<vmem>>
    %dma_start3A_201 = arith.constant 128 : i32
    %dma_start3A_202 = tpu.memref_slice %arg8[%dma_start3A_201] : memref<320xi32, #tpu.memory_space<vmem>> -> memref<128xi32, #tpu.memory_space<vmem>>
    %dma_start3A_203 = arith.constant 0 : i32
    %dma_start3A_204 = arith.constant 0 : i32
    %dma_start3A_205 = tpu.memref_slice %arg2[%dma_start3A_203, %dma_start3A_204] : memref<100000x128xf32, #tpu.memory_space<hbm>> -> memref<100000x128xf32, #tpu.memory_space<hbm>>
    tpu.enqueue_indirect_dma source(%dma_start3A_205 : memref<100000x128xf32, #tpu.memory_space<hbm>>) target(%dma_start3A_200 : memref<128x128xf32, #tpu.memory_space<vmem>>) offsets(%dma_start3A_202 : memref<128xi32, #tpu.memory_space<vmem>>) semaphore(%arg22 : memref<!tpu.dma_semaphore, #tpu.memory_space<semaphore_mem>>)
    %dma_start3A_206 = arith.constant 256 : i32
    %dma_start3A_207 = arith.constant 0 : i32
    %dma_start3A_208 = tpu.memref_slice %arg14[%dma_start3A_206, %dma_start3A_207] : memref<320x128xf32, #tpu.memory_space<vmem>> -> memref<64x128xf32, #tpu.memory_space<vmem>>
    %dma_start3A_209 = arith.constant 256 : i32
    %dma_start3A_210 = tpu.memref_slice %arg8[%dma_start3A_209] : memref<320xi32, #tpu.memory_space<vmem>> -> memref<64xi32, #tpu.memory_space<vmem>>
    %dma_start3A_211 = arith.constant 0 : i32
    %dma_start3A_212 = arith.constant 0 : i32
    %dma_start3A_213 = tpu.memref_slice %arg2[%dma_start3A_211, %dma_start3A_212] : memref<100000x128xf32, #tpu.memory_space<hbm>> -> memref<100000x128xf32, #tpu.memory_space<hbm>>
    tpu.enqueue_indirect_dma source(%dma_start3A_213 : memref<100000x128xf32, #tpu.memory_space<hbm>>) target(%dma_start3A_208 : memref<64x128xf32, #tpu.memory_space<vmem>>) offsets(%dma_start3A_210 : memref<64xi32, #tpu.memory_space<vmem>>) semaphore(%arg22 : memref<!tpu.dma_semaphore, #tpu.memory_space<semaphore_mem>>)
    %mul3A_214 = arith.constant 4 : i32
    %mul3A_215 = arith.muli %add3A_139, %mul3A_214 : i32
    %dma_start3A_216 = arith.constant 0 : i32
    %dma_start3A_217 = tpu.memref_slice %arg7[%mul3A_215, %dma_start3A_216] : memref<32768x128xf32, #tpu.memory_space<hbm>> -> memref<128x128xf32, #tpu.memory_space<hbm>>
    %dma_start3A_218 = arith.constant 0 : i32
    %dma_start3A_219 = tpu.memref_slice %arg19[%mul3A_4, %dma_start3A_218] : memref<2048x128xf32, #tpu.memory_space<vmem_shared>> -> memref<128x128xf32, #tpu.memory_space<vmem_shared>>
    tpu.enqueue_dma source(%dma_start3A_219 : memref<128x128xf32, #tpu.memory_space<vmem_shared>>) target(%dma_start3A_217 : memref<128x128xf32, #tpu.memory_space<hbm>>) target_semaphore(%arg24 : memref<!tpu.dma_semaphore, #tpu.memory_space<semaphore_mem>>)
    "tpu.region"() ({
      %run_scoped3A = tpu.sem_alloc : memref<!tpu.dma_semaphore, #tpu.memory_space<semaphore_mem>>
      %dma_start3A_663 = arith.constant 0 : i32
      %dma_start3A_664 = tpu.memref_slice %arg6[%add3A_139, %dma_start3A_663] : memref<8192x128xf32, #tpu.memory_space<hbm>> -> memref<32x128xf32, #tpu.memory_space<hbm>>
      %dma_start3A_665 = arith.constant 0 : i32
      %dma_start3A_666 = tpu.memref_slice %arg6[%add3A_139, %dma_start3A_665] : memref<8192x128xf32, #tpu.memory_space<hbm>> -> memref<32x128xf32, #tpu.memory_space<hbm>>
      tpu.enqueue_dma source(%arg17 : memref<32x128xf32, #tpu.memory_space<vmem>>) target(%dma_start3A_666 : memref<32x128xf32, #tpu.memory_space<hbm>>) target_semaphore(%run_scoped3A : memref<!tpu.dma_semaphore, #tpu.memory_space<semaphore_mem>>)
      %dma_wait3A_667 = arith.constant 0 : i32
      %dma_wait3A_668 = tpu.memref_slice %arg6[%add3A_139, %dma_wait3A_667] : memref<8192x128xf32, #tpu.memory_space<hbm>> -> memref<32x128xf32, #tpu.memory_space<hbm>>
      %dma_wait3A_669 = arith.constant 0 : i32
      %dma_wait3A_670 = tpu.memref_slice %arg6[%add3A_139, %dma_wait3A_669] : memref<8192x128xf32, #tpu.memory_space<hbm>> -> memref<32x128xf32, #tpu.memory_space<hbm>>
      tpu.wait_dma2 semaphore(%run_scoped3A : memref<!tpu.dma_semaphore, #tpu.memory_space<semaphore_mem>>) src(%arg17 : memref<32x128xf32, #tpu.memory_space<vmem>>) dst(%dma_wait3A_670 : memref<32x128xf32, #tpu.memory_space<hbm>>)
      tpu.yield
    }) : () -> ()
    %add3A_220 = arith.constant 64 : i32
    %add3A_221 = arith.addi %mul3A_2, %add3A_220 : i32
    %dma_wait3A_222 = arith.constant 0 : i32
    %dma_wait3A_223 = arith.constant 0 : i32
    %dma_wait3A_224 = tpu.memref_slice %arg2[%dma_wait3A_222, %dma_wait3A_223] : memref<100000x128xf32, #tpu.memory_space<hbm>> -> memref<100000x128xf32, #tpu.memory_space<hbm>>
    tpu.wait_indirect_dma semaphore(%arg22 : memref<!tpu.dma_semaphore, #tpu.memory_space<semaphore_mem>>) src(%dma_wait3A_224 : memref<100000x128xf32, #tpu.memory_space<hbm>>) dst(%arg16 : memref<32x128xf32, #tpu.memory_space<vmem>>)
    %dma_wait3A_225 = arith.constant 0 : i32
    %dma_wait3A_226 = arith.constant 0 : i32
    %dma_wait3A_227 = tpu.memref_slice %arg14[%dma_wait3A_225, %dma_wait3A_226] : memref<320x128xf32, #tpu.memory_space<vmem>> -> memref<128x128xf32, #tpu.memory_space<vmem>>
    %dma_wait3A_228 = arith.constant 0 : i32
    %dma_wait3A_229 = tpu.memref_slice %arg8[%dma_wait3A_228] : memref<320xi32, #tpu.memory_space<vmem>> -> memref<128xi32, #tpu.memory_space<vmem>>
    %dma_wait3A_230 = arith.constant 0 : i32
    %dma_wait3A_231 = arith.constant 0 : i32
    %dma_wait3A_232 = tpu.memref_slice %arg2[%dma_wait3A_230, %dma_wait3A_231] : memref<100000x128xf32, #tpu.memory_space<hbm>> -> memref<100000x128xf32, #tpu.memory_space<hbm>>
    tpu.wait_indirect_dma semaphore(%arg22 : memref<!tpu.dma_semaphore, #tpu.memory_space<semaphore_mem>>) src(%dma_wait3A_232 : memref<100000x128xf32, #tpu.memory_space<hbm>>) dst(%dma_wait3A_227 : memref<128x128xf32, #tpu.memory_space<vmem>>)
    %dma_wait3A_233 = arith.constant 128 : i32
    %dma_wait3A_234 = arith.constant 0 : i32
    %dma_wait3A_235 = tpu.memref_slice %arg14[%dma_wait3A_233, %dma_wait3A_234] : memref<320x128xf32, #tpu.memory_space<vmem>> -> memref<128x128xf32, #tpu.memory_space<vmem>>
    %dma_wait3A_236 = arith.constant 128 : i32
    %dma_wait3A_237 = tpu.memref_slice %arg8[%dma_wait3A_236] : memref<320xi32, #tpu.memory_space<vmem>> -> memref<128xi32, #tpu.memory_space<vmem>>
    %dma_wait3A_238 = arith.constant 0 : i32
    %dma_wait3A_239 = arith.constant 0 : i32
    %dma_wait3A_240 = tpu.memref_slice %arg2[%dma_wait3A_238, %dma_wait3A_239] : memref<100000x128xf32, #tpu.memory_space<hbm>> -> memref<100000x128xf32, #tpu.memory_space<hbm>>
    tpu.wait_indirect_dma semaphore(%arg22 : memref<!tpu.dma_semaphore, #tpu.memory_space<semaphore_mem>>) src(%dma_wait3A_240 : memref<100000x128xf32, #tpu.memory_space<hbm>>) dst(%dma_wait3A_235 : memref<128x128xf32, #tpu.memory_space<vmem>>)
    %dma_wait3A_241 = arith.constant 256 : i32
    %dma_wait3A_242 = arith.constant 0 : i32
    %dma_wait3A_243 = tpu.memref_slice %arg14[%dma_wait3A_241, %dma_wait3A_242] : memref<320x128xf32, #tpu.memory_space<vmem>> -> memref<64x128xf32, #tpu.memory_space<vmem>>
    %dma_wait3A_244 = arith.constant 256 : i32
    %dma_wait3A_245 = tpu.memref_slice %arg8[%dma_wait3A_244] : memref<320xi32, #tpu.memory_space<vmem>> -> memref<64xi32, #tpu.memory_space<vmem>>
    %dma_wait3A_246 = arith.constant 0 : i32
    %dma_wait3A_247 = arith.constant 0 : i32
    %dma_wait3A_248 = tpu.memref_slice %arg2[%dma_wait3A_246, %dma_wait3A_247] : memref<100000x128xf32, #tpu.memory_space<hbm>> -> memref<100000x128xf32, #tpu.memory_space<hbm>>
    tpu.wait_indirect_dma semaphore(%arg22 : memref<!tpu.dma_semaphore, #tpu.memory_space<semaphore_mem>>) src(%dma_wait3A_248 : memref<100000x128xf32, #tpu.memory_space<hbm>>) dst(%dma_wait3A_243 : memref<64x128xf32, #tpu.memory_space<vmem>>)
    %dma_wait3A_249 = arith.constant 0 : i32
    %dma_wait3A_250 = tpu.memref_slice %arg7[%mul3A_215, %dma_wait3A_249] : memref<32768x128xf32, #tpu.memory_space<hbm>> -> memref<128x128xf32, #tpu.memory_space<hbm>>
    %dma_wait3A_251 = arith.constant 0 : i32
    %dma_wait3A_252 = tpu.memref_slice %arg19[%mul3A_4, %dma_wait3A_251] : memref<2048x128xf32, #tpu.memory_space<vmem_shared>> -> memref<128x128xf32, #tpu.memory_space<vmem_shared>>
    tpu.wait_dma2 semaphore(%arg24 : memref<!tpu.dma_semaphore, #tpu.memory_space<semaphore_mem>>) src(%dma_wait3A_252 : memref<128x128xf32, #tpu.memory_space<vmem_shared>>) dst(%dma_wait3A_250 : memref<128x128xf32, #tpu.memory_space<hbm>>)
    "tpu.region"() ({
      %run_scoped3A = tpu.sem_alloc : memref<!tpu.dma_semaphore, #tpu.memory_space<semaphore_mem>>
      %dma_start3A_663 = arith.constant 0 : i32
      %dma_start3A_664 = tpu.memref_slice %arg19[%mul3A_4, %dma_start3A_663] : memref<2048x128xf32, #tpu.memory_space<vmem_shared>> -> memref<128x128xf32, #tpu.memory_space<vmem_shared>>
      %dma_start3A_665 = arith.constant 0 : i32
      %dma_start3A_666 = tpu.memref_slice %arg19[%mul3A_4, %dma_start3A_665] : memref<2048x128xf32, #tpu.memory_space<vmem_shared>> -> memref<128x128xf32, #tpu.memory_space<vmem_shared>>
      tpu.enqueue_dma source(%arg18 : memref<128x128xf32, #tpu.memory_space<vmem>>) target(%dma_start3A_666 : memref<128x128xf32, #tpu.memory_space<vmem_shared>>) target_semaphore(%run_scoped3A : memref<!tpu.dma_semaphore, #tpu.memory_space<semaphore_mem>>)
      %dma_wait3A_667 = arith.constant 0 : i32
      %dma_wait3A_668 = tpu.memref_slice %arg19[%mul3A_4, %dma_wait3A_667] : memref<2048x128xf32, #tpu.memory_space<vmem_shared>> -> memref<128x128xf32, #tpu.memory_space<vmem_shared>>
      %dma_wait3A_669 = arith.constant 0 : i32
      %dma_wait3A_670 = tpu.memref_slice %arg19[%mul3A_4, %dma_wait3A_669] : memref<2048x128xf32, #tpu.memory_space<vmem_shared>> -> memref<128x128xf32, #tpu.memory_space<vmem_shared>>
      tpu.wait_dma2 semaphore(%run_scoped3A : memref<!tpu.dma_semaphore, #tpu.memory_space<semaphore_mem>>) src(%arg18 : memref<128x128xf32, #tpu.memory_space<vmem>>) dst(%dma_wait3A_670 : memref<128x128xf32, #tpu.memory_space<vmem_shared>>)
      tpu.yield
    }) : () -> ()
    "tpu.region"() ({
      %run_scoped3A = tpu.sem_alloc : memref<!tpu.dma_semaphore, #tpu.memory_space<semaphore_mem>>
      %dma_start3A_663 = arith.constant 0 : i32
      %dma_start3A_664 = arith.constant 0 : i32
      %dma_start3A_665 = tpu.memref_slice %arg19[%dma_start3A_663, %dma_start3A_664] : memref<2048x128xf32, #tpu.memory_space<vmem_shared>> -> memref<2048x128xf32, #tpu.memory_space<vmem_shared>>
      tpu.enqueue_indirect_dma source(%arg14 : memref<320x128xf32, #tpu.memory_space<vmem>>) target(%dma_start3A_665 : memref<2048x128xf32, #tpu.memory_space<vmem_shared>>) offsets(%arg12 : memref<320xi32, #tpu.memory_space<vmem>>) semaphore(%run_scoped3A : memref<!tpu.dma_semaphore, #tpu.memory_space<semaphore_mem>>) {add = true}
      %dma_wait3A_666 = arith.constant 0 : i32
      %dma_wait3A_667 = arith.constant 0 : i32
      %dma_wait3A_668 = tpu.memref_slice %arg19[%dma_wait3A_666, %dma_wait3A_667] : memref<2048x128xf32, #tpu.memory_space<vmem_shared>> -> memref<2048x128xf32, #tpu.memory_space<vmem_shared>>
      tpu.wait_indirect_dma semaphore(%run_scoped3A : memref<!tpu.dma_semaphore, #tpu.memory_space<semaphore_mem>>) src(%arg14 : memref<320x128xf32, #tpu.memory_space<vmem>>) dst(%dma_wait3A_668 : memref<2048x128xf32, #tpu.memory_space<vmem_shared>>)
      tpu.yield
    }) : () -> ()
    %add3A_253 = arith.constant 128 : i32
    %add3A_254 = arith.addi %mul3A_2, %add3A_253 : i32
    %mul3A_255 = arith.constant 10 : i32
    %mul3A_256 = arith.muli %add3A_254, %mul3A_255 : i32
    %dma_start3A_257 = tpu.memref_slice %arg4[%mul3A_256] : memref<81920xi32, #tpu.memory_space<hbm>> -> memref<320xi32, #tpu.memory_space<hbm>>
    %dma_start3A_258 = tpu.memref_slice %arg4[%mul3A_256] : memref<81920xi32, #tpu.memory_space<hbm>> -> memref<320xi32, #tpu.memory_space<hbm>>
    tpu.enqueue_dma source(%dma_start3A_258 : memref<320xi32, #tpu.memory_space<hbm>>) target(%arg8 : memref<320xi32, #tpu.memory_space<vmem>>) target_semaphore(%arg20 : memref<!tpu.dma_semaphore, #tpu.memory_space<semaphore_mem>>)
    %dma_start3A_259 = tpu.memref_slice %arg3[%add3A_254] : memref<8192xi32, #tpu.memory_space<hbm>> -> memref<32xi32, #tpu.memory_space<hbm>>
    %dma_start3A_260 = tpu.memref_slice %arg3[%add3A_254] : memref<8192xi32, #tpu.memory_space<hbm>> -> memref<32xi32, #tpu.memory_space<hbm>>
    tpu.enqueue_dma source(%dma_start3A_260 : memref<32xi32, #tpu.memory_space<hbm>>) target(%arg10 : memref<32xi32, #tpu.memory_space<vmem>>) target_semaphore(%arg20 : memref<!tpu.dma_semaphore, #tpu.memory_space<semaphore_mem>>)
    %dma_start3A_261 = tpu.memref_slice %arg5[%mul3A_256] : memref<81920xi32, #tpu.memory_space<hbm>> -> memref<320xi32, #tpu.memory_space<hbm>>
    %dma_start3A_262 = tpu.memref_slice %arg5[%mul3A_256] : memref<81920xi32, #tpu.memory_space<hbm>> -> memref<320xi32, #tpu.memory_space<hbm>>
    tpu.enqueue_dma source(%dma_start3A_262 : memref<320xi32, #tpu.memory_space<hbm>>) target(%arg12 : memref<320xi32, #tpu.memory_space<vmem>>) target_semaphore(%arg20 : memref<!tpu.dma_semaphore, #tpu.memory_space<semaphore_mem>>)
    %dma_wait3A_263 = tpu.memref_slice %arg4[%mul3A_174] : memref<81920xi32, #tpu.memory_space<hbm>> -> memref<320xi32, #tpu.memory_space<hbm>>
    %dma_wait3A_264 = tpu.memref_slice %arg4[%mul3A_174] : memref<81920xi32, #tpu.memory_space<hbm>> -> memref<320xi32, #tpu.memory_space<hbm>>
    tpu.wait_dma2 semaphore(%arg21 : memref<!tpu.dma_semaphore, #tpu.memory_space<semaphore_mem>>) src(%dma_wait3A_264 : memref<320xi32, #tpu.memory_space<hbm>>) dst(%arg9 : memref<320xi32, #tpu.memory_space<vmem>>)
    %dma_wait3A_265 = tpu.memref_slice %arg3[%add3A_172] : memref<8192xi32, #tpu.memory_space<hbm>> -> memref<32xi32, #tpu.memory_space<hbm>>
    %dma_wait3A_266 = tpu.memref_slice %arg3[%add3A_172] : memref<8192xi32, #tpu.memory_space<hbm>> -> memref<32xi32, #tpu.memory_space<hbm>>
    tpu.wait_dma2 semaphore(%arg21 : memref<!tpu.dma_semaphore, #tpu.memory_space<semaphore_mem>>) src(%dma_wait3A_266 : memref<32xi32, #tpu.memory_space<hbm>>) dst(%arg11 : memref<32xi32, #tpu.memory_space<vmem>>)
    %dma_wait3A_267 = tpu.memref_slice %arg5[%mul3A_174] : memref<81920xi32, #tpu.memory_space<hbm>> -> memref<320xi32, #tpu.memory_space<hbm>>
    %dma_wait3A_268 = tpu.memref_slice %arg5[%mul3A_174] : memref<81920xi32, #tpu.memory_space<hbm>> -> memref<320xi32, #tpu.memory_space<hbm>>
    tpu.wait_dma2 semaphore(%arg21 : memref<!tpu.dma_semaphore, #tpu.memory_space<semaphore_mem>>) src(%dma_wait3A_268 : memref<320xi32, #tpu.memory_space<hbm>>) dst(%arg13 : memref<320xi32, #tpu.memory_space<vmem>>)
    %dma_start3A_269 = arith.constant 0 : i32
    %dma_start3A_270 = arith.constant 0 : i32
    %dma_start3A_271 = tpu.memref_slice %arg2[%dma_start3A_269, %dma_start3A_270] : memref<100000x128xf32, #tpu.memory_space<hbm>> -> memref<100000x128xf32, #tpu.memory_space<hbm>>
    tpu.enqueue_indirect_dma source(%dma_start3A_271 : memref<100000x128xf32, #tpu.memory_space<hbm>>) target(%arg17 : memref<32x128xf32, #tpu.memory_space<vmem>>) offsets(%arg11 : memref<32xi32, #tpu.memory_space<vmem>>) semaphore(%arg23 : memref<!tpu.dma_semaphore, #tpu.memory_space<semaphore_mem>>)
    %dma_start3A_272 = arith.constant 0 : i32
    %dma_start3A_273 = arith.constant 0 : i32
    %dma_start3A_274 = tpu.memref_slice %arg15[%dma_start3A_272, %dma_start3A_273] : memref<320x128xf32, #tpu.memory_space<vmem>> -> memref<128x128xf32, #tpu.memory_space<vmem>>
    %dma_start3A_275 = arith.constant 0 : i32
    %dma_start3A_276 = tpu.memref_slice %arg9[%dma_start3A_275] : memref<320xi32, #tpu.memory_space<vmem>> -> memref<128xi32, #tpu.memory_space<vmem>>
    %dma_start3A_277 = arith.constant 0 : i32
    %dma_start3A_278 = arith.constant 0 : i32
    %dma_start3A_279 = tpu.memref_slice %arg2[%dma_start3A_277, %dma_start3A_278] : memref<100000x128xf32, #tpu.memory_space<hbm>> -> memref<100000x128xf32, #tpu.memory_space<hbm>>
    tpu.enqueue_indirect_dma source(%dma_start3A_279 : memref<100000x128xf32, #tpu.memory_space<hbm>>) target(%dma_start3A_274 : memref<128x128xf32, #tpu.memory_space<vmem>>) offsets(%dma_start3A_276 : memref<128xi32, #tpu.memory_space<vmem>>) semaphore(%arg23 : memref<!tpu.dma_semaphore, #tpu.memory_space<semaphore_mem>>)
    %dma_start3A_280 = arith.constant 128 : i32
    %dma_start3A_281 = arith.constant 0 : i32
    %dma_start3A_282 = tpu.memref_slice %arg15[%dma_start3A_280, %dma_start3A_281] : memref<320x128xf32, #tpu.memory_space<vmem>> -> memref<128x128xf32, #tpu.memory_space<vmem>>
    %dma_start3A_283 = arith.constant 128 : i32
    %dma_start3A_284 = tpu.memref_slice %arg9[%dma_start3A_283] : memref<320xi32, #tpu.memory_space<vmem>> -> memref<128xi32, #tpu.memory_space<vmem>>
    %dma_start3A_285 = arith.constant 0 : i32
    %dma_start3A_286 = arith.constant 0 : i32
    %dma_start3A_287 = tpu.memref_slice %arg2[%dma_start3A_285, %dma_start3A_286] : memref<100000x128xf32, #tpu.memory_space<hbm>> -> memref<100000x128xf32, #tpu.memory_space<hbm>>
    tpu.enqueue_indirect_dma source(%dma_start3A_287 : memref<100000x128xf32, #tpu.memory_space<hbm>>) target(%dma_start3A_282 : memref<128x128xf32, #tpu.memory_space<vmem>>) offsets(%dma_start3A_284 : memref<128xi32, #tpu.memory_space<vmem>>) semaphore(%arg23 : memref<!tpu.dma_semaphore, #tpu.memory_space<semaphore_mem>>)
    %dma_start3A_288 = arith.constant 256 : i32
    %dma_start3A_289 = arith.constant 0 : i32
    %dma_start3A_290 = tpu.memref_slice %arg15[%dma_start3A_288, %dma_start3A_289] : memref<320x128xf32, #tpu.memory_space<vmem>> -> memref<64x128xf32, #tpu.memory_space<vmem>>
    %dma_start3A_291 = arith.constant 256 : i32
    %dma_start3A_292 = tpu.memref_slice %arg9[%dma_start3A_291] : memref<320xi32, #tpu.memory_space<vmem>> -> memref<64xi32, #tpu.memory_space<vmem>>
    %dma_start3A_293 = arith.constant 0 : i32
    %dma_start3A_294 = arith.constant 0 : i32
    %dma_start3A_295 = tpu.memref_slice %arg2[%dma_start3A_293, %dma_start3A_294] : memref<100000x128xf32, #tpu.memory_space<hbm>> -> memref<100000x128xf32, #tpu.memory_space<hbm>>
    tpu.enqueue_indirect_dma source(%dma_start3A_295 : memref<100000x128xf32, #tpu.memory_space<hbm>>) target(%dma_start3A_290 : memref<64x128xf32, #tpu.memory_space<vmem>>) offsets(%dma_start3A_292 : memref<64xi32, #tpu.memory_space<vmem>>) semaphore(%arg23 : memref<!tpu.dma_semaphore, #tpu.memory_space<semaphore_mem>>)
    %mul3A_296 = arith.constant 4 : i32
    %mul3A_297 = arith.muli %add3A_221, %mul3A_296 : i32
    %dma_start3A_298 = arith.constant 0 : i32
    %dma_start3A_299 = tpu.memref_slice %arg7[%mul3A_297, %dma_start3A_298] : memref<32768x128xf32, #tpu.memory_space<hbm>> -> memref<128x128xf32, #tpu.memory_space<hbm>>
    %dma_start3A_300 = arith.constant 0 : i32
    %dma_start3A_301 = tpu.memref_slice %arg19[%mul3A_4, %dma_start3A_300] : memref<2048x128xf32, #tpu.memory_space<vmem_shared>> -> memref<128x128xf32, #tpu.memory_space<vmem_shared>>
    tpu.enqueue_dma source(%dma_start3A_301 : memref<128x128xf32, #tpu.memory_space<vmem_shared>>) target(%dma_start3A_299 : memref<128x128xf32, #tpu.memory_space<hbm>>) target_semaphore(%arg24 : memref<!tpu.dma_semaphore, #tpu.memory_space<semaphore_mem>>)
    "tpu.region"() ({
      %run_scoped3A = tpu.sem_alloc : memref<!tpu.dma_semaphore, #tpu.memory_space<semaphore_mem>>
      %dma_start3A_663 = arith.constant 0 : i32
      %dma_start3A_664 = tpu.memref_slice %arg6[%add3A_221, %dma_start3A_663] : memref<8192x128xf32, #tpu.memory_space<hbm>> -> memref<32x128xf32, #tpu.memory_space<hbm>>
      %dma_start3A_665 = arith.constant 0 : i32
      %dma_start3A_666 = tpu.memref_slice %arg6[%add3A_221, %dma_start3A_665] : memref<8192x128xf32, #tpu.memory_space<hbm>> -> memref<32x128xf32, #tpu.memory_space<hbm>>
      tpu.enqueue_dma source(%arg16 : memref<32x128xf32, #tpu.memory_space<vmem>>) target(%dma_start3A_666 : memref<32x128xf32, #tpu.memory_space<hbm>>) target_semaphore(%run_scoped3A : memref<!tpu.dma_semaphore, #tpu.memory_space<semaphore_mem>>)
      %dma_wait3A_667 = arith.constant 0 : i32
      %dma_wait3A_668 = tpu.memref_slice %arg6[%add3A_221, %dma_wait3A_667] : memref<8192x128xf32, #tpu.memory_space<hbm>> -> memref<32x128xf32, #tpu.memory_space<hbm>>
      %dma_wait3A_669 = arith.constant 0 : i32
      %dma_wait3A_670 = tpu.memref_slice %arg6[%add3A_221, %dma_wait3A_669] : memref<8192x128xf32, #tpu.memory_space<hbm>> -> memref<32x128xf32, #tpu.memory_space<hbm>>
      tpu.wait_dma2 semaphore(%run_scoped3A : memref<!tpu.dma_semaphore, #tpu.memory_space<semaphore_mem>>) src(%arg16 : memref<32x128xf32, #tpu.memory_space<vmem>>) dst(%dma_wait3A_670 : memref<32x128xf32, #tpu.memory_space<hbm>>)
      tpu.yield
    }) : () -> ()
    %add3A_302 = arith.constant 96 : i32
    %add3A_303 = arith.addi %mul3A_2, %add3A_302 : i32
    %dma_wait3A_304 = arith.constant 0 : i32
    %dma_wait3A_305 = arith.constant 0 : i32
    %dma_wait3A_306 = tpu.memref_slice %arg2[%dma_wait3A_304, %dma_wait3A_305] : memref<100000x128xf32, #tpu.memory_space<hbm>> -> memref<100000x128xf32, #tpu.memory_space<hbm>>
    tpu.wait_indirect_dma semaphore(%arg23 : memref<!tpu.dma_semaphore, #tpu.memory_space<semaphore_mem>>) src(%dma_wait3A_306 : memref<100000x128xf32, #tpu.memory_space<hbm>>) dst(%arg17 : memref<32x128xf32, #tpu.memory_space<vmem>>)
    %dma_wait3A_307 = arith.constant 0 : i32
    %dma_wait3A_308 = arith.constant 0 : i32
    %dma_wait3A_309 = tpu.memref_slice %arg15[%dma_wait3A_307, %dma_wait3A_308] : memref<320x128xf32, #tpu.memory_space<vmem>> -> memref<128x128xf32, #tpu.memory_space<vmem>>
    %dma_wait3A_310 = arith.constant 0 : i32
    %dma_wait3A_311 = tpu.memref_slice %arg9[%dma_wait3A_310] : memref<320xi32, #tpu.memory_space<vmem>> -> memref<128xi32, #tpu.memory_space<vmem>>
    %dma_wait3A_312 = arith.constant 0 : i32
    %dma_wait3A_313 = arith.constant 0 : i32
    %dma_wait3A_314 = tpu.memref_slice %arg2[%dma_wait3A_312, %dma_wait3A_313] : memref<100000x128xf32, #tpu.memory_space<hbm>> -> memref<100000x128xf32, #tpu.memory_space<hbm>>
    tpu.wait_indirect_dma semaphore(%arg23 : memref<!tpu.dma_semaphore, #tpu.memory_space<semaphore_mem>>) src(%dma_wait3A_314 : memref<100000x128xf32, #tpu.memory_space<hbm>>) dst(%dma_wait3A_309 : memref<128x128xf32, #tpu.memory_space<vmem>>)
    %dma_wait3A_315 = arith.constant 128 : i32
    %dma_wait3A_316 = arith.constant 0 : i32
    %dma_wait3A_317 = tpu.memref_slice %arg15[%dma_wait3A_315, %dma_wait3A_316] : memref<320x128xf32, #tpu.memory_space<vmem>> -> memref<128x128xf32, #tpu.memory_space<vmem>>
    %dma_wait3A_318 = arith.constant 128 : i32
    %dma_wait3A_319 = tpu.memref_slice %arg9[%dma_wait3A_318] : memref<320xi32, #tpu.memory_space<vmem>> -> memref<128xi32, #tpu.memory_space<vmem>>
    %dma_wait3A_320 = arith.constant 0 : i32
    %dma_wait3A_321 = arith.constant 0 : i32
    %dma_wait3A_322 = tpu.memref_slice %arg2[%dma_wait3A_320, %dma_wait3A_321] : memref<100000x128xf32, #tpu.memory_space<hbm>> -> memref<100000x128xf32, #tpu.memory_space<hbm>>
    tpu.wait_indirect_dma semaphore(%arg23 : memref<!tpu.dma_semaphore, #tpu.memory_space<semaphore_mem>>) src(%dma_wait3A_322 : memref<100000x128xf32, #tpu.memory_space<hbm>>) dst(%dma_wait3A_317 : memref<128x128xf32, #tpu.memory_space<vmem>>)
    %dma_wait3A_323 = arith.constant 256 : i32
    %dma_wait3A_324 = arith.constant 0 : i32
    %dma_wait3A_325 = tpu.memref_slice %arg15[%dma_wait3A_323, %dma_wait3A_324] : memref<320x128xf32, #tpu.memory_space<vmem>> -> memref<64x128xf32, #tpu.memory_space<vmem>>
    %dma_wait3A_326 = arith.constant 256 : i32
    %dma_wait3A_327 = tpu.memref_slice %arg9[%dma_wait3A_326] : memref<320xi32, #tpu.memory_space<vmem>> -> memref<64xi32, #tpu.memory_space<vmem>>
    %dma_wait3A_328 = arith.constant 0 : i32
    %dma_wait3A_329 = arith.constant 0 : i32
    %dma_wait3A_330 = tpu.memref_slice %arg2[%dma_wait3A_328, %dma_wait3A_329] : memref<100000x128xf32, #tpu.memory_space<hbm>> -> memref<100000x128xf32, #tpu.memory_space<hbm>>
    tpu.wait_indirect_dma semaphore(%arg23 : memref<!tpu.dma_semaphore, #tpu.memory_space<semaphore_mem>>) src(%dma_wait3A_330 : memref<100000x128xf32, #tpu.memory_space<hbm>>) dst(%dma_wait3A_325 : memref<64x128xf32, #tpu.memory_space<vmem>>)
    %dma_wait3A_331 = arith.constant 0 : i32
    %dma_wait3A_332 = tpu.memref_slice %arg7[%mul3A_297, %dma_wait3A_331] : memref<32768x128xf32, #tpu.memory_space<hbm>> -> memref<128x128xf32, #tpu.memory_space<hbm>>
    %dma_wait3A_333 = arith.constant 0 : i32
    %dma_wait3A_334 = tpu.memref_slice %arg19[%mul3A_4, %dma_wait3A_333] : memref<2048x128xf32, #tpu.memory_space<vmem_shared>> -> memref<128x128xf32, #tpu.memory_space<vmem_shared>>
    tpu.wait_dma2 semaphore(%arg24 : memref<!tpu.dma_semaphore, #tpu.memory_space<semaphore_mem>>) src(%dma_wait3A_334 : memref<128x128xf32, #tpu.memory_space<vmem_shared>>) dst(%dma_wait3A_332 : memref<128x128xf32, #tpu.memory_space<hbm>>)
    "tpu.region"() ({
      %run_scoped3A = tpu.sem_alloc : memref<!tpu.dma_semaphore, #tpu.memory_space<semaphore_mem>>
      %dma_start3A_663 = arith.constant 0 : i32
      %dma_start3A_664 = tpu.memref_slice %arg19[%mul3A_4, %dma_start3A_663] : memref<2048x128xf32, #tpu.memory_space<vmem_shared>> -> memref<128x128xf32, #tpu.memory_space<vmem_shared>>
      %dma_start3A_665 = arith.constant 0 : i32
      %dma_start3A_666 = tpu.memref_slice %arg19[%mul3A_4, %dma_start3A_665] : memref<2048x128xf32, #tpu.memory_space<vmem_shared>> -> memref<128x128xf32, #tpu.memory_space<vmem_shared>>
      tpu.enqueue_dma source(%arg18 : memref<128x128xf32, #tpu.memory_space<vmem>>) target(%dma_start3A_666 : memref<128x128xf32, #tpu.memory_space<vmem_shared>>) target_semaphore(%run_scoped3A : memref<!tpu.dma_semaphore, #tpu.memory_space<semaphore_mem>>)
      %dma_wait3A_667 = arith.constant 0 : i32
      %dma_wait3A_668 = tpu.memref_slice %arg19[%mul3A_4, %dma_wait3A_667] : memref<2048x128xf32, #tpu.memory_space<vmem_shared>> -> memref<128x128xf32, #tpu.memory_space<vmem_shared>>
      %dma_wait3A_669 = arith.constant 0 : i32
      %dma_wait3A_670 = tpu.memref_slice %arg19[%mul3A_4, %dma_wait3A_669] : memref<2048x128xf32, #tpu.memory_space<vmem_shared>> -> memref<128x128xf32, #tpu.memory_space<vmem_shared>>
      tpu.wait_dma2 semaphore(%run_scoped3A : memref<!tpu.dma_semaphore, #tpu.memory_space<semaphore_mem>>) src(%arg18 : memref<128x128xf32, #tpu.memory_space<vmem>>) dst(%dma_wait3A_670 : memref<128x128xf32, #tpu.memory_space<vmem_shared>>)
      tpu.yield
    }) : () -> ()
    "tpu.region"() ({
      %run_scoped3A = tpu.sem_alloc : memref<!tpu.dma_semaphore, #tpu.memory_space<semaphore_mem>>
      %dma_start3A_663 = arith.constant 0 : i32
      %dma_start3A_664 = arith.constant 0 : i32
      %dma_start3A_665 = tpu.memref_slice %arg19[%dma_start3A_663, %dma_start3A_664] : memref<2048x128xf32, #tpu.memory_space<vmem_shared>> -> memref<2048x128xf32, #tpu.memory_space<vmem_shared>>
      tpu.enqueue_indirect_dma source(%arg15 : memref<320x128xf32, #tpu.memory_space<vmem>>) target(%dma_start3A_665 : memref<2048x128xf32, #tpu.memory_space<vmem_shared>>) offsets(%arg13 : memref<320xi32, #tpu.memory_space<vmem>>) semaphore(%run_scoped3A : memref<!tpu.dma_semaphore, #tpu.memory_space<semaphore_mem>>) {add = true}
      %dma_wait3A_666 = arith.constant 0 : i32
      %dma_wait3A_667 = arith.constant 0 : i32
      %dma_wait3A_668 = tpu.memref_slice %arg19[%dma_wait3A_666, %dma_wait3A_667] : memref<2048x128xf32, #tpu.memory_space<vmem_shared>> -> memref<2048x128xf32, #tpu.memory_space<vmem_shared>>
      tpu.wait_indirect_dma semaphore(%run_scoped3A : memref<!tpu.dma_semaphore, #tpu.memory_space<semaphore_mem>>) src(%arg15 : memref<320x128xf32, #tpu.memory_space<vmem>>) dst(%dma_wait3A_668 : memref<2048x128xf32, #tpu.memory_space<vmem_shared>>)
      tpu.yield
    }) : () -> ()
    %add3A_335 = arith.constant 160 : i32
    %add3A_336 = arith.addi %mul3A_2, %add3A_335 : i32
    %mul3A_337 = arith.constant 10 : i32
    %mul3A_338 = arith.muli %add3A_336, %mul3A_337 : i32
    %dma_start3A_339 = tpu.memref_slice %arg4[%mul3A_338] : memref<81920xi32, #tpu.memory_space<hbm>> -> memref<320xi32, #tpu.memory_space<hbm>>
    %dma_start3A_340 = tpu.memref_slice %arg4[%mul3A_338] : memref<81920xi32, #tpu.memory_space<hbm>> -> memref<320xi32, #tpu.memory_space<hbm>>
    tpu.enqueue_dma source(%dma_start3A_340 : memref<320xi32, #tpu.memory_space<hbm>>) target(%arg9 : memref<320xi32, #tpu.memory_space<vmem>>) target_semaphore(%arg21 : memref<!tpu.dma_semaphore, #tpu.memory_space<semaphore_mem>>)
    %dma_start3A_341 = tpu.memref_slice %arg3[%add3A_336] : memref<8192xi32, #tpu.memory_space<hbm>> -> memref<32xi32, #tpu.memory_space<hbm>>
    %dma_start3A_342 = tpu.memref_slice %arg3[%add3A_336] : memref<8192xi32, #tpu.memory_space<hbm>> -> memref<32xi32, #tpu.memory_space<hbm>>
    tpu.enqueue_dma source(%dma_start3A_342 : memref<32xi32, #tpu.memory_space<hbm>>) target(%arg11 : memref<32xi32, #tpu.memory_space<vmem>>) target_semaphore(%arg21 : memref<!tpu.dma_semaphore, #tpu.memory_space<semaphore_mem>>)
    %dma_start3A_343 = tpu.memref_slice %arg5[%mul3A_338] : memref<81920xi32, #tpu.memory_space<hbm>> -> memref<320xi32, #tpu.memory_space<hbm>>
    %dma_start3A_344 = tpu.memref_slice %arg5[%mul3A_338] : memref<81920xi32, #tpu.memory_space<hbm>> -> memref<320xi32, #tpu.memory_space<hbm>>
    tpu.enqueue_dma source(%dma_start3A_344 : memref<320xi32, #tpu.memory_space<hbm>>) target(%arg13 : memref<320xi32, #tpu.memory_space<vmem>>) target_semaphore(%arg21 : memref<!tpu.dma_semaphore, #tpu.memory_space<semaphore_mem>>)
    %dma_wait3A_345 = tpu.memref_slice %arg4[%mul3A_256] : memref<81920xi32, #tpu.memory_space<hbm>> -> memref<320xi32, #tpu.memory_space<hbm>>
    %dma_wait3A_346 = tpu.memref_slice %arg4[%mul3A_256] : memref<81920xi32, #tpu.memory_space<hbm>> -> memref<320xi32, #tpu.memory_space<hbm>>
    tpu.wait_dma2 semaphore(%arg20 : memref<!tpu.dma_semaphore, #tpu.memory_space<semaphore_mem>>) src(%dma_wait3A_346 : memref<320xi32, #tpu.memory_space<hbm>>) dst(%arg8 : memref<320xi32, #tpu.memory_space<vmem>>)
    %dma_wait3A_347 = tpu.memref_slice %arg3[%add3A_254] : memref<8192xi32, #tpu.memory_space<hbm>> -> memref<32xi32, #tpu.memory_space<hbm>>
    %dma_wait3A_348 = tpu.memref_slice %arg3[%add3A_254] : memref<8192xi32, #tpu.memory_space<hbm>> -> memref<32xi32, #tpu.memory_space<hbm>>
    tpu.wait_dma2 semaphore(%arg20 : memref<!tpu.dma_semaphore, #tpu.memory_space<semaphore_mem>>) src(%dma_wait3A_348 : memref<32xi32, #tpu.memory_space<hbm>>) dst(%arg10 : memref<32xi32, #tpu.memory_space<vmem>>)
    %dma_wait3A_349 = tpu.memref_slice %arg5[%mul3A_256] : memref<81920xi32, #tpu.memory_space<hbm>> -> memref<320xi32, #tpu.memory_space<hbm>>
    %dma_wait3A_350 = tpu.memref_slice %arg5[%mul3A_256] : memref<81920xi32, #tpu.memory_space<hbm>> -> memref<320xi32, #tpu.memory_space<hbm>>
    tpu.wait_dma2 semaphore(%arg20 : memref<!tpu.dma_semaphore, #tpu.memory_space<semaphore_mem>>) src(%dma_wait3A_350 : memref<320xi32, #tpu.memory_space<hbm>>) dst(%arg12 : memref<320xi32, #tpu.memory_space<vmem>>)
    %dma_start3A_351 = arith.constant 0 : i32
    %dma_start3A_352 = arith.constant 0 : i32
    %dma_start3A_353 = tpu.memref_slice %arg2[%dma_start3A_351, %dma_start3A_352] : memref<100000x128xf32, #tpu.memory_space<hbm>> -> memref<100000x128xf32, #tpu.memory_space<hbm>>
    tpu.enqueue_indirect_dma source(%dma_start3A_353 : memref<100000x128xf32, #tpu.memory_space<hbm>>) target(%arg16 : memref<32x128xf32, #tpu.memory_space<vmem>>) offsets(%arg10 : memref<32xi32, #tpu.memory_space<vmem>>) semaphore(%arg22 : memref<!tpu.dma_semaphore, #tpu.memory_space<semaphore_mem>>)
    %dma_start3A_354 = arith.constant 0 : i32
    %dma_start3A_355 = arith.constant 0 : i32
    %dma_start3A_356 = tpu.memref_slice %arg14[%dma_start3A_354, %dma_start3A_355] : memref<320x128xf32, #tpu.memory_space<vmem>> -> memref<128x128xf32, #tpu.memory_space<vmem>>
    %dma_start3A_357 = arith.constant 0 : i32
    %dma_start3A_358 = tpu.memref_slice %arg8[%dma_start3A_357] : memref<320xi32, #tpu.memory_space<vmem>> -> memref<128xi32, #tpu.memory_space<vmem>>
    %dma_start3A_359 = arith.constant 0 : i32
    %dma_start3A_360 = arith.constant 0 : i32
    %dma_start3A_361 = tpu.memref_slice %arg2[%dma_start3A_359, %dma_start3A_360] : memref<100000x128xf32, #tpu.memory_space<hbm>> -> memref<100000x128xf32, #tpu.memory_space<hbm>>
    tpu.enqueue_indirect_dma source(%dma_start3A_361 : memref<100000x128xf32, #tpu.memory_space<hbm>>) target(%dma_start3A_356 : memref<128x128xf32, #tpu.memory_space<vmem>>) offsets(%dma_start3A_358 : memref<128xi32, #tpu.memory_space<vmem>>) semaphore(%arg22 : memref<!tpu.dma_semaphore, #tpu.memory_space<semaphore_mem>>)
    %dma_start3A_362 = arith.constant 128 : i32
    %dma_start3A_363 = arith.constant 0 : i32
    %dma_start3A_364 = tpu.memref_slice %arg14[%dma_start3A_362, %dma_start3A_363] : memref<320x128xf32, #tpu.memory_space<vmem>> -> memref<128x128xf32, #tpu.memory_space<vmem>>
    %dma_start3A_365 = arith.constant 128 : i32
    %dma_start3A_366 = tpu.memref_slice %arg8[%dma_start3A_365] : memref<320xi32, #tpu.memory_space<vmem>> -> memref<128xi32, #tpu.memory_space<vmem>>
    %dma_start3A_367 = arith.constant 0 : i32
    %dma_start3A_368 = arith.constant 0 : i32
    %dma_start3A_369 = tpu.memref_slice %arg2[%dma_start3A_367, %dma_start3A_368] : memref<100000x128xf32, #tpu.memory_space<hbm>> -> memref<100000x128xf32, #tpu.memory_space<hbm>>
    tpu.enqueue_indirect_dma source(%dma_start3A_369 : memref<100000x128xf32, #tpu.memory_space<hbm>>) target(%dma_start3A_364 : memref<128x128xf32, #tpu.memory_space<vmem>>) offsets(%dma_start3A_366 : memref<128xi32, #tpu.memory_space<vmem>>) semaphore(%arg22 : memref<!tpu.dma_semaphore, #tpu.memory_space<semaphore_mem>>)
    %dma_start3A_370 = arith.constant 256 : i32
    %dma_start3A_371 = arith.constant 0 : i32
    %dma_start3A_372 = tpu.memref_slice %arg14[%dma_start3A_370, %dma_start3A_371] : memref<320x128xf32, #tpu.memory_space<vmem>> -> memref<64x128xf32, #tpu.memory_space<vmem>>
    %dma_start3A_373 = arith.constant 256 : i32
    %dma_start3A_374 = tpu.memref_slice %arg8[%dma_start3A_373] : memref<320xi32, #tpu.memory_space<vmem>> -> memref<64xi32, #tpu.memory_space<vmem>>
    %dma_start3A_375 = arith.constant 0 : i32
    %dma_start3A_376 = arith.constant 0 : i32
    %dma_start3A_377 = tpu.memref_slice %arg2[%dma_start3A_375, %dma_start3A_376] : memref<100000x128xf32, #tpu.memory_space<hbm>> -> memref<100000x128xf32, #tpu.memory_space<hbm>>
    tpu.enqueue_indirect_dma source(%dma_start3A_377 : memref<100000x128xf32, #tpu.memory_space<hbm>>) target(%dma_start3A_372 : memref<64x128xf32, #tpu.memory_space<vmem>>) offsets(%dma_start3A_374 : memref<64xi32, #tpu.memory_space<vmem>>) semaphore(%arg22 : memref<!tpu.dma_semaphore, #tpu.memory_space<semaphore_mem>>)
    %mul3A_378 = arith.constant 4 : i32
    %mul3A_379 = arith.muli %add3A_303, %mul3A_378 : i32
    %dma_start3A_380 = arith.constant 0 : i32
    %dma_start3A_381 = tpu.memref_slice %arg7[%mul3A_379, %dma_start3A_380] : memref<32768x128xf32, #tpu.memory_space<hbm>> -> memref<128x128xf32, #tpu.memory_space<hbm>>
    %dma_start3A_382 = arith.constant 0 : i32
    %dma_start3A_383 = tpu.memref_slice %arg19[%mul3A_4, %dma_start3A_382] : memref<2048x128xf32, #tpu.memory_space<vmem_shared>> -> memref<128x128xf32, #tpu.memory_space<vmem_shared>>
    tpu.enqueue_dma source(%dma_start3A_383 : memref<128x128xf32, #tpu.memory_space<vmem_shared>>) target(%dma_start3A_381 : memref<128x128xf32, #tpu.memory_space<hbm>>) target_semaphore(%arg24 : memref<!tpu.dma_semaphore, #tpu.memory_space<semaphore_mem>>)
    "tpu.region"() ({
      %run_scoped3A = tpu.sem_alloc : memref<!tpu.dma_semaphore, #tpu.memory_space<semaphore_mem>>
      %dma_start3A_663 = arith.constant 0 : i32
      %dma_start3A_664 = tpu.memref_slice %arg6[%add3A_303, %dma_start3A_663] : memref<8192x128xf32, #tpu.memory_space<hbm>> -> memref<32x128xf32, #tpu.memory_space<hbm>>
      %dma_start3A_665 = arith.constant 0 : i32
      %dma_start3A_666 = tpu.memref_slice %arg6[%add3A_303, %dma_start3A_665] : memref<8192x128xf32, #tpu.memory_space<hbm>> -> memref<32x128xf32, #tpu.memory_space<hbm>>
      tpu.enqueue_dma source(%arg17 : memref<32x128xf32, #tpu.memory_space<vmem>>) target(%dma_start3A_666 : memref<32x128xf32, #tpu.memory_space<hbm>>) target_semaphore(%run_scoped3A : memref<!tpu.dma_semaphore, #tpu.memory_space<semaphore_mem>>)
      %dma_wait3A_667 = arith.constant 0 : i32
      %dma_wait3A_668 = tpu.memref_slice %arg6[%add3A_303, %dma_wait3A_667] : memref<8192x128xf32, #tpu.memory_space<hbm>> -> memref<32x128xf32, #tpu.memory_space<hbm>>
      %dma_wait3A_669 = arith.constant 0 : i32
      %dma_wait3A_670 = tpu.memref_slice %arg6[%add3A_303, %dma_wait3A_669] : memref<8192x128xf32, #tpu.memory_space<hbm>> -> memref<32x128xf32, #tpu.memory_space<hbm>>
      tpu.wait_dma2 semaphore(%run_scoped3A : memref<!tpu.dma_semaphore, #tpu.memory_space<semaphore_mem>>) src(%arg17 : memref<32x128xf32, #tpu.memory_space<vmem>>) dst(%dma_wait3A_670 : memref<32x128xf32, #tpu.memory_space<hbm>>)
      tpu.yield
    }) : () -> ()
    %add3A_384 = arith.constant 128 : i32
    %add3A_385 = arith.addi %mul3A_2, %add3A_384 : i32
    %dma_wait3A_386 = arith.constant 0 : i32
    %dma_wait3A_387 = arith.constant 0 : i32
    %dma_wait3A_388 = tpu.memref_slice %arg2[%dma_wait3A_386, %dma_wait3A_387] : memref<100000x128xf32, #tpu.memory_space<hbm>> -> memref<100000x128xf32, #tpu.memory_space<hbm>>
    tpu.wait_indirect_dma semaphore(%arg22 : memref<!tpu.dma_semaphore, #tpu.memory_space<semaphore_mem>>) src(%dma_wait3A_388 : memref<100000x128xf32, #tpu.memory_space<hbm>>) dst(%arg16 : memref<32x128xf32, #tpu.memory_space<vmem>>)
    %dma_wait3A_389 = arith.constant 0 : i32
    %dma_wait3A_390 = arith.constant 0 : i32
    %dma_wait3A_391 = tpu.memref_slice %arg14[%dma_wait3A_389, %dma_wait3A_390] : memref<320x128xf32, #tpu.memory_space<vmem>> -> memref<128x128xf32, #tpu.memory_space<vmem>>
    %dma_wait3A_392 = arith.constant 0 : i32
    %dma_wait3A_393 = tpu.memref_slice %arg8[%dma_wait3A_392] : memref<320xi32, #tpu.memory_space<vmem>> -> memref<128xi32, #tpu.memory_space<vmem>>
    %dma_wait3A_394 = arith.constant 0 : i32
    %dma_wait3A_395 = arith.constant 0 : i32
    %dma_wait3A_396 = tpu.memref_slice %arg2[%dma_wait3A_394, %dma_wait3A_395] : memref<100000x128xf32, #tpu.memory_space<hbm>> -> memref<100000x128xf32, #tpu.memory_space<hbm>>
    tpu.wait_indirect_dma semaphore(%arg22 : memref<!tpu.dma_semaphore, #tpu.memory_space<semaphore_mem>>) src(%dma_wait3A_396 : memref<100000x128xf32, #tpu.memory_space<hbm>>) dst(%dma_wait3A_391 : memref<128x128xf32, #tpu.memory_space<vmem>>)
    %dma_wait3A_397 = arith.constant 128 : i32
    %dma_wait3A_398 = arith.constant 0 : i32
    %dma_wait3A_399 = tpu.memref_slice %arg14[%dma_wait3A_397, %dma_wait3A_398] : memref<320x128xf32, #tpu.memory_space<vmem>> -> memref<128x128xf32, #tpu.memory_space<vmem>>
    %dma_wait3A_400 = arith.constant 128 : i32
    %dma_wait3A_401 = tpu.memref_slice %arg8[%dma_wait3A_400] : memref<320xi32, #tpu.memory_space<vmem>> -> memref<128xi32, #tpu.memory_space<vmem>>
    %dma_wait3A_402 = arith.constant 0 : i32
    %dma_wait3A_403 = arith.constant 0 : i32
    %dma_wait3A_404 = tpu.memref_slice %arg2[%dma_wait3A_402, %dma_wait3A_403] : memref<100000x128xf32, #tpu.memory_space<hbm>> -> memref<100000x128xf32, #tpu.memory_space<hbm>>
    tpu.wait_indirect_dma semaphore(%arg22 : memref<!tpu.dma_semaphore, #tpu.memory_space<semaphore_mem>>) src(%dma_wait3A_404 : memref<100000x128xf32, #tpu.memory_space<hbm>>) dst(%dma_wait3A_399 : memref<128x128xf32, #tpu.memory_space<vmem>>)
    %dma_wait3A_405 = arith.constant 256 : i32
    %dma_wait3A_406 = arith.constant 0 : i32
    %dma_wait3A_407 = tpu.memref_slice %arg14[%dma_wait3A_405, %dma_wait3A_406] : memref<320x128xf32, #tpu.memory_space<vmem>> -> memref<64x128xf32, #tpu.memory_space<vmem>>
    %dma_wait3A_408 = arith.constant 256 : i32
    %dma_wait3A_409 = tpu.memref_slice %arg8[%dma_wait3A_408] : memref<320xi32, #tpu.memory_space<vmem>> -> memref<64xi32, #tpu.memory_space<vmem>>
    %dma_wait3A_410 = arith.constant 0 : i32
    %dma_wait3A_411 = arith.constant 0 : i32
    %dma_wait3A_412 = tpu.memref_slice %arg2[%dma_wait3A_410, %dma_wait3A_411] : memref<100000x128xf32, #tpu.memory_space<hbm>> -> memref<100000x128xf32, #tpu.memory_space<hbm>>
    tpu.wait_indirect_dma semaphore(%arg22 : memref<!tpu.dma_semaphore, #tpu.memory_space<semaphore_mem>>) src(%dma_wait3A_412 : memref<100000x128xf32, #tpu.memory_space<hbm>>) dst(%dma_wait3A_407 : memref<64x128xf32, #tpu.memory_space<vmem>>)
    %dma_wait3A_413 = arith.constant 0 : i32
    %dma_wait3A_414 = tpu.memref_slice %arg7[%mul3A_379, %dma_wait3A_413] : memref<32768x128xf32, #tpu.memory_space<hbm>> -> memref<128x128xf32, #tpu.memory_space<hbm>>
    %dma_wait3A_415 = arith.constant 0 : i32
    %dma_wait3A_416 = tpu.memref_slice %arg19[%mul3A_4, %dma_wait3A_415] : memref<2048x128xf32, #tpu.memory_space<vmem_shared>> -> memref<128x128xf32, #tpu.memory_space<vmem_shared>>
    tpu.wait_dma2 semaphore(%arg24 : memref<!tpu.dma_semaphore, #tpu.memory_space<semaphore_mem>>) src(%dma_wait3A_416 : memref<128x128xf32, #tpu.memory_space<vmem_shared>>) dst(%dma_wait3A_414 : memref<128x128xf32, #tpu.memory_space<hbm>>)
    "tpu.region"() ({
      %run_scoped3A = tpu.sem_alloc : memref<!tpu.dma_semaphore, #tpu.memory_space<semaphore_mem>>
      %dma_start3A_663 = arith.constant 0 : i32
      %dma_start3A_664 = tpu.memref_slice %arg19[%mul3A_4, %dma_start3A_663] : memref<2048x128xf32, #tpu.memory_space<vmem_shared>> -> memref<128x128xf32, #tpu.memory_space<vmem_shared>>
      %dma_start3A_665 = arith.constant 0 : i32
      %dma_start3A_666 = tpu.memref_slice %arg19[%mul3A_4, %dma_start3A_665] : memref<2048x128xf32, #tpu.memory_space<vmem_shared>> -> memref<128x128xf32, #tpu.memory_space<vmem_shared>>
      tpu.enqueue_dma source(%arg18 : memref<128x128xf32, #tpu.memory_space<vmem>>) target(%dma_start3A_666 : memref<128x128xf32, #tpu.memory_space<vmem_shared>>) target_semaphore(%run_scoped3A : memref<!tpu.dma_semaphore, #tpu.memory_space<semaphore_mem>>)
      %dma_wait3A_667 = arith.constant 0 : i32
      %dma_wait3A_668 = tpu.memref_slice %arg19[%mul3A_4, %dma_wait3A_667] : memref<2048x128xf32, #tpu.memory_space<vmem_shared>> -> memref<128x128xf32, #tpu.memory_space<vmem_shared>>
      %dma_wait3A_669 = arith.constant 0 : i32
      %dma_wait3A_670 = tpu.memref_slice %arg19[%mul3A_4, %dma_wait3A_669] : memref<2048x128xf32, #tpu.memory_space<vmem_shared>> -> memref<128x128xf32, #tpu.memory_space<vmem_shared>>
      tpu.wait_dma2 semaphore(%run_scoped3A : memref<!tpu.dma_semaphore, #tpu.memory_space<semaphore_mem>>) src(%arg18 : memref<128x128xf32, #tpu.memory_space<vmem>>) dst(%dma_wait3A_670 : memref<128x128xf32, #tpu.memory_space<vmem_shared>>)
      tpu.yield
    }) : () -> ()
    "tpu.region"() ({
      %run_scoped3A = tpu.sem_alloc : memref<!tpu.dma_semaphore, #tpu.memory_space<semaphore_mem>>
      %dma_start3A_663 = arith.constant 0 : i32
      %dma_start3A_664 = arith.constant 0 : i32
      %dma_start3A_665 = tpu.memref_slice %arg19[%dma_start3A_663, %dma_start3A_664] : memref<2048x128xf32, #tpu.memory_space<vmem_shared>> -> memref<2048x128xf32, #tpu.memory_space<vmem_shared>>
      tpu.enqueue_indirect_dma source(%arg14 : memref<320x128xf32, #tpu.memory_space<vmem>>) target(%dma_start3A_665 : memref<2048x128xf32, #tpu.memory_space<vmem_shared>>) offsets(%arg12 : memref<320xi32, #tpu.memory_space<vmem>>) semaphore(%run_scoped3A : memref<!tpu.dma_semaphore, #tpu.memory_space<semaphore_mem>>) {add = true}
      %dma_wait3A_666 = arith.constant 0 : i32
      %dma_wait3A_667 = arith.constant 0 : i32
      %dma_wait3A_668 = tpu.memref_slice %arg19[%dma_wait3A_666, %dma_wait3A_667] : memref<2048x128xf32, #tpu.memory_space<vmem_shared>> -> memref<2048x128xf32, #tpu.memory_space<vmem_shared>>
      tpu.wait_indirect_dma semaphore(%run_scoped3A : memref<!tpu.dma_semaphore, #tpu.memory_space<semaphore_mem>>) src(%arg14 : memref<320x128xf32, #tpu.memory_space<vmem>>) dst(%dma_wait3A_668 : memref<2048x128xf32, #tpu.memory_space<vmem_shared>>)
      tpu.yield
    }) : () -> ()
    %add3A_417 = arith.constant 192 : i32
    %add3A_418 = arith.addi %mul3A_2, %add3A_417 : i32
    %mul3A_419 = arith.constant 10 : i32
    %mul3A_420 = arith.muli %add3A_418, %mul3A_419 : i32
    %dma_start3A_421 = tpu.memref_slice %arg4[%mul3A_420] : memref<81920xi32, #tpu.memory_space<hbm>> -> memref<320xi32, #tpu.memory_space<hbm>>
    %dma_start3A_422 = tpu.memref_slice %arg4[%mul3A_420] : memref<81920xi32, #tpu.memory_space<hbm>> -> memref<320xi32, #tpu.memory_space<hbm>>
    tpu.enqueue_dma source(%dma_start3A_422 : memref<320xi32, #tpu.memory_space<hbm>>) target(%arg8 : memref<320xi32, #tpu.memory_space<vmem>>) target_semaphore(%arg20 : memref<!tpu.dma_semaphore, #tpu.memory_space<semaphore_mem>>)
    %dma_start3A_423 = tpu.memref_slice %arg3[%add3A_418] : memref<8192xi32, #tpu.memory_space<hbm>> -> memref<32xi32, #tpu.memory_space<hbm>>
    %dma_start3A_424 = tpu.memref_slice %arg3[%add3A_418] : memref<8192xi32, #tpu.memory_space<hbm>> -> memref<32xi32, #tpu.memory_space<hbm>>
    tpu.enqueue_dma source(%dma_start3A_424 : memref<32xi32, #tpu.memory_space<hbm>>) target(%arg10 : memref<32xi32, #tpu.memory_space<vmem>>) target_semaphore(%arg20 : memref<!tpu.dma_semaphore, #tpu.memory_space<semaphore_mem>>)
    %dma_start3A_425 = tpu.memref_slice %arg5[%mul3A_420] : memref<81920xi32, #tpu.memory_space<hbm>> -> memref<320xi32, #tpu.memory_space<hbm>>
    %dma_start3A_426 = tpu.memref_slice %arg5[%mul3A_420] : memref<81920xi32, #tpu.memory_space<hbm>> -> memref<320xi32, #tpu.memory_space<hbm>>
    tpu.enqueue_dma source(%dma_start3A_426 : memref<320xi32, #tpu.memory_space<hbm>>) target(%arg12 : memref<320xi32, #tpu.memory_space<vmem>>) target_semaphore(%arg20 : memref<!tpu.dma_semaphore, #tpu.memory_space<semaphore_mem>>)
    %dma_wait3A_427 = tpu.memref_slice %arg4[%mul3A_338] : memref<81920xi32, #tpu.memory_space<hbm>> -> memref<320xi32, #tpu.memory_space<hbm>>
    %dma_wait3A_428 = tpu.memref_slice %arg4[%mul3A_338] : memref<81920xi32, #tpu.memory_space<hbm>> -> memref<320xi32, #tpu.memory_space<hbm>>
    tpu.wait_dma2 semaphore(%arg21 : memref<!tpu.dma_semaphore, #tpu.memory_space<semaphore_mem>>) src(%dma_wait3A_428 : memref<320xi32, #tpu.memory_space<hbm>>) dst(%arg9 : memref<320xi32, #tpu.memory_space<vmem>>)
    %dma_wait3A_429 = tpu.memref_slice %arg3[%add3A_336] : memref<8192xi32, #tpu.memory_space<hbm>> -> memref<32xi32, #tpu.memory_space<hbm>>
    %dma_wait3A_430 = tpu.memref_slice %arg3[%add3A_336] : memref<8192xi32, #tpu.memory_space<hbm>> -> memref<32xi32, #tpu.memory_space<hbm>>
    tpu.wait_dma2 semaphore(%arg21 : memref<!tpu.dma_semaphore, #tpu.memory_space<semaphore_mem>>) src(%dma_wait3A_430 : memref<32xi32, #tpu.memory_space<hbm>>) dst(%arg11 : memref<32xi32, #tpu.memory_space<vmem>>)
    %dma_wait3A_431 = tpu.memref_slice %arg5[%mul3A_338] : memref<81920xi32, #tpu.memory_space<hbm>> -> memref<320xi32, #tpu.memory_space<hbm>>
    %dma_wait3A_432 = tpu.memref_slice %arg5[%mul3A_338] : memref<81920xi32, #tpu.memory_space<hbm>> -> memref<320xi32, #tpu.memory_space<hbm>>
    tpu.wait_dma2 semaphore(%arg21 : memref<!tpu.dma_semaphore, #tpu.memory_space<semaphore_mem>>) src(%dma_wait3A_432 : memref<320xi32, #tpu.memory_space<hbm>>) dst(%arg13 : memref<320xi32, #tpu.memory_space<vmem>>)
    %dma_start3A_433 = arith.constant 0 : i32
    %dma_start3A_434 = arith.constant 0 : i32
    %dma_start3A_435 = tpu.memref_slice %arg2[%dma_start3A_433, %dma_start3A_434] : memref<100000x128xf32, #tpu.memory_space<hbm>> -> memref<100000x128xf32, #tpu.memory_space<hbm>>
    tpu.enqueue_indirect_dma source(%dma_start3A_435 : memref<100000x128xf32, #tpu.memory_space<hbm>>) target(%arg17 : memref<32x128xf32, #tpu.memory_space<vmem>>) offsets(%arg11 : memref<32xi32, #tpu.memory_space<vmem>>) semaphore(%arg23 : memref<!tpu.dma_semaphore, #tpu.memory_space<semaphore_mem>>)
    %dma_start3A_436 = arith.constant 0 : i32
    %dma_start3A_437 = arith.constant 0 : i32
    %dma_start3A_438 = tpu.memref_slice %arg15[%dma_start3A_436, %dma_start3A_437] : memref<320x128xf32, #tpu.memory_space<vmem>> -> memref<128x128xf32, #tpu.memory_space<vmem>>
    %dma_start3A_439 = arith.constant 0 : i32
    %dma_start3A_440 = tpu.memref_slice %arg9[%dma_start3A_439] : memref<320xi32, #tpu.memory_space<vmem>> -> memref<128xi32, #tpu.memory_space<vmem>>
    %dma_start3A_441 = arith.constant 0 : i32
    %dma_start3A_442 = arith.constant 0 : i32
    %dma_start3A_443 = tpu.memref_slice %arg2[%dma_start3A_441, %dma_start3A_442] : memref<100000x128xf32, #tpu.memory_space<hbm>> -> memref<100000x128xf32, #tpu.memory_space<hbm>>
    tpu.enqueue_indirect_dma source(%dma_start3A_443 : memref<100000x128xf32, #tpu.memory_space<hbm>>) target(%dma_start3A_438 : memref<128x128xf32, #tpu.memory_space<vmem>>) offsets(%dma_start3A_440 : memref<128xi32, #tpu.memory_space<vmem>>) semaphore(%arg23 : memref<!tpu.dma_semaphore, #tpu.memory_space<semaphore_mem>>)
    %dma_start3A_444 = arith.constant 128 : i32
    %dma_start3A_445 = arith.constant 0 : i32
    %dma_start3A_446 = tpu.memref_slice %arg15[%dma_start3A_444, %dma_start3A_445] : memref<320x128xf32, #tpu.memory_space<vmem>> -> memref<128x128xf32, #tpu.memory_space<vmem>>
    %dma_start3A_447 = arith.constant 128 : i32
    %dma_start3A_448 = tpu.memref_slice %arg9[%dma_start3A_447] : memref<320xi32, #tpu.memory_space<vmem>> -> memref<128xi32, #tpu.memory_space<vmem>>
    %dma_start3A_449 = arith.constant 0 : i32
    %dma_start3A_450 = arith.constant 0 : i32
    %dma_start3A_451 = tpu.memref_slice %arg2[%dma_start3A_449, %dma_start3A_450] : memref<100000x128xf32, #tpu.memory_space<hbm>> -> memref<100000x128xf32, #tpu.memory_space<hbm>>
    tpu.enqueue_indirect_dma source(%dma_start3A_451 : memref<100000x128xf32, #tpu.memory_space<hbm>>) target(%dma_start3A_446 : memref<128x128xf32, #tpu.memory_space<vmem>>) offsets(%dma_start3A_448 : memref<128xi32, #tpu.memory_space<vmem>>) semaphore(%arg23 : memref<!tpu.dma_semaphore, #tpu.memory_space<semaphore_mem>>)
    %dma_start3A_452 = arith.constant 256 : i32
    %dma_start3A_453 = arith.constant 0 : i32
    %dma_start3A_454 = tpu.memref_slice %arg15[%dma_start3A_452, %dma_start3A_453] : memref<320x128xf32, #tpu.memory_space<vmem>> -> memref<64x128xf32, #tpu.memory_space<vmem>>
    %dma_start3A_455 = arith.constant 256 : i32
    %dma_start3A_456 = tpu.memref_slice %arg9[%dma_start3A_455] : memref<320xi32, #tpu.memory_space<vmem>> -> memref<64xi32, #tpu.memory_space<vmem>>
    %dma_start3A_457 = arith.constant 0 : i32
    %dma_start3A_458 = arith.constant 0 : i32
    %dma_start3A_459 = tpu.memref_slice %arg2[%dma_start3A_457, %dma_start3A_458] : memref<100000x128xf32, #tpu.memory_space<hbm>> -> memref<100000x128xf32, #tpu.memory_space<hbm>>
    tpu.enqueue_indirect_dma source(%dma_start3A_459 : memref<100000x128xf32, #tpu.memory_space<hbm>>) target(%dma_start3A_454 : memref<64x128xf32, #tpu.memory_space<vmem>>) offsets(%dma_start3A_456 : memref<64xi32, #tpu.memory_space<vmem>>) semaphore(%arg23 : memref<!tpu.dma_semaphore, #tpu.memory_space<semaphore_mem>>)
    %mul3A_460 = arith.constant 4 : i32
    %mul3A_461 = arith.muli %add3A_385, %mul3A_460 : i32
    %dma_start3A_462 = arith.constant 0 : i32
    %dma_start3A_463 = tpu.memref_slice %arg7[%mul3A_461, %dma_start3A_462] : memref<32768x128xf32, #tpu.memory_space<hbm>> -> memref<128x128xf32, #tpu.memory_space<hbm>>
    %dma_start3A_464 = arith.constant 0 : i32
    %dma_start3A_465 = tpu.memref_slice %arg19[%mul3A_4, %dma_start3A_464] : memref<2048x128xf32, #tpu.memory_space<vmem_shared>> -> memref<128x128xf32, #tpu.memory_space<vmem_shared>>
    tpu.enqueue_dma source(%dma_start3A_465 : memref<128x128xf32, #tpu.memory_space<vmem_shared>>) target(%dma_start3A_463 : memref<128x128xf32, #tpu.memory_space<hbm>>) target_semaphore(%arg24 : memref<!tpu.dma_semaphore, #tpu.memory_space<semaphore_mem>>)
    "tpu.region"() ({
      %run_scoped3A = tpu.sem_alloc : memref<!tpu.dma_semaphore, #tpu.memory_space<semaphore_mem>>
      %dma_start3A_663 = arith.constant 0 : i32
      %dma_start3A_664 = tpu.memref_slice %arg6[%add3A_385, %dma_start3A_663] : memref<8192x128xf32, #tpu.memory_space<hbm>> -> memref<32x128xf32, #tpu.memory_space<hbm>>
      %dma_start3A_665 = arith.constant 0 : i32
      %dma_start3A_666 = tpu.memref_slice %arg6[%add3A_385, %dma_start3A_665] : memref<8192x128xf32, #tpu.memory_space<hbm>> -> memref<32x128xf32, #tpu.memory_space<hbm>>
      tpu.enqueue_dma source(%arg16 : memref<32x128xf32, #tpu.memory_space<vmem>>) target(%dma_start3A_666 : memref<32x128xf32, #tpu.memory_space<hbm>>) target_semaphore(%run_scoped3A : memref<!tpu.dma_semaphore, #tpu.memory_space<semaphore_mem>>)
      %dma_wait3A_667 = arith.constant 0 : i32
      %dma_wait3A_668 = tpu.memref_slice %arg6[%add3A_385, %dma_wait3A_667] : memref<8192x128xf32, #tpu.memory_space<hbm>> -> memref<32x128xf32, #tpu.memory_space<hbm>>
      %dma_wait3A_669 = arith.constant 0 : i32
      %dma_wait3A_670 = tpu.memref_slice %arg6[%add3A_385, %dma_wait3A_669] : memref<8192x128xf32, #tpu.memory_space<hbm>> -> memref<32x128xf32, #tpu.memory_space<hbm>>
      tpu.wait_dma2 semaphore(%run_scoped3A : memref<!tpu.dma_semaphore, #tpu.memory_space<semaphore_mem>>) src(%arg16 : memref<32x128xf32, #tpu.memory_space<vmem>>) dst(%dma_wait3A_670 : memref<32x128xf32, #tpu.memory_space<hbm>>)
      tpu.yield
    }) : () -> ()
    %add3A_466 = arith.constant 160 : i32
    %add3A_467 = arith.addi %mul3A_2, %add3A_466 : i32
    %dma_wait3A_468 = arith.constant 0 : i32
    %dma_wait3A_469 = arith.constant 0 : i32
    %dma_wait3A_470 = tpu.memref_slice %arg2[%dma_wait3A_468, %dma_wait3A_469] : memref<100000x128xf32, #tpu.memory_space<hbm>> -> memref<100000x128xf32, #tpu.memory_space<hbm>>
    tpu.wait_indirect_dma semaphore(%arg23 : memref<!tpu.dma_semaphore, #tpu.memory_space<semaphore_mem>>) src(%dma_wait3A_470 : memref<100000x128xf32, #tpu.memory_space<hbm>>) dst(%arg17 : memref<32x128xf32, #tpu.memory_space<vmem>>)
    %dma_wait3A_471 = arith.constant 0 : i32
    %dma_wait3A_472 = arith.constant 0 : i32
    %dma_wait3A_473 = tpu.memref_slice %arg15[%dma_wait3A_471, %dma_wait3A_472] : memref<320x128xf32, #tpu.memory_space<vmem>> -> memref<128x128xf32, #tpu.memory_space<vmem>>
    %dma_wait3A_474 = arith.constant 0 : i32
    %dma_wait3A_475 = tpu.memref_slice %arg9[%dma_wait3A_474] : memref<320xi32, #tpu.memory_space<vmem>> -> memref<128xi32, #tpu.memory_space<vmem>>
    %dma_wait3A_476 = arith.constant 0 : i32
    %dma_wait3A_477 = arith.constant 0 : i32
    %dma_wait3A_478 = tpu.memref_slice %arg2[%dma_wait3A_476, %dma_wait3A_477] : memref<100000x128xf32, #tpu.memory_space<hbm>> -> memref<100000x128xf32, #tpu.memory_space<hbm>>
    tpu.wait_indirect_dma semaphore(%arg23 : memref<!tpu.dma_semaphore, #tpu.memory_space<semaphore_mem>>) src(%dma_wait3A_478 : memref<100000x128xf32, #tpu.memory_space<hbm>>) dst(%dma_wait3A_473 : memref<128x128xf32, #tpu.memory_space<vmem>>)
    %dma_wait3A_479 = arith.constant 128 : i32
    %dma_wait3A_480 = arith.constant 0 : i32
    %dma_wait3A_481 = tpu.memref_slice %arg15[%dma_wait3A_479, %dma_wait3A_480] : memref<320x128xf32, #tpu.memory_space<vmem>> -> memref<128x128xf32, #tpu.memory_space<vmem>>
    %dma_wait3A_482 = arith.constant 128 : i32
    %dma_wait3A_483 = tpu.memref_slice %arg9[%dma_wait3A_482] : memref<320xi32, #tpu.memory_space<vmem>> -> memref<128xi32, #tpu.memory_space<vmem>>
    %dma_wait3A_484 = arith.constant 0 : i32
    %dma_wait3A_485 = arith.constant 0 : i32
    %dma_wait3A_486 = tpu.memref_slice %arg2[%dma_wait3A_484, %dma_wait3A_485] : memref<100000x128xf32, #tpu.memory_space<hbm>> -> memref<100000x128xf32, #tpu.memory_space<hbm>>
    tpu.wait_indirect_dma semaphore(%arg23 : memref<!tpu.dma_semaphore, #tpu.memory_space<semaphore_mem>>) src(%dma_wait3A_486 : memref<100000x128xf32, #tpu.memory_space<hbm>>) dst(%dma_wait3A_481 : memref<128x128xf32, #tpu.memory_space<vmem>>)
    %dma_wait3A_487 = arith.constant 256 : i32
    %dma_wait3A_488 = arith.constant 0 : i32
    %dma_wait3A_489 = tpu.memref_slice %arg15[%dma_wait3A_487, %dma_wait3A_488] : memref<320x128xf32, #tpu.memory_space<vmem>> -> memref<64x128xf32, #tpu.memory_space<vmem>>
    %dma_wait3A_490 = arith.constant 256 : i32
    %dma_wait3A_491 = tpu.memref_slice %arg9[%dma_wait3A_490] : memref<320xi32, #tpu.memory_space<vmem>> -> memref<64xi32, #tpu.memory_space<vmem>>
    %dma_wait3A_492 = arith.constant 0 : i32
    %dma_wait3A_493 = arith.constant 0 : i32
    %dma_wait3A_494 = tpu.memref_slice %arg2[%dma_wait3A_492, %dma_wait3A_493] : memref<100000x128xf32, #tpu.memory_space<hbm>> -> memref<100000x128xf32, #tpu.memory_space<hbm>>
    tpu.wait_indirect_dma semaphore(%arg23 : memref<!tpu.dma_semaphore, #tpu.memory_space<semaphore_mem>>) src(%dma_wait3A_494 : memref<100000x128xf32, #tpu.memory_space<hbm>>) dst(%dma_wait3A_489 : memref<64x128xf32, #tpu.memory_space<vmem>>)
    %dma_wait3A_495 = arith.constant 0 : i32
    %dma_wait3A_496 = tpu.memref_slice %arg7[%mul3A_461, %dma_wait3A_495] : memref<32768x128xf32, #tpu.memory_space<hbm>> -> memref<128x128xf32, #tpu.memory_space<hbm>>
    %dma_wait3A_497 = arith.constant 0 : i32
    %dma_wait3A_498 = tpu.memref_slice %arg19[%mul3A_4, %dma_wait3A_497] : memref<2048x128xf32, #tpu.memory_space<vmem_shared>> -> memref<128x128xf32, #tpu.memory_space<vmem_shared>>
    tpu.wait_dma2 semaphore(%arg24 : memref<!tpu.dma_semaphore, #tpu.memory_space<semaphore_mem>>) src(%dma_wait3A_498 : memref<128x128xf32, #tpu.memory_space<vmem_shared>>) dst(%dma_wait3A_496 : memref<128x128xf32, #tpu.memory_space<hbm>>)
    "tpu.region"() ({
      %run_scoped3A = tpu.sem_alloc : memref<!tpu.dma_semaphore, #tpu.memory_space<semaphore_mem>>
      %dma_start3A_663 = arith.constant 0 : i32
      %dma_start3A_664 = tpu.memref_slice %arg19[%mul3A_4, %dma_start3A_663] : memref<2048x128xf32, #tpu.memory_space<vmem_shared>> -> memref<128x128xf32, #tpu.memory_space<vmem_shared>>
      %dma_start3A_665 = arith.constant 0 : i32
      %dma_start3A_666 = tpu.memref_slice %arg19[%mul3A_4, %dma_start3A_665] : memref<2048x128xf32, #tpu.memory_space<vmem_shared>> -> memref<128x128xf32, #tpu.memory_space<vmem_shared>>
      tpu.enqueue_dma source(%arg18 : memref<128x128xf32, #tpu.memory_space<vmem>>) target(%dma_start3A_666 : memref<128x128xf32, #tpu.memory_space<vmem_shared>>) target_semaphore(%run_scoped3A : memref<!tpu.dma_semaphore, #tpu.memory_space<semaphore_mem>>)
      %dma_wait3A_667 = arith.constant 0 : i32
      %dma_wait3A_668 = tpu.memref_slice %arg19[%mul3A_4, %dma_wait3A_667] : memref<2048x128xf32, #tpu.memory_space<vmem_shared>> -> memref<128x128xf32, #tpu.memory_space<vmem_shared>>
      %dma_wait3A_669 = arith.constant 0 : i32
      %dma_wait3A_670 = tpu.memref_slice %arg19[%mul3A_4, %dma_wait3A_669] : memref<2048x128xf32, #tpu.memory_space<vmem_shared>> -> memref<128x128xf32, #tpu.memory_space<vmem_shared>>
      tpu.wait_dma2 semaphore(%run_scoped3A : memref<!tpu.dma_semaphore, #tpu.memory_space<semaphore_mem>>) src(%arg18 : memref<128x128xf32, #tpu.memory_space<vmem>>) dst(%dma_wait3A_670 : memref<128x128xf32, #tpu.memory_space<vmem_shared>>)
      tpu.yield
    }) : () -> ()
    "tpu.region"() ({
      %run_scoped3A = tpu.sem_alloc : memref<!tpu.dma_semaphore, #tpu.memory_space<semaphore_mem>>
      %dma_start3A_663 = arith.constant 0 : i32
      %dma_start3A_664 = arith.constant 0 : i32
      %dma_start3A_665 = tpu.memref_slice %arg19[%dma_start3A_663, %dma_start3A_664] : memref<2048x128xf32, #tpu.memory_space<vmem_shared>> -> memref<2048x128xf32, #tpu.memory_space<vmem_shared>>
      tpu.enqueue_indirect_dma source(%arg15 : memref<320x128xf32, #tpu.memory_space<vmem>>) target(%dma_start3A_665 : memref<2048x128xf32, #tpu.memory_space<vmem_shared>>) offsets(%arg13 : memref<320xi32, #tpu.memory_space<vmem>>) semaphore(%run_scoped3A : memref<!tpu.dma_semaphore, #tpu.memory_space<semaphore_mem>>) {add = true}
      %dma_wait3A_666 = arith.constant 0 : i32
      %dma_wait3A_667 = arith.constant 0 : i32
      %dma_wait3A_668 = tpu.memref_slice %arg19[%dma_wait3A_666, %dma_wait3A_667] : memref<2048x128xf32, #tpu.memory_space<vmem_shared>> -> memref<2048x128xf32, #tpu.memory_space<vmem_shared>>
      tpu.wait_indirect_dma semaphore(%run_scoped3A : memref<!tpu.dma_semaphore, #tpu.memory_space<semaphore_mem>>) src(%arg15 : memref<320x128xf32, #tpu.memory_space<vmem>>) dst(%dma_wait3A_668 : memref<2048x128xf32, #tpu.memory_space<vmem_shared>>)
      tpu.yield
    }) : () -> ()
    %add3A_499 = arith.constant 224 : i32
    %add3A_500 = arith.addi %mul3A_2, %add3A_499 : i32
    %mul3A_501 = arith.constant 10 : i32
    %mul3A_502 = arith.muli %add3A_500, %mul3A_501 : i32
    %dma_start3A_503 = tpu.memref_slice %arg4[%mul3A_502] : memref<81920xi32, #tpu.memory_space<hbm>> -> memref<320xi32, #tpu.memory_space<hbm>>
    %dma_start3A_504 = tpu.memref_slice %arg4[%mul3A_502] : memref<81920xi32, #tpu.memory_space<hbm>> -> memref<320xi32, #tpu.memory_space<hbm>>
    tpu.enqueue_dma source(%dma_start3A_504 : memref<320xi32, #tpu.memory_space<hbm>>) target(%arg9 : memref<320xi32, #tpu.memory_space<vmem>>) target_semaphore(%arg21 : memref<!tpu.dma_semaphore, #tpu.memory_space<semaphore_mem>>)
    %dma_start3A_505 = tpu.memref_slice %arg3[%add3A_500] : memref<8192xi32, #tpu.memory_space<hbm>> -> memref<32xi32, #tpu.memory_space<hbm>>
    %dma_start3A_506 = tpu.memref_slice %arg3[%add3A_500] : memref<8192xi32, #tpu.memory_space<hbm>> -> memref<32xi32, #tpu.memory_space<hbm>>
    tpu.enqueue_dma source(%dma_start3A_506 : memref<32xi32, #tpu.memory_space<hbm>>) target(%arg11 : memref<32xi32, #tpu.memory_space<vmem>>) target_semaphore(%arg21 : memref<!tpu.dma_semaphore, #tpu.memory_space<semaphore_mem>>)
    %dma_start3A_507 = tpu.memref_slice %arg5[%mul3A_502] : memref<81920xi32, #tpu.memory_space<hbm>> -> memref<320xi32, #tpu.memory_space<hbm>>
    %dma_start3A_508 = tpu.memref_slice %arg5[%mul3A_502] : memref<81920xi32, #tpu.memory_space<hbm>> -> memref<320xi32, #tpu.memory_space<hbm>>
    tpu.enqueue_dma source(%dma_start3A_508 : memref<320xi32, #tpu.memory_space<hbm>>) target(%arg13 : memref<320xi32, #tpu.memory_space<vmem>>) target_semaphore(%arg21 : memref<!tpu.dma_semaphore, #tpu.memory_space<semaphore_mem>>)
    %dma_wait3A_509 = tpu.memref_slice %arg4[%mul3A_420] : memref<81920xi32, #tpu.memory_space<hbm>> -> memref<320xi32, #tpu.memory_space<hbm>>
    %dma_wait3A_510 = tpu.memref_slice %arg4[%mul3A_420] : memref<81920xi32, #tpu.memory_space<hbm>> -> memref<320xi32, #tpu.memory_space<hbm>>
    tpu.wait_dma2 semaphore(%arg20 : memref<!tpu.dma_semaphore, #tpu.memory_space<semaphore_mem>>) src(%dma_wait3A_510 : memref<320xi32, #tpu.memory_space<hbm>>) dst(%arg8 : memref<320xi32, #tpu.memory_space<vmem>>)
    %dma_wait3A_511 = tpu.memref_slice %arg3[%add3A_418] : memref<8192xi32, #tpu.memory_space<hbm>> -> memref<32xi32, #tpu.memory_space<hbm>>
    %dma_wait3A_512 = tpu.memref_slice %arg3[%add3A_418] : memref<8192xi32, #tpu.memory_space<hbm>> -> memref<32xi32, #tpu.memory_space<hbm>>
    tpu.wait_dma2 semaphore(%arg20 : memref<!tpu.dma_semaphore, #tpu.memory_space<semaphore_mem>>) src(%dma_wait3A_512 : memref<32xi32, #tpu.memory_space<hbm>>) dst(%arg10 : memref<32xi32, #tpu.memory_space<vmem>>)
    %dma_wait3A_513 = tpu.memref_slice %arg5[%mul3A_420] : memref<81920xi32, #tpu.memory_space<hbm>> -> memref<320xi32, #tpu.memory_space<hbm>>
    %dma_wait3A_514 = tpu.memref_slice %arg5[%mul3A_420] : memref<81920xi32, #tpu.memory_space<hbm>> -> memref<320xi32, #tpu.memory_space<hbm>>
    tpu.wait_dma2 semaphore(%arg20 : memref<!tpu.dma_semaphore, #tpu.memory_space<semaphore_mem>>) src(%dma_wait3A_514 : memref<320xi32, #tpu.memory_space<hbm>>) dst(%arg12 : memref<320xi32, #tpu.memory_space<vmem>>)
    %dma_start3A_515 = arith.constant 0 : i32
    %dma_start3A_516 = arith.constant 0 : i32
    %dma_start3A_517 = tpu.memref_slice %arg2[%dma_start3A_515, %dma_start3A_516] : memref<100000x128xf32, #tpu.memory_space<hbm>> -> memref<100000x128xf32, #tpu.memory_space<hbm>>
    tpu.enqueue_indirect_dma source(%dma_start3A_517 : memref<100000x128xf32, #tpu.memory_space<hbm>>) target(%arg16 : memref<32x128xf32, #tpu.memory_space<vmem>>) offsets(%arg10 : memref<32xi32, #tpu.memory_space<vmem>>) semaphore(%arg22 : memref<!tpu.dma_semaphore, #tpu.memory_space<semaphore_mem>>)
    %dma_start3A_518 = arith.constant 0 : i32
    %dma_start3A_519 = arith.constant 0 : i32
    %dma_start3A_520 = tpu.memref_slice %arg14[%dma_start3A_518, %dma_start3A_519] : memref<320x128xf32, #tpu.memory_space<vmem>> -> memref<128x128xf32, #tpu.memory_space<vmem>>
    %dma_start3A_521 = arith.constant 0 : i32
    %dma_start3A_522 = tpu.memref_slice %arg8[%dma_start3A_521] : memref<320xi32, #tpu.memory_space<vmem>> -> memref<128xi32, #tpu.memory_space<vmem>>
    %dma_start3A_523 = arith.constant 0 : i32
    %dma_start3A_524 = arith.constant 0 : i32
    %dma_start3A_525 = tpu.memref_slice %arg2[%dma_start3A_523, %dma_start3A_524] : memref<100000x128xf32, #tpu.memory_space<hbm>> -> memref<100000x128xf32, #tpu.memory_space<hbm>>
    tpu.enqueue_indirect_dma source(%dma_start3A_525 : memref<100000x128xf32, #tpu.memory_space<hbm>>) target(%dma_start3A_520 : memref<128x128xf32, #tpu.memory_space<vmem>>) offsets(%dma_start3A_522 : memref<128xi32, #tpu.memory_space<vmem>>) semaphore(%arg22 : memref<!tpu.dma_semaphore, #tpu.memory_space<semaphore_mem>>)
    %dma_start3A_526 = arith.constant 128 : i32
    %dma_start3A_527 = arith.constant 0 : i32
    %dma_start3A_528 = tpu.memref_slice %arg14[%dma_start3A_526, %dma_start3A_527] : memref<320x128xf32, #tpu.memory_space<vmem>> -> memref<128x128xf32, #tpu.memory_space<vmem>>
    %dma_start3A_529 = arith.constant 128 : i32
    %dma_start3A_530 = tpu.memref_slice %arg8[%dma_start3A_529] : memref<320xi32, #tpu.memory_space<vmem>> -> memref<128xi32, #tpu.memory_space<vmem>>
    %dma_start3A_531 = arith.constant 0 : i32
    %dma_start3A_532 = arith.constant 0 : i32
    %dma_start3A_533 = tpu.memref_slice %arg2[%dma_start3A_531, %dma_start3A_532] : memref<100000x128xf32, #tpu.memory_space<hbm>> -> memref<100000x128xf32, #tpu.memory_space<hbm>>
    tpu.enqueue_indirect_dma source(%dma_start3A_533 : memref<100000x128xf32, #tpu.memory_space<hbm>>) target(%dma_start3A_528 : memref<128x128xf32, #tpu.memory_space<vmem>>) offsets(%dma_start3A_530 : memref<128xi32, #tpu.memory_space<vmem>>) semaphore(%arg22 : memref<!tpu.dma_semaphore, #tpu.memory_space<semaphore_mem>>)
    %dma_start3A_534 = arith.constant 256 : i32
    %dma_start3A_535 = arith.constant 0 : i32
    %dma_start3A_536 = tpu.memref_slice %arg14[%dma_start3A_534, %dma_start3A_535] : memref<320x128xf32, #tpu.memory_space<vmem>> -> memref<64x128xf32, #tpu.memory_space<vmem>>
    %dma_start3A_537 = arith.constant 256 : i32
    %dma_start3A_538 = tpu.memref_slice %arg8[%dma_start3A_537] : memref<320xi32, #tpu.memory_space<vmem>> -> memref<64xi32, #tpu.memory_space<vmem>>
    %dma_start3A_539 = arith.constant 0 : i32
    %dma_start3A_540 = arith.constant 0 : i32
    %dma_start3A_541 = tpu.memref_slice %arg2[%dma_start3A_539, %dma_start3A_540] : memref<100000x128xf32, #tpu.memory_space<hbm>> -> memref<100000x128xf32, #tpu.memory_space<hbm>>
    tpu.enqueue_indirect_dma source(%dma_start3A_541 : memref<100000x128xf32, #tpu.memory_space<hbm>>) target(%dma_start3A_536 : memref<64x128xf32, #tpu.memory_space<vmem>>) offsets(%dma_start3A_538 : memref<64xi32, #tpu.memory_space<vmem>>) semaphore(%arg22 : memref<!tpu.dma_semaphore, #tpu.memory_space<semaphore_mem>>)
    %mul3A_542 = arith.constant 4 : i32
    %mul3A_543 = arith.muli %add3A_467, %mul3A_542 : i32
    %dma_start3A_544 = arith.constant 0 : i32
    %dma_start3A_545 = tpu.memref_slice %arg7[%mul3A_543, %dma_start3A_544] : memref<32768x128xf32, #tpu.memory_space<hbm>> -> memref<128x128xf32, #tpu.memory_space<hbm>>
    %dma_start3A_546 = arith.constant 0 : i32
    %dma_start3A_547 = tpu.memref_slice %arg19[%mul3A_4, %dma_start3A_546] : memref<2048x128xf32, #tpu.memory_space<vmem_shared>> -> memref<128x128xf32, #tpu.memory_space<vmem_shared>>
    tpu.enqueue_dma source(%dma_start3A_547 : memref<128x128xf32, #tpu.memory_space<vmem_shared>>) target(%dma_start3A_545 : memref<128x128xf32, #tpu.memory_space<hbm>>) target_semaphore(%arg24 : memref<!tpu.dma_semaphore, #tpu.memory_space<semaphore_mem>>)
    "tpu.region"() ({
      %run_scoped3A = tpu.sem_alloc : memref<!tpu.dma_semaphore, #tpu.memory_space<semaphore_mem>>
      %dma_start3A_663 = arith.constant 0 : i32
      %dma_start3A_664 = tpu.memref_slice %arg6[%add3A_467, %dma_start3A_663] : memref<8192x128xf32, #tpu.memory_space<hbm>> -> memref<32x128xf32, #tpu.memory_space<hbm>>
      %dma_start3A_665 = arith.constant 0 : i32
      %dma_start3A_666 = tpu.memref_slice %arg6[%add3A_467, %dma_start3A_665] : memref<8192x128xf32, #tpu.memory_space<hbm>> -> memref<32x128xf32, #tpu.memory_space<hbm>>
      tpu.enqueue_dma source(%arg17 : memref<32x128xf32, #tpu.memory_space<vmem>>) target(%dma_start3A_666 : memref<32x128xf32, #tpu.memory_space<hbm>>) target_semaphore(%run_scoped3A : memref<!tpu.dma_semaphore, #tpu.memory_space<semaphore_mem>>)
      %dma_wait3A_667 = arith.constant 0 : i32
      %dma_wait3A_668 = tpu.memref_slice %arg6[%add3A_467, %dma_wait3A_667] : memref<8192x128xf32, #tpu.memory_space<hbm>> -> memref<32x128xf32, #tpu.memory_space<hbm>>
      %dma_wait3A_669 = arith.constant 0 : i32
      %dma_wait3A_670 = tpu.memref_slice %arg6[%add3A_467, %dma_wait3A_669] : memref<8192x128xf32, #tpu.memory_space<hbm>> -> memref<32x128xf32, #tpu.memory_space<hbm>>
      tpu.wait_dma2 semaphore(%run_scoped3A : memref<!tpu.dma_semaphore, #tpu.memory_space<semaphore_mem>>) src(%arg17 : memref<32x128xf32, #tpu.memory_space<vmem>>) dst(%dma_wait3A_670 : memref<32x128xf32, #tpu.memory_space<hbm>>)
      tpu.yield
    }) : () -> ()
    %add3A_548 = arith.constant 192 : i32
    %add3A_549 = arith.addi %mul3A_2, %add3A_548 : i32
    %dma_wait3A_550 = arith.constant 0 : i32
    %dma_wait3A_551 = arith.constant 0 : i32
    %dma_wait3A_552 = tpu.memref_slice %arg2[%dma_wait3A_550, %dma_wait3A_551] : memref<100000x128xf32, #tpu.memory_space<hbm>> -> memref<100000x128xf32, #tpu.memory_space<hbm>>
    tpu.wait_indirect_dma semaphore(%arg22 : memref<!tpu.dma_semaphore, #tpu.memory_space<semaphore_mem>>) src(%dma_wait3A_552 : memref<100000x128xf32, #tpu.memory_space<hbm>>) dst(%arg16 : memref<32x128xf32, #tpu.memory_space<vmem>>)
    %dma_wait3A_553 = arith.constant 0 : i32
    %dma_wait3A_554 = arith.constant 0 : i32
    %dma_wait3A_555 = tpu.memref_slice %arg14[%dma_wait3A_553, %dma_wait3A_554] : memref<320x128xf32, #tpu.memory_space<vmem>> -> memref<128x128xf32, #tpu.memory_space<vmem>>
    %dma_wait3A_556 = arith.constant 0 : i32
    %dma_wait3A_557 = tpu.memref_slice %arg8[%dma_wait3A_556] : memref<320xi32, #tpu.memory_space<vmem>> -> memref<128xi32, #tpu.memory_space<vmem>>
    %dma_wait3A_558 = arith.constant 0 : i32
    %dma_wait3A_559 = arith.constant 0 : i32
    %dma_wait3A_560 = tpu.memref_slice %arg2[%dma_wait3A_558, %dma_wait3A_559] : memref<100000x128xf32, #tpu.memory_space<hbm>> -> memref<100000x128xf32, #tpu.memory_space<hbm>>
    tpu.wait_indirect_dma semaphore(%arg22 : memref<!tpu.dma_semaphore, #tpu.memory_space<semaphore_mem>>) src(%dma_wait3A_560 : memref<100000x128xf32, #tpu.memory_space<hbm>>) dst(%dma_wait3A_555 : memref<128x128xf32, #tpu.memory_space<vmem>>)
    %dma_wait3A_561 = arith.constant 128 : i32
    %dma_wait3A_562 = arith.constant 0 : i32
    %dma_wait3A_563 = tpu.memref_slice %arg14[%dma_wait3A_561, %dma_wait3A_562] : memref<320x128xf32, #tpu.memory_space<vmem>> -> memref<128x128xf32, #tpu.memory_space<vmem>>
    %dma_wait3A_564 = arith.constant 128 : i32
    %dma_wait3A_565 = tpu.memref_slice %arg8[%dma_wait3A_564] : memref<320xi32, #tpu.memory_space<vmem>> -> memref<128xi32, #tpu.memory_space<vmem>>
    %dma_wait3A_566 = arith.constant 0 : i32
    %dma_wait3A_567 = arith.constant 0 : i32
    %dma_wait3A_568 = tpu.memref_slice %arg2[%dma_wait3A_566, %dma_wait3A_567] : memref<100000x128xf32, #tpu.memory_space<hbm>> -> memref<100000x128xf32, #tpu.memory_space<hbm>>
    tpu.wait_indirect_dma semaphore(%arg22 : memref<!tpu.dma_semaphore, #tpu.memory_space<semaphore_mem>>) src(%dma_wait3A_568 : memref<100000x128xf32, #tpu.memory_space<hbm>>) dst(%dma_wait3A_563 : memref<128x128xf32, #tpu.memory_space<vmem>>)
    %dma_wait3A_569 = arith.constant 256 : i32
    %dma_wait3A_570 = arith.constant 0 : i32
    %dma_wait3A_571 = tpu.memref_slice %arg14[%dma_wait3A_569, %dma_wait3A_570] : memref<320x128xf32, #tpu.memory_space<vmem>> -> memref<64x128xf32, #tpu.memory_space<vmem>>
    %dma_wait3A_572 = arith.constant 256 : i32
    %dma_wait3A_573 = tpu.memref_slice %arg8[%dma_wait3A_572] : memref<320xi32, #tpu.memory_space<vmem>> -> memref<64xi32, #tpu.memory_space<vmem>>
    %dma_wait3A_574 = arith.constant 0 : i32
    %dma_wait3A_575 = arith.constant 0 : i32
    %dma_wait3A_576 = tpu.memref_slice %arg2[%dma_wait3A_574, %dma_wait3A_575] : memref<100000x128xf32, #tpu.memory_space<hbm>> -> memref<100000x128xf32, #tpu.memory_space<hbm>>
    tpu.wait_indirect_dma semaphore(%arg22 : memref<!tpu.dma_semaphore, #tpu.memory_space<semaphore_mem>>) src(%dma_wait3A_576 : memref<100000x128xf32, #tpu.memory_space<hbm>>) dst(%dma_wait3A_571 : memref<64x128xf32, #tpu.memory_space<vmem>>)
    %dma_wait3A_577 = arith.constant 0 : i32
    %dma_wait3A_578 = tpu.memref_slice %arg7[%mul3A_543, %dma_wait3A_577] : memref<32768x128xf32, #tpu.memory_space<hbm>> -> memref<128x128xf32, #tpu.memory_space<hbm>>
    %dma_wait3A_579 = arith.constant 0 : i32
    %dma_wait3A_580 = tpu.memref_slice %arg19[%mul3A_4, %dma_wait3A_579] : memref<2048x128xf32, #tpu.memory_space<vmem_shared>> -> memref<128x128xf32, #tpu.memory_space<vmem_shared>>
    tpu.wait_dma2 semaphore(%arg24 : memref<!tpu.dma_semaphore, #tpu.memory_space<semaphore_mem>>) src(%dma_wait3A_580 : memref<128x128xf32, #tpu.memory_space<vmem_shared>>) dst(%dma_wait3A_578 : memref<128x128xf32, #tpu.memory_space<hbm>>)
    "tpu.region"() ({
      %run_scoped3A = tpu.sem_alloc : memref<!tpu.dma_semaphore, #tpu.memory_space<semaphore_mem>>
      %dma_start3A_663 = arith.constant 0 : i32
      %dma_start3A_664 = tpu.memref_slice %arg19[%mul3A_4, %dma_start3A_663] : memref<2048x128xf32, #tpu.memory_space<vmem_shared>> -> memref<128x128xf32, #tpu.memory_space<vmem_shared>>
      %dma_start3A_665 = arith.constant 0 : i32
      %dma_start3A_666 = tpu.memref_slice %arg19[%mul3A_4, %dma_start3A_665] : memref<2048x128xf32, #tpu.memory_space<vmem_shared>> -> memref<128x128xf32, #tpu.memory_space<vmem_shared>>
      tpu.enqueue_dma source(%arg18 : memref<128x128xf32, #tpu.memory_space<vmem>>) target(%dma_start3A_666 : memref<128x128xf32, #tpu.memory_space<vmem_shared>>) target_semaphore(%run_scoped3A : memref<!tpu.dma_semaphore, #tpu.memory_space<semaphore_mem>>)
      %dma_wait3A_667 = arith.constant 0 : i32
      %dma_wait3A_668 = tpu.memref_slice %arg19[%mul3A_4, %dma_wait3A_667] : memref<2048x128xf32, #tpu.memory_space<vmem_shared>> -> memref<128x128xf32, #tpu.memory_space<vmem_shared>>
      %dma_wait3A_669 = arith.constant 0 : i32
      %dma_wait3A_670 = tpu.memref_slice %arg19[%mul3A_4, %dma_wait3A_669] : memref<2048x128xf32, #tpu.memory_space<vmem_shared>> -> memref<128x128xf32, #tpu.memory_space<vmem_shared>>
      tpu.wait_dma2 semaphore(%run_scoped3A : memref<!tpu.dma_semaphore, #tpu.memory_space<semaphore_mem>>) src(%arg18 : memref<128x128xf32, #tpu.memory_space<vmem>>) dst(%dma_wait3A_670 : memref<128x128xf32, #tpu.memory_space<vmem_shared>>)
      tpu.yield
    }) : () -> ()
    "tpu.region"() ({
      %run_scoped3A = tpu.sem_alloc : memref<!tpu.dma_semaphore, #tpu.memory_space<semaphore_mem>>
      %dma_start3A_663 = arith.constant 0 : i32
      %dma_start3A_664 = arith.constant 0 : i32
      %dma_start3A_665 = tpu.memref_slice %arg19[%dma_start3A_663, %dma_start3A_664] : memref<2048x128xf32, #tpu.memory_space<vmem_shared>> -> memref<2048x128xf32, #tpu.memory_space<vmem_shared>>
      tpu.enqueue_indirect_dma source(%arg14 : memref<320x128xf32, #tpu.memory_space<vmem>>) target(%dma_start3A_665 : memref<2048x128xf32, #tpu.memory_space<vmem_shared>>) offsets(%arg12 : memref<320xi32, #tpu.memory_space<vmem>>) semaphore(%run_scoped3A : memref<!tpu.dma_semaphore, #tpu.memory_space<semaphore_mem>>) {add = true}
      %dma_wait3A_666 = arith.constant 0 : i32
      %dma_wait3A_667 = arith.constant 0 : i32
      %dma_wait3A_668 = tpu.memref_slice %arg19[%dma_wait3A_666, %dma_wait3A_667] : memref<2048x128xf32, #tpu.memory_space<vmem_shared>> -> memref<2048x128xf32, #tpu.memory_space<vmem_shared>>
      tpu.wait_indirect_dma semaphore(%run_scoped3A : memref<!tpu.dma_semaphore, #tpu.memory_space<semaphore_mem>>) src(%arg14 : memref<320x128xf32, #tpu.memory_space<vmem>>) dst(%dma_wait3A_668 : memref<2048x128xf32, #tpu.memory_space<vmem_shared>>)
      tpu.yield
    }) : () -> ()
    %dma_wait3A_581 = tpu.memref_slice %arg4[%mul3A_502] : memref<81920xi32, #tpu.memory_space<hbm>> -> memref<320xi32, #tpu.memory_space<hbm>>
    %dma_wait3A_582 = tpu.memref_slice %arg4[%mul3A_502] : memref<81920xi32, #tpu.memory_space<hbm>> -> memref<320xi32, #tpu.memory_space<hbm>>
    tpu.wait_dma2 semaphore(%arg21 : memref<!tpu.dma_semaphore, #tpu.memory_space<semaphore_mem>>) src(%dma_wait3A_582 : memref<320xi32, #tpu.memory_space<hbm>>) dst(%arg9 : memref<320xi32, #tpu.memory_space<vmem>>)
    %dma_wait3A_583 = tpu.memref_slice %arg3[%add3A_500] : memref<8192xi32, #tpu.memory_space<hbm>> -> memref<32xi32, #tpu.memory_space<hbm>>
    %dma_wait3A_584 = tpu.memref_slice %arg3[%add3A_500] : memref<8192xi32, #tpu.memory_space<hbm>> -> memref<32xi32, #tpu.memory_space<hbm>>
    tpu.wait_dma2 semaphore(%arg21 : memref<!tpu.dma_semaphore, #tpu.memory_space<semaphore_mem>>) src(%dma_wait3A_584 : memref<32xi32, #tpu.memory_space<hbm>>) dst(%arg11 : memref<32xi32, #tpu.memory_space<vmem>>)
    %dma_wait3A_585 = tpu.memref_slice %arg5[%mul3A_502] : memref<81920xi32, #tpu.memory_space<hbm>> -> memref<320xi32, #tpu.memory_space<hbm>>
    %dma_wait3A_586 = tpu.memref_slice %arg5[%mul3A_502] : memref<81920xi32, #tpu.memory_space<hbm>> -> memref<320xi32, #tpu.memory_space<hbm>>
    tpu.wait_dma2 semaphore(%arg21 : memref<!tpu.dma_semaphore, #tpu.memory_space<semaphore_mem>>) src(%dma_wait3A_586 : memref<320xi32, #tpu.memory_space<hbm>>) dst(%arg13 : memref<320xi32, #tpu.memory_space<vmem>>)
    %dma_start3A_587 = arith.constant 0 : i32
    %dma_start3A_588 = arith.constant 0 : i32
    %dma_start3A_589 = tpu.memref_slice %arg2[%dma_start3A_587, %dma_start3A_588] : memref<100000x128xf32, #tpu.memory_space<hbm>> -> memref<100000x128xf32, #tpu.memory_space<hbm>>
    tpu.enqueue_indirect_dma source(%dma_start3A_589 : memref<100000x128xf32, #tpu.memory_space<hbm>>) target(%arg17 : memref<32x128xf32, #tpu.memory_space<vmem>>) offsets(%arg11 : memref<32xi32, #tpu.memory_space<vmem>>) semaphore(%arg23 : memref<!tpu.dma_semaphore, #tpu.memory_space<semaphore_mem>>)
    %dma_start3A_590 = arith.constant 0 : i32
    %dma_start3A_591 = arith.constant 0 : i32
    %dma_start3A_592 = tpu.memref_slice %arg15[%dma_start3A_590, %dma_start3A_591] : memref<320x128xf32, #tpu.memory_space<vmem>> -> memref<128x128xf32, #tpu.memory_space<vmem>>
    %dma_start3A_593 = arith.constant 0 : i32
    %dma_start3A_594 = tpu.memref_slice %arg9[%dma_start3A_593] : memref<320xi32, #tpu.memory_space<vmem>> -> memref<128xi32, #tpu.memory_space<vmem>>
    %dma_start3A_595 = arith.constant 0 : i32
    %dma_start3A_596 = arith.constant 0 : i32
    %dma_start3A_597 = tpu.memref_slice %arg2[%dma_start3A_595, %dma_start3A_596] : memref<100000x128xf32, #tpu.memory_space<hbm>> -> memref<100000x128xf32, #tpu.memory_space<hbm>>
    tpu.enqueue_indirect_dma source(%dma_start3A_597 : memref<100000x128xf32, #tpu.memory_space<hbm>>) target(%dma_start3A_592 : memref<128x128xf32, #tpu.memory_space<vmem>>) offsets(%dma_start3A_594 : memref<128xi32, #tpu.memory_space<vmem>>) semaphore(%arg23 : memref<!tpu.dma_semaphore, #tpu.memory_space<semaphore_mem>>)
    %dma_start3A_598 = arith.constant 128 : i32
    %dma_start3A_599 = arith.constant 0 : i32
    %dma_start3A_600 = tpu.memref_slice %arg15[%dma_start3A_598, %dma_start3A_599] : memref<320x128xf32, #tpu.memory_space<vmem>> -> memref<128x128xf32, #tpu.memory_space<vmem>>
    %dma_start3A_601 = arith.constant 128 : i32
    %dma_start3A_602 = tpu.memref_slice %arg9[%dma_start3A_601] : memref<320xi32, #tpu.memory_space<vmem>> -> memref<128xi32, #tpu.memory_space<vmem>>
    %dma_start3A_603 = arith.constant 0 : i32
    %dma_start3A_604 = arith.constant 0 : i32
    %dma_start3A_605 = tpu.memref_slice %arg2[%dma_start3A_603, %dma_start3A_604] : memref<100000x128xf32, #tpu.memory_space<hbm>> -> memref<100000x128xf32, #tpu.memory_space<hbm>>
    tpu.enqueue_indirect_dma source(%dma_start3A_605 : memref<100000x128xf32, #tpu.memory_space<hbm>>) target(%dma_start3A_600 : memref<128x128xf32, #tpu.memory_space<vmem>>) offsets(%dma_start3A_602 : memref<128xi32, #tpu.memory_space<vmem>>) semaphore(%arg23 : memref<!tpu.dma_semaphore, #tpu.memory_space<semaphore_mem>>)
    %dma_start3A_606 = arith.constant 256 : i32
    %dma_start3A_607 = arith.constant 0 : i32
    %dma_start3A_608 = tpu.memref_slice %arg15[%dma_start3A_606, %dma_start3A_607] : memref<320x128xf32, #tpu.memory_space<vmem>> -> memref<64x128xf32, #tpu.memory_space<vmem>>
    %dma_start3A_609 = arith.constant 256 : i32
    %dma_start3A_610 = tpu.memref_slice %arg9[%dma_start3A_609] : memref<320xi32, #tpu.memory_space<vmem>> -> memref<64xi32, #tpu.memory_space<vmem>>
    %dma_start3A_611 = arith.constant 0 : i32
    %dma_start3A_612 = arith.constant 0 : i32
    %dma_start3A_613 = tpu.memref_slice %arg2[%dma_start3A_611, %dma_start3A_612] : memref<100000x128xf32, #tpu.memory_space<hbm>> -> memref<100000x128xf32, #tpu.memory_space<hbm>>
    tpu.enqueue_indirect_dma source(%dma_start3A_613 : memref<100000x128xf32, #tpu.memory_space<hbm>>) target(%dma_start3A_608 : memref<64x128xf32, #tpu.memory_space<vmem>>) offsets(%dma_start3A_610 : memref<64xi32, #tpu.memory_space<vmem>>) semaphore(%arg23 : memref<!tpu.dma_semaphore, #tpu.memory_space<semaphore_mem>>)
    %mul3A_614 = arith.constant 4 : i32
    %mul3A_615 = arith.muli %add3A_549, %mul3A_614 : i32
    %dma_start3A_616 = arith.constant 0 : i32
    %dma_start3A_617 = tpu.memref_slice %arg7[%mul3A_615, %dma_start3A_616] : memref<32768x128xf32, #tpu.memory_space<hbm>> -> memref<128x128xf32, #tpu.memory_space<hbm>>
    %dma_start3A_618 = arith.constant 0 : i32
    %dma_start3A_619 = tpu.memref_slice %arg19[%mul3A_4, %dma_start3A_618] : memref<2048x128xf32, #tpu.memory_space<vmem_shared>> -> memref<128x128xf32, #tpu.memory_space<vmem_shared>>
    tpu.enqueue_dma source(%dma_start3A_619 : memref<128x128xf32, #tpu.memory_space<vmem_shared>>) target(%dma_start3A_617 : memref<128x128xf32, #tpu.memory_space<hbm>>) target_semaphore(%arg24 : memref<!tpu.dma_semaphore, #tpu.memory_space<semaphore_mem>>)
    "tpu.region"() ({
      %run_scoped3A = tpu.sem_alloc : memref<!tpu.dma_semaphore, #tpu.memory_space<semaphore_mem>>
      %dma_start3A_663 = arith.constant 0 : i32
      %dma_start3A_664 = tpu.memref_slice %arg6[%add3A_549, %dma_start3A_663] : memref<8192x128xf32, #tpu.memory_space<hbm>> -> memref<32x128xf32, #tpu.memory_space<hbm>>
      %dma_start3A_665 = arith.constant 0 : i32
      %dma_start3A_666 = tpu.memref_slice %arg6[%add3A_549, %dma_start3A_665] : memref<8192x128xf32, #tpu.memory_space<hbm>> -> memref<32x128xf32, #tpu.memory_space<hbm>>
      tpu.enqueue_dma source(%arg16 : memref<32x128xf32, #tpu.memory_space<vmem>>) target(%dma_start3A_666 : memref<32x128xf32, #tpu.memory_space<hbm>>) target_semaphore(%run_scoped3A : memref<!tpu.dma_semaphore, #tpu.memory_space<semaphore_mem>>)
      %dma_wait3A_667 = arith.constant 0 : i32
      %dma_wait3A_668 = tpu.memref_slice %arg6[%add3A_549, %dma_wait3A_667] : memref<8192x128xf32, #tpu.memory_space<hbm>> -> memref<32x128xf32, #tpu.memory_space<hbm>>
      %dma_wait3A_669 = arith.constant 0 : i32
      %dma_wait3A_670 = tpu.memref_slice %arg6[%add3A_549, %dma_wait3A_669] : memref<8192x128xf32, #tpu.memory_space<hbm>> -> memref<32x128xf32, #tpu.memory_space<hbm>>
      tpu.wait_dma2 semaphore(%run_scoped3A : memref<!tpu.dma_semaphore, #tpu.memory_space<semaphore_mem>>) src(%arg16 : memref<32x128xf32, #tpu.memory_space<vmem>>) dst(%dma_wait3A_670 : memref<32x128xf32, #tpu.memory_space<hbm>>)
      tpu.yield
    }) : () -> ()
    %add3A_620 = arith.constant 224 : i32
    %add3A_621 = arith.addi %mul3A_2, %add3A_620 : i32
    %dma_wait3A_622 = arith.constant 0 : i32
    %dma_wait3A_623 = arith.constant 0 : i32
    %dma_wait3A_624 = tpu.memref_slice %arg2[%dma_wait3A_622, %dma_wait3A_623] : memref<100000x128xf32, #tpu.memory_space<hbm>> -> memref<100000x128xf32, #tpu.memory_space<hbm>>
    tpu.wait_indirect_dma semaphore(%arg23 : memref<!tpu.dma_semaphore, #tpu.memory_space<semaphore_mem>>) src(%dma_wait3A_624 : memref<100000x128xf32, #tpu.memory_space<hbm>>) dst(%arg17 : memref<32x128xf32, #tpu.memory_space<vmem>>)
    %dma_wait3A_625 = arith.constant 0 : i32
    %dma_wait3A_626 = arith.constant 0 : i32
    %dma_wait3A_627 = tpu.memref_slice %arg15[%dma_wait3A_625, %dma_wait3A_626] : memref<320x128xf32, #tpu.memory_space<vmem>> -> memref<128x128xf32, #tpu.memory_space<vmem>>
    %dma_wait3A_628 = arith.constant 0 : i32
    %dma_wait3A_629 = tpu.memref_slice %arg9[%dma_wait3A_628] : memref<320xi32, #tpu.memory_space<vmem>> -> memref<128xi32, #tpu.memory_space<vmem>>
    %dma_wait3A_630 = arith.constant 0 : i32
    %dma_wait3A_631 = arith.constant 0 : i32
    %dma_wait3A_632 = tpu.memref_slice %arg2[%dma_wait3A_630, %dma_wait3A_631] : memref<100000x128xf32, #tpu.memory_space<hbm>> -> memref<100000x128xf32, #tpu.memory_space<hbm>>
    tpu.wait_indirect_dma semaphore(%arg23 : memref<!tpu.dma_semaphore, #tpu.memory_space<semaphore_mem>>) src(%dma_wait3A_632 : memref<100000x128xf32, #tpu.memory_space<hbm>>) dst(%dma_wait3A_627 : memref<128x128xf32, #tpu.memory_space<vmem>>)
    %dma_wait3A_633 = arith.constant 128 : i32
    %dma_wait3A_634 = arith.constant 0 : i32
    %dma_wait3A_635 = tpu.memref_slice %arg15[%dma_wait3A_633, %dma_wait3A_634] : memref<320x128xf32, #tpu.memory_space<vmem>> -> memref<128x128xf32, #tpu.memory_space<vmem>>
    %dma_wait3A_636 = arith.constant 128 : i32
    %dma_wait3A_637 = tpu.memref_slice %arg9[%dma_wait3A_636] : memref<320xi32, #tpu.memory_space<vmem>> -> memref<128xi32, #tpu.memory_space<vmem>>
    %dma_wait3A_638 = arith.constant 0 : i32
    %dma_wait3A_639 = arith.constant 0 : i32
    %dma_wait3A_640 = tpu.memref_slice %arg2[%dma_wait3A_638, %dma_wait3A_639] : memref<100000x128xf32, #tpu.memory_space<hbm>> -> memref<100000x128xf32, #tpu.memory_space<hbm>>
    tpu.wait_indirect_dma semaphore(%arg23 : memref<!tpu.dma_semaphore, #tpu.memory_space<semaphore_mem>>) src(%dma_wait3A_640 : memref<100000x128xf32, #tpu.memory_space<hbm>>) dst(%dma_wait3A_635 : memref<128x128xf32, #tpu.memory_space<vmem>>)
    %dma_wait3A_641 = arith.constant 256 : i32
    %dma_wait3A_642 = arith.constant 0 : i32
    %dma_wait3A_643 = tpu.memref_slice %arg15[%dma_wait3A_641, %dma_wait3A_642] : memref<320x128xf32, #tpu.memory_space<vmem>> -> memref<64x128xf32, #tpu.memory_space<vmem>>
    %dma_wait3A_644 = arith.constant 256 : i32
    %dma_wait3A_645 = tpu.memref_slice %arg9[%dma_wait3A_644] : memref<320xi32, #tpu.memory_space<vmem>> -> memref<64xi32, #tpu.memory_space<vmem>>
    %dma_wait3A_646 = arith.constant 0 : i32
    %dma_wait3A_647 = arith.constant 0 : i32
    %dma_wait3A_648 = tpu.memref_slice %arg2[%dma_wait3A_646, %dma_wait3A_647] : memref<100000x128xf32, #tpu.memory_space<hbm>> -> memref<100000x128xf32, #tpu.memory_space<hbm>>
    tpu.wait_indirect_dma semaphore(%arg23 : memref<!tpu.dma_semaphore, #tpu.memory_space<semaphore_mem>>) src(%dma_wait3A_648 : memref<100000x128xf32, #tpu.memory_space<hbm>>) dst(%dma_wait3A_643 : memref<64x128xf32, #tpu.memory_space<vmem>>)
    %dma_wait3A_649 = arith.constant 0 : i32
    %dma_wait3A_650 = tpu.memref_slice %arg7[%mul3A_615, %dma_wait3A_649] : memref<32768x128xf32, #tpu.memory_space<hbm>> -> memref<128x128xf32, #tpu.memory_space<hbm>>
    %dma_wait3A_651 = arith.constant 0 : i32
    %dma_wait3A_652 = tpu.memref_slice %arg19[%mul3A_4, %dma_wait3A_651] : memref<2048x128xf32, #tpu.memory_space<vmem_shared>> -> memref<128x128xf32, #tpu.memory_space<vmem_shared>>
    tpu.wait_dma2 semaphore(%arg24 : memref<!tpu.dma_semaphore, #tpu.memory_space<semaphore_mem>>) src(%dma_wait3A_652 : memref<128x128xf32, #tpu.memory_space<vmem_shared>>) dst(%dma_wait3A_650 : memref<128x128xf32, #tpu.memory_space<hbm>>)
    "tpu.region"() ({
      %run_scoped3A = tpu.sem_alloc : memref<!tpu.dma_semaphore, #tpu.memory_space<semaphore_mem>>
      %dma_start3A_663 = arith.constant 0 : i32
      %dma_start3A_664 = tpu.memref_slice %arg19[%mul3A_4, %dma_start3A_663] : memref<2048x128xf32, #tpu.memory_space<vmem_shared>> -> memref<128x128xf32, #tpu.memory_space<vmem_shared>>
      %dma_start3A_665 = arith.constant 0 : i32
      %dma_start3A_666 = tpu.memref_slice %arg19[%mul3A_4, %dma_start3A_665] : memref<2048x128xf32, #tpu.memory_space<vmem_shared>> -> memref<128x128xf32, #tpu.memory_space<vmem_shared>>
      tpu.enqueue_dma source(%arg18 : memref<128x128xf32, #tpu.memory_space<vmem>>) target(%dma_start3A_666 : memref<128x128xf32, #tpu.memory_space<vmem_shared>>) target_semaphore(%run_scoped3A : memref<!tpu.dma_semaphore, #tpu.memory_space<semaphore_mem>>)
      %dma_wait3A_667 = arith.constant 0 : i32
      %dma_wait3A_668 = tpu.memref_slice %arg19[%mul3A_4, %dma_wait3A_667] : memref<2048x128xf32, #tpu.memory_space<vmem_shared>> -> memref<128x128xf32, #tpu.memory_space<vmem_shared>>
      %dma_wait3A_669 = arith.constant 0 : i32
      %dma_wait3A_670 = tpu.memref_slice %arg19[%mul3A_4, %dma_wait3A_669] : memref<2048x128xf32, #tpu.memory_space<vmem_shared>> -> memref<128x128xf32, #tpu.memory_space<vmem_shared>>
      tpu.wait_dma2 semaphore(%run_scoped3A : memref<!tpu.dma_semaphore, #tpu.memory_space<semaphore_mem>>) src(%arg18 : memref<128x128xf32, #tpu.memory_space<vmem>>) dst(%dma_wait3A_670 : memref<128x128xf32, #tpu.memory_space<vmem_shared>>)
      tpu.yield
    }) : () -> ()
    "tpu.region"() ({
      %run_scoped3A = tpu.sem_alloc : memref<!tpu.dma_semaphore, #tpu.memory_space<semaphore_mem>>
      %dma_start3A_663 = arith.constant 0 : i32
      %dma_start3A_664 = arith.constant 0 : i32
      %dma_start3A_665 = tpu.memref_slice %arg19[%dma_start3A_663, %dma_start3A_664] : memref<2048x128xf32, #tpu.memory_space<vmem_shared>> -> memref<2048x128xf32, #tpu.memory_space<vmem_shared>>
      tpu.enqueue_indirect_dma source(%arg15 : memref<320x128xf32, #tpu.memory_space<vmem>>) target(%dma_start3A_665 : memref<2048x128xf32, #tpu.memory_space<vmem_shared>>) offsets(%arg13 : memref<320xi32, #tpu.memory_space<vmem>>) semaphore(%run_scoped3A : memref<!tpu.dma_semaphore, #tpu.memory_space<semaphore_mem>>) {add = true}
      %dma_wait3A_666 = arith.constant 0 : i32
      %dma_wait3A_667 = arith.constant 0 : i32
      %dma_wait3A_668 = tpu.memref_slice %arg19[%dma_wait3A_666, %dma_wait3A_667] : memref<2048x128xf32, #tpu.memory_space<vmem_shared>> -> memref<2048x128xf32, #tpu.memory_space<vmem_shared>>
      tpu.wait_indirect_dma semaphore(%run_scoped3A : memref<!tpu.dma_semaphore, #tpu.memory_space<semaphore_mem>>) src(%arg15 : memref<320x128xf32, #tpu.memory_space<vmem>>) dst(%dma_wait3A_668 : memref<2048x128xf32, #tpu.memory_space<vmem_shared>>)
      tpu.yield
    }) : () -> ()
    %mul3A_653 = arith.constant 4 : i32
    %mul3A_654 = arith.muli %add3A_621, %mul3A_653 : i32
    %dma_start3A_655 = arith.constant 0 : i32
    %dma_start3A_656 = tpu.memref_slice %arg7[%mul3A_654, %dma_start3A_655] : memref<32768x128xf32, #tpu.memory_space<hbm>> -> memref<128x128xf32, #tpu.memory_space<hbm>>
    %dma_start3A_657 = arith.constant 0 : i32
    %dma_start3A_658 = tpu.memref_slice %arg19[%mul3A_4, %dma_start3A_657] : memref<2048x128xf32, #tpu.memory_space<vmem_shared>> -> memref<128x128xf32, #tpu.memory_space<vmem_shared>>
    tpu.enqueue_dma source(%dma_start3A_658 : memref<128x128xf32, #tpu.memory_space<vmem_shared>>) target(%dma_start3A_656 : memref<128x128xf32, #tpu.memory_space<hbm>>) target_semaphore(%arg24 : memref<!tpu.dma_semaphore, #tpu.memory_space<semaphore_mem>>)
    "tpu.region"() ({
      %run_scoped3A = tpu.sem_alloc : memref<!tpu.dma_semaphore, #tpu.memory_space<semaphore_mem>>
      %dma_start3A_663 = arith.constant 0 : i32
      %dma_start3A_664 = tpu.memref_slice %arg6[%add3A_621, %dma_start3A_663] : memref<8192x128xf32, #tpu.memory_space<hbm>> -> memref<32x128xf32, #tpu.memory_space<hbm>>
      %dma_start3A_665 = arith.constant 0 : i32
      %dma_start3A_666 = tpu.memref_slice %arg6[%add3A_621, %dma_start3A_665] : memref<8192x128xf32, #tpu.memory_space<hbm>> -> memref<32x128xf32, #tpu.memory_space<hbm>>
      tpu.enqueue_dma source(%arg17 : memref<32x128xf32, #tpu.memory_space<vmem>>) target(%dma_start3A_666 : memref<32x128xf32, #tpu.memory_space<hbm>>) target_semaphore(%run_scoped3A : memref<!tpu.dma_semaphore, #tpu.memory_space<semaphore_mem>>)
      %dma_wait3A_667 = arith.constant 0 : i32
      %dma_wait3A_668 = tpu.memref_slice %arg6[%add3A_621, %dma_wait3A_667] : memref<8192x128xf32, #tpu.memory_space<hbm>> -> memref<32x128xf32, #tpu.memory_space<hbm>>
      %dma_wait3A_669 = arith.constant 0 : i32
      %dma_wait3A_670 = tpu.memref_slice %arg6[%add3A_621, %dma_wait3A_669] : memref<8192x128xf32, #tpu.memory_space<hbm>> -> memref<32x128xf32, #tpu.memory_space<hbm>>
      tpu.wait_dma2 semaphore(%run_scoped3A : memref<!tpu.dma_semaphore, #tpu.memory_space<semaphore_mem>>) src(%arg17 : memref<32x128xf32, #tpu.memory_space<vmem>>) dst(%dma_wait3A_670 : memref<32x128xf32, #tpu.memory_space<hbm>>)
      tpu.yield
    }) : () -> ()
    %dma_wait3A_659 = arith.constant 0 : i32
    %dma_wait3A_660 = tpu.memref_slice %arg7[%mul3A_654, %dma_wait3A_659] : memref<32768x128xf32, #tpu.memory_space<hbm>> -> memref<128x128xf32, #tpu.memory_space<hbm>>
    %dma_wait3A_661 = arith.constant 0 : i32
    %dma_wait3A_662 = tpu.memref_slice %arg19[%mul3A_4, %dma_wait3A_661] : memref<2048x128xf32, #tpu.memory_space<vmem_shared>> -> memref<128x128xf32, #tpu.memory_space<vmem_shared>>
    tpu.wait_dma2 semaphore(%arg24 : memref<!tpu.dma_semaphore, #tpu.memory_space<semaphore_mem>>) src(%dma_wait3A_662 : memref<128x128xf32, #tpu.memory_space<vmem_shared>>) dst(%dma_wait3A_660 : memref<128x128xf32, #tpu.memory_space<hbm>>)
    return
  }
}

module attributes {stable_mosaic.version = 14 : i64} {
  func.func @body(%arg0: i32, %arg1: memref<1024x128xf32, #tpu.memory_space<vmem>>, %arg2: memref<1024x512xf32, #tpu.memory_space<vmem>>, %arg3: memref<1024x10xi32, #tpu.memory_space<vmem>>, %arg4: memref<128x128xf32, #tpu.memory_space<vmem>>, %arg5: memref<4x128x128xf32, #tpu.memory_space<vmem>>, %arg6: memref<1024x128xf32, #tpu.memory_space<vmem>>) attributes {dimension_semantics = [#tpu.dimension_semantics<arbitrary>], iteration_bounds = array<i64: 8>, scalar_prefetch = 0 : i64, scratch_operands = 0 : i64, tpu.core_type = #tpu.core_type<tc>, window_params = [{transform_indices = @transform_0, window_bounds = array<i64: 1024, 128>}, {transform_indices = @transform_1, window_bounds = array<i64: 1024, 512>}, {transform_indices = @transform_2, window_bounds = array<i64: 1024, 10>}, {pipeline_mode = #tpu.pipeline_mode<synchronous>, transform_indices = @transform_3, window_bounds = array<i64: 128, 128>}, {pipeline_mode = #tpu.pipeline_mode<synchronous>, transform_indices = @transform_4, window_bounds = array<i64: 4, 128, 128>}, {transform_indices = @transform_5, window_bounds = array<i64: 1024, 128>}]} {
    %get3A = arith.constant 0 : index
    %get3A_0 = arith.constant 0 : index
    %get3A_1 = vector.load %arg1[%get3A, %get3A_0] : memref<1024x128xf32, #tpu.memory_space<vmem>>, vector<1024x128xf32>
    %get3A_2 = arith.constant 0 : index
    %get3A_3 = arith.constant 0 : index
    %get3A_4 = vector.load %arg4[%get3A_2, %get3A_3] : memref<128x128xf32, #tpu.memory_space<vmem>>, vector<128x128xf32>
    %dot_general3A = arith.constant dense<0.000000e+00> : vector<1024x128xf32>
    %dot_general3A_5 = tpu.matmul %get3A_1, %get3A_4, %dot_general3A {dimension_numbers = #tpu.dot_dimension_numbers<[1], [1], [0], [0], [0, 0, 1, 0], [], []>, transpose_lhs_hint = false} : vector<1024x128xf32>, vector<128x128xf32>, vector<1024x128xf32> -> vector<1024x128xf32>
    %get3A_6 = arith.constant 0 : index
    %get3A_7 = arith.constant 0 : index
    %get3A_8 = vector.load %arg3[%get3A_6, %get3A_7] : memref<1024x10xi32, #tpu.memory_space<vmem>>, vector<1024x10xi32>
    %eq3A = arith.constant 0 : i32
    %eq3A_9 = vector.broadcast %eq3A : i32 to vector<1024x10xi32>
    %eq3A_10 = arith.cmpi eq, %get3A_8, %eq3A_9 : vector<1024x10xi32>
    %convert_element_type3A = arith.extui %eq3A_10 : vector<1024x10xi1> to vector<1024x10xi32>
    %convert_element_type3A_11 = arith.sitofp %convert_element_type3A : vector<1024x10xi32> to vector<1024x10xf32>
    %reduce_sum3A = arith.constant dense<0.000000e+00> : vector<1024xf32>
    %reduce_sum3A_12 = vector.multi_reduction <add>, %convert_element_type3A_11, %reduce_sum3A [1] : vector<1024x10xf32> to vector<1024xf32>
    %broadcast_in_dim3A = vector.shape_cast %reduce_sum3A_12 : vector<1024xf32> to vector<1024x1xf32>
    %get3A_13 = arith.constant 0 : index
    %get3A_14 = arith.constant 0 : index
    %get3A_15 = vector.load %arg2[%get3A_13, %get3A_14] : memref<1024x512xf32, #tpu.memory_space<vmem>>, vector<1024x128xf32>
    %add3A = arith.constant 1.000000e-10 : f32
    %add3A_16 = vector.broadcast %add3A : f32 to vector<1024x1xf32>
    %add3A_17 = arith.addf %broadcast_in_dim3A, %add3A_16 : vector<1024x1xf32>
    %div3A = arith.constant 1.000000e+00 : f32
    %div3A_18 = vector.broadcast %div3A : f32 to vector<1024x1xf32>
    %div3A_19 = arith.divf %div3A_18, %add3A_17 : vector<1024x1xf32>
    %mul3A = vector.broadcast %div3A_19 : vector<1024x1xf32> to vector<1024x128xf32>
    %mul3A_20 = arith.mulf %get3A_15, %mul3A : vector<1024x128xf32>
    %get3A_21 = arith.constant 0 : index
    %get3A_22 = arith.constant 0 : index
    %get3A_23 = arith.constant 0 : index
    %get3A_24 = vector.load %arg5[%get3A_21, %get3A_22, %get3A_23] : memref<4x128x128xf32, #tpu.memory_space<vmem>>, vector<1x128x128xf32>
    %get3A_25 = vector.shape_cast %get3A_24 : vector<1x128x128xf32> to vector<128x128xf32>
    %dot_general3A_26 = arith.constant dense<0.000000e+00> : vector<1024x128xf32>
    %dot_general3A_27 = tpu.matmul %mul3A_20, %get3A_25, %dot_general3A_26 {dimension_numbers = #tpu.dot_dimension_numbers<[1], [1], [0], [0], [0, 0, 1, 0], [], []>, transpose_lhs_hint = false} : vector<1024x128xf32>, vector<128x128xf32>, vector<1024x128xf32> -> vector<1024x128xf32>
    %add3A_28 = arith.addf %dot_general3A_5, %dot_general3A_27 : vector<1024x128xf32>
    %eq3A_29 = arith.constant 1 : i32
    %eq3A_30 = vector.broadcast %eq3A_29 : i32 to vector<1024x10xi32>
    %eq3A_31 = arith.cmpi eq, %get3A_8, %eq3A_30 : vector<1024x10xi32>
    %convert_element_type3A_32 = arith.extui %eq3A_31 : vector<1024x10xi1> to vector<1024x10xi32>
    %convert_element_type3A_33 = arith.sitofp %convert_element_type3A_32 : vector<1024x10xi32> to vector<1024x10xf32>
    %reduce_sum3A_34 = arith.constant dense<0.000000e+00> : vector<1024xf32>
    %reduce_sum3A_35 = vector.multi_reduction <add>, %convert_element_type3A_33, %reduce_sum3A_34 [1] : vector<1024x10xf32> to vector<1024xf32>
    %broadcast_in_dim3A_36 = vector.shape_cast %reduce_sum3A_35 : vector<1024xf32> to vector<1024x1xf32>
    %get3A_37 = arith.constant 0 : index
    %get3A_38 = arith.constant 128 : index
    %get3A_39 = vector.load %arg2[%get3A_37, %get3A_38] : memref<1024x512xf32, #tpu.memory_space<vmem>>, vector<1024x128xf32>
    %add3A_40 = arith.constant 1.000000e-10 : f32
    %add3A_41 = vector.broadcast %add3A_40 : f32 to vector<1024x1xf32>
    %add3A_42 = arith.addf %broadcast_in_dim3A_36, %add3A_41 : vector<1024x1xf32>
    %div3A_43 = arith.constant 1.000000e+00 : f32
    %div3A_44 = vector.broadcast %div3A_43 : f32 to vector<1024x1xf32>
    %div3A_45 = arith.divf %div3A_44, %add3A_42 : vector<1024x1xf32>
    %mul3A_46 = vector.broadcast %div3A_45 : vector<1024x1xf32> to vector<1024x128xf32>
    %mul3A_47 = arith.mulf %get3A_39, %mul3A_46 : vector<1024x128xf32>
    %get3A_48 = arith.constant 1 : index
    %get3A_49 = arith.constant 0 : index
    %get3A_50 = arith.constant 0 : index
    %get3A_51 = vector.load %arg5[%get3A_48, %get3A_49, %get3A_50] : memref<4x128x128xf32, #tpu.memory_space<vmem>>, vector<1x128x128xf32>
    %get3A_52 = vector.shape_cast %get3A_51 : vector<1x128x128xf32> to vector<128x128xf32>
    %dot_general3A_53 = arith.constant dense<0.000000e+00> : vector<1024x128xf32>
    %dot_general3A_54 = tpu.matmul %mul3A_47, %get3A_52, %dot_general3A_53 {dimension_numbers = #tpu.dot_dimension_numbers<[1], [1], [0], [0], [0, 0, 1, 0], [], []>, transpose_lhs_hint = false} : vector<1024x128xf32>, vector<128x128xf32>, vector<1024x128xf32> -> vector<1024x128xf32>
    %add3A_55 = arith.addf %add3A_28, %dot_general3A_54 : vector<1024x128xf32>
    %eq3A_56 = arith.constant 2 : i32
    %eq3A_57 = vector.broadcast %eq3A_56 : i32 to vector<1024x10xi32>
    %eq3A_58 = arith.cmpi eq, %get3A_8, %eq3A_57 : vector<1024x10xi32>
    %convert_element_type3A_59 = arith.extui %eq3A_58 : vector<1024x10xi1> to vector<1024x10xi32>
    %convert_element_type3A_60 = arith.sitofp %convert_element_type3A_59 : vector<1024x10xi32> to vector<1024x10xf32>
    %reduce_sum3A_61 = arith.constant dense<0.000000e+00> : vector<1024xf32>
    %reduce_sum3A_62 = vector.multi_reduction <add>, %convert_element_type3A_60, %reduce_sum3A_61 [1] : vector<1024x10xf32> to vector<1024xf32>
    %broadcast_in_dim3A_63 = vector.shape_cast %reduce_sum3A_62 : vector<1024xf32> to vector<1024x1xf32>
    %get3A_64 = arith.constant 0 : index
    %get3A_65 = arith.constant 256 : index
    %get3A_66 = vector.load %arg2[%get3A_64, %get3A_65] : memref<1024x512xf32, #tpu.memory_space<vmem>>, vector<1024x128xf32>
    %add3A_67 = arith.constant 1.000000e-10 : f32
    %add3A_68 = vector.broadcast %add3A_67 : f32 to vector<1024x1xf32>
    %add3A_69 = arith.addf %broadcast_in_dim3A_63, %add3A_68 : vector<1024x1xf32>
    %div3A_70 = arith.constant 1.000000e+00 : f32
    %div3A_71 = vector.broadcast %div3A_70 : f32 to vector<1024x1xf32>
    %div3A_72 = arith.divf %div3A_71, %add3A_69 : vector<1024x1xf32>
    %mul3A_73 = vector.broadcast %div3A_72 : vector<1024x1xf32> to vector<1024x128xf32>
    %mul3A_74 = arith.mulf %get3A_66, %mul3A_73 : vector<1024x128xf32>
    %get3A_75 = arith.constant 2 : index
    %get3A_76 = arith.constant 0 : index
    %get3A_77 = arith.constant 0 : index
    %get3A_78 = vector.load %arg5[%get3A_75, %get3A_76, %get3A_77] : memref<4x128x128xf32, #tpu.memory_space<vmem>>, vector<1x128x128xf32>
    %get3A_79 = vector.shape_cast %get3A_78 : vector<1x128x128xf32> to vector<128x128xf32>
    %dot_general3A_80 = arith.constant dense<0.000000e+00> : vector<1024x128xf32>
    %dot_general3A_81 = tpu.matmul %mul3A_74, %get3A_79, %dot_general3A_80 {dimension_numbers = #tpu.dot_dimension_numbers<[1], [1], [0], [0], [0, 0, 1, 0], [], []>, transpose_lhs_hint = false} : vector<1024x128xf32>, vector<128x128xf32>, vector<1024x128xf32> -> vector<1024x128xf32>
    %add3A_82 = arith.addf %add3A_55, %dot_general3A_81 : vector<1024x128xf32>
    %eq3A_83 = arith.constant 3 : i32
    %eq3A_84 = vector.broadcast %eq3A_83 : i32 to vector<1024x10xi32>
    %eq3A_85 = arith.cmpi eq, %get3A_8, %eq3A_84 : vector<1024x10xi32>
    %convert_element_type3A_86 = arith.extui %eq3A_85 : vector<1024x10xi1> to vector<1024x10xi32>
    %convert_element_type3A_87 = arith.sitofp %convert_element_type3A_86 : vector<1024x10xi32> to vector<1024x10xf32>
    %reduce_sum3A_88 = arith.constant dense<0.000000e+00> : vector<1024xf32>
    %reduce_sum3A_89 = vector.multi_reduction <add>, %convert_element_type3A_87, %reduce_sum3A_88 [1] : vector<1024x10xf32> to vector<1024xf32>
    %broadcast_in_dim3A_90 = vector.shape_cast %reduce_sum3A_89 : vector<1024xf32> to vector<1024x1xf32>
    %get3A_91 = arith.constant 0 : index
    %get3A_92 = arith.constant 384 : index
    %get3A_93 = vector.load %arg2[%get3A_91, %get3A_92] : memref<1024x512xf32, #tpu.memory_space<vmem>>, vector<1024x128xf32>
    %add3A_94 = arith.constant 1.000000e-10 : f32
    %add3A_95 = vector.broadcast %add3A_94 : f32 to vector<1024x1xf32>
    %add3A_96 = arith.addf %broadcast_in_dim3A_90, %add3A_95 : vector<1024x1xf32>
    %div3A_97 = arith.constant 1.000000e+00 : f32
    %div3A_98 = vector.broadcast %div3A_97 : f32 to vector<1024x1xf32>
    %div3A_99 = arith.divf %div3A_98, %add3A_96 : vector<1024x1xf32>
    %mul3A_100 = vector.broadcast %div3A_99 : vector<1024x1xf32> to vector<1024x128xf32>
    %mul3A_101 = arith.mulf %get3A_93, %mul3A_100 : vector<1024x128xf32>
    %get3A_102 = arith.constant 3 : index
    %get3A_103 = arith.constant 0 : index
    %get3A_104 = arith.constant 0 : index
    %get3A_105 = vector.load %arg5[%get3A_102, %get3A_103, %get3A_104] : memref<4x128x128xf32, #tpu.memory_space<vmem>>, vector<1x128x128xf32>
    %get3A_106 = vector.shape_cast %get3A_105 : vector<1x128x128xf32> to vector<128x128xf32>
    %dot_general3A_107 = arith.constant dense<0.000000e+00> : vector<1024x128xf32>
    %dot_general3A_108 = tpu.matmul %mul3A_101, %get3A_106, %dot_general3A_107 {dimension_numbers = #tpu.dot_dimension_numbers<[1], [1], [0], [0], [0, 0, 1, 0], [], []>, transpose_lhs_hint = false} : vector<1024x128xf32>, vector<128x128xf32>, vector<1024x128xf32> -> vector<1024x128xf32>
    %add3A_109 = arith.addf %add3A_82, %dot_general3A_108 : vector<1024x128xf32>
    %max3A = arith.constant 0.000000e+00 : f32
    %max3A_110 = vector.broadcast %max3A : f32 to vector<1024x128xf32>
    %max3A_111 = arith.maximumf %add3A_109, %max3A_110 : vector<1024x128xf32>
    %swap3A = arith.constant 0 : index
    %swap3A_112 = arith.constant 0 : index
    %swap3A_113 = vector.load %arg6[%swap3A, %swap3A_112] : memref<1024x128xf32, #tpu.memory_space<vmem>>, vector<1024x128xf32>
    tpu.vector_store %arg6[%swap3A, %swap3A_112], %max3A_111 {strides = array<i32>} : memref<1024x128xf32, #tpu.memory_space<vmem>>, vector<1024x128xf32>,
    return
  }
  func.func @transform_0(%arg0: i32) -> (i32, i32) {
    %c0_i32 = arith.constant 0 : i32
    %c0_i32_0 = arith.constant 0 : i32
    return %arg0, %c0_i32 : i32, i32
  }
  func.func @transform_1(%arg0: i32) -> (i32, i32) {
    %c0_i32 = arith.constant 0 : i32
    %c0_i32_0 = arith.constant 0 : i32
    return %arg0, %c0_i32 : i32, i32
  }
  func.func @transform_2(%arg0: i32) -> (i32, i32) {
    %c0_i32 = arith.constant 0 : i32
    %c0_i32_0 = arith.constant 0 : i32
    return %arg0, %c0_i32 : i32, i32
  }
  func.func @transform_3(%arg0: i32) -> (i32, i32) {
    %c0_i32 = arith.constant 0 : i32
    %c0_i32_0 = arith.constant 0 : i32
    %c0_i32_1 = arith.constant 0 : i32
    return %c0_i32, %c0_i32_0 : i32, i32
  }
  func.func @transform_4(%arg0: i32) -> (i32, i32, i32) {
    %c0_i32 = arith.constant 0 : i32
    %c0_i32_0 = arith.constant 0 : i32
    %c0_i32_1 = arith.constant 0 : i32
    %c0_i32_2 = arith.constant 0 : i32
    return %c0_i32, %c0_i32_0, %c0_i32_1 : i32, i32, i32
  }
  func.func @transform_5(%arg0: i32) -> (i32, i32) {
    %c0_i32 = arith.constant 0 : i32
    %c0_i32_0 = arith.constant 0 : i32
    return %arg0, %c0_i32 : i32, i32
  }
}

</mosaic_0001>

<sc_bundles>
// kernel: kernel.4.cloned.1.call-start
scs
__scs_entry_jumppad:
0x0: {  	(pc) =	sbr.rel $0x88, $3  }
0x1: {  	(tag) =	ssettag $0x0;
	lr =	simm.s32 $0x1  }
0x2: {  	[smem:$0x3F9B] =	sst lr;
	_ =	strace $0xD0000000  }
0x3: {  	_ = 	snop  }
0x4: {  	_ = 	snop  }
0x5: {  	_ = 	snop  }
0x6: {  	_ = 	snop  }
0x7: {  	_ = 	snop  }
__scs_overlays_trampoline_lowered:
0x8: {  	[smem:$0x3FAA] =	sst s0  }
0x9: {  	[smem:$0x3FAB] =	sst s1  }
0xa: {  	[smem:$0x3FAC] =	sst s2  }
0xb: {  	[smem:$0x3FAD] =	sst s3  }
0xc: {  	[smem:$0x3FAE] =	sst s4  }
0xd: {  	[smem:$0x3FAF] =	sst s5  }
0xe: {  	[smem:$0x3FB0] =	sst s6  }
0xf: {  	[smem:$0x3FB1] =	sst s7  }
0x10: {  	[smem:$0x3FB2] =	sst s8  }
0x11: {  	[smem:$0x3FB3] =	sst s9;
	s0 =	simm.s32 @!p0 $0x0  }
0x12: {  	s1 =	sld [smem:$0x3F99];
	s0 =	simm.s32 @p0 $0x1  }
0x13: {  	[smem:$0x3FB4] =	sst s0;
	s0 =	simm.s32 @!p1 $0x0  }
0x14: {  	s2 =	sld [smem:$0x3F98];
	s0 =	simm.s32 @p1 $0x1  }
0x15: {  	[smem:$0x3FB5] =	sst s0;
	s0 =	simm.s32 @!p2 $0x0  }
0x16: {  	s3 =	sld [smem:$0x3FDB];
	s0 =	simm.s32 @p2 $0x1  }
0x17: {  	s4 =	simm.s32 $0x1BF5;
	[smem:$0x3FB7] =	sst s0  }
0x18: {  	s0 =	sld [smem:$0x3F9A];
	_ =	swait.ge [sflag:s4], $0x0  }
0x19: {  	s7 =	sld [smem:$0x3F9B]  }
0x1a: {  	s8 =	sadd.s32 $0xFFFFE003, lr  }
0x1b: {  	s9 =	sadd.s32 $0xFFFFFEF7, lr;
	s5 =	simm.s32 $0xFFFFFFFF;
	p2 =	slt.u32 s8, $0xFFFFF086  }
0x1c: {  	p1 =	slt.u32 s9, $0xF7A;
	s5 =	simm.s32 @!p2 $0x0  }
0x1d: {  	s5 =	simm.s32 @p1 $0x1;
	p0 =	seq.s32 s7, s2  }
0x1e: {  	s7 =	smul.u32 @!p0 $0xF7A, s2;
	p2 =	seq.s32 @!p0 s5, $0x0  }
0x1f: {  	s9 =	smul.u32 $0xF7A, s1;
	s8 =	simm.s32 @!p0 $0x1BF5;
	p2 =	por !p2, p0  }
0x20: {  	[sflag:s8] =	ssyncset.s32 @!p0 $0xFFFFF086;
	s6 =	sadd.s32 @!p0 s3, s7;
	s7 =	simm.s32 @!p0 $0x108  }
0x21: {  	s3 =	sadd.s32 s3, s9;
	s6 =	sadd.s32 @!p0 $0x88, s6;
	s7 =	simm.s32 @p2 $0x1082  }
0x22: {  	[simem:s7], [sflag:s8] =	dma.local @!p0 [hbm:s6], $0xF7A  }
0x23: {  	s9 =	sor.u32 $0xD0000000, s2;
	s6 =	simm.s32 $0x108;
	_ =	swait.ge @!p0 [sflag:s8], $0x0  }
0x24: {  	s3 =	sadd.s32 $0x88, s3;
	s6 =	simm.s32 @!p1 $0x1082;
	[sflag:s4] =	ssyncset.s32 $0xFFFFF086  }
0x25: {  	[simem:s6], [sflag:s4] =	dma.local [hbm:s3], $0xF7A  }
0x26: {  	[smem:$0x3F9B] =	sst s1;
	(tag) =	ssettag s2;
	_ =	strace s9  }
0x27: {  	s1 =	sld [smem:$0x3FAB]  }
0x28: {  	s2 =	sld [smem:$0x3FAC]  }
0x29: {  	s4 =	sld [smem:$0x3FAE]  }
0x2a: {  	p0 =	seq.s32 s5, $0x0;
	s5 =	sld [smem:$0x3FAF]  }
0x2b: {  	s6 =	sld [smem:$0x3FB0]  }
0x2c: {  	s7 =	sld [smem:$0x3FB1]  }
0x2d: {  	s3 =	simm.s32 $0x108;
	s8 =	sld [smem:$0x3FB2]  }
0x2e: {  	s3 =	simm.s32 @!p0 $0x1082;
	s9 =	sld [smem:$0x3FB3]  }
0x2f: {  	lr =	sadd.s32 s0, s3;
	s0 =	sld [smem:$0x3FAA]  }
0x30: {  	s3 =	sld [smem:$0x3FAD]  }
0x31: {  	[smem:$0x3FB6] =	sst s10  }
0x32: {  	s10 =	sld [smem:$0x3FB4];
	_ =	sdelay $0x3  }
0x33: {  	p0 =	seq.s32 s10, $0x1;
	s10 =	sld [smem:$0x3FB6];
	_ =	sdelay $0x3  }
0x34: {  	[smem:$0x3FB6] =	sst s10  }
0x35: {  	s10 =	sld [smem:$0x3FB5];
	_ =	sdelay $0x3  }
0x36: {  	p1 =	seq.s32 s10, $0x1;
	s10 =	sld [smem:$0x3FB6];
	_ =	sdelay $0x3  }
0x37: {  	[smem:$0x3FB6] =	sst s10  }
0x38: {  	s10 =	sld [smem:$0x3FB7]  }
0x39: {  	_ = 	snop;
	(pc) =	sbr.ind lr, $3  }
0x3a: {  	_ = 	snop  }
0x3b: {  	_ = 	snop  }
0x3c: {  	p2 =	seq.s32 s10, $0x1;
	s10 =	sld [smem:$0x3FB6]  }
0x3d: {  	_ =	shalt  }
0x3e: {  	_ =	shalt  }
0x3f: {  	_ =	shalt  }
0x40: {  	_ =	shalt  }
0x41: {  	_ =	shalt  }
0x42: {  	_ =	shalt  }
0x43: {  	_ =	shalt  }
0x44: {  	_ =	shalt  }
0x45: {  	_ =	shalt  }
0x46: {  	_ =	shalt  }
0x47: {  	_ =	shalt  }
0x48: {  	_ =	shalt  }
0x49: {  	_ =	shalt  }
0x4a: {  	_ =	shalt  }
0x4b: {  	_ =	shalt  }
0x4c: {  	_ =	shalt  }
0x4d: {  	_ =	shalt  }
0x4e: {  	_ =	shalt  }
0x4f: {  	_ =	shalt  }
0x50: {  	_ =	shalt  }
0x51: {  	_ =	shalt  }
0x52: {  	_ =	shalt  }
0x53: {  	_ =	shalt  }
0x54: {  	_ =	shalt  }
0x55: {  	_ =	shalt  }
0x56: {  	_ =	shalt  }
0x57: {  	_ =	shalt  }
0x58: {  	_ =	shalt  }
0x59: {  	_ =	shalt  }
0x5a: {  	_ =	shalt  }
0x5b: {  	_ =	shalt  }
0x5c: {  	_ =	shalt  }
0x5d: {  	_ =	shalt  }
0x5e: {  	_ =	shalt  }
0x5f: {  	_ =	shalt  }
0x60: {  	_ =	shalt  }
0x61: {  	_ =	shalt  }
0x62: {  	_ =	shalt  }
0x63: {  	_ =	shalt  }
0x64: {  	_ =	shalt  }
0x65: {  	_ =	shalt  }
0x66: {  	_ =	shalt  }
0x67: {  	_ =	shalt  }
0x68: {  	_ =	shalt  }
0x69: {  	_ =	shalt  }
0x6a: {  	_ =	shalt  }
0x6b: {  	_ =	shalt  }
0x6c: {  	_ =	shalt  }
0x6d: {  	_ =	shalt  }
0x6e: {  	_ =	shalt  }
0x6f: {  	_ =	shalt  }
0x70: {  	_ =	shalt  }
0x71: {  	_ =	shalt  }
0x72: {  	_ =	shalt  }
0x73: {  	_ =	shalt  }
0x74: {  	_ =	shalt  }
0x75: {  	_ =	shalt  }
0x76: {  	_ =	shalt  }
0x77: {  	_ =	shalt  }
0x78: {  	_ =	shalt  }
0x79: {  	_ =	shalt  }
0x7a: {  	_ =	shalt  }
0x7b: {  	_ =	shalt  }
0x7c: {  	_ =	shalt  }
0x7d: {  	_ =	shalt  }
0x7e: {  	_ =	shalt  }
0x7f: {  	_ =	shalt  }
0x80: {  	_ =	shalt  }
0x81: {  	_ =	shalt  }
0x82: {  	_ =	shalt  }
0x83: {  	_ =	shalt  }
0x84: {  	_ =	shalt  }
0x85: {  	_ =	shalt  }
0x86: {  	_ =	shalt  }
0x87: {  	_ =	shalt  }
.Lfunc_end0:
.L_simem_size_0:
called_computation_lowered:
.L_overlay_start_0:
0x88: {  	s2 =	sld [smem:$0x3FD9]  }
0x89: {  	s3 =	sld [smem:$0x3FFE];
	_ =	sdelay $0x1  }
0x8a: {  	s1 =	srdreg.scid  }
0x8b: {  	s0 =	sand.u32 $0x1, s1  }
0x8c: {  	s17 =	sshll.u32 s0, $0xA;
	s2 =	sadd.s32 s3, s2  }
0x8d: {  	s2 =	sadd.s32 s2, s17  }
0x8e: {  	[smem:$0x3FC2] =	sst s2  }
0x8f: {  	_ = 	snop  }
0x90: {  	s2 =	sld [smem:$0x3FC9]  }
0x91: {  	s18 =	sld [smem:$0x3FC6]  }
0x92: {  	s4 =	sld [smem:$0x3FD0];
	(tm) =	ssettm $0x1  }
0x93: {  	s5 =	sld [smem:$0x3FFB];
	_ =	sdelay $0x3  }
0x94: {  	_ =	strace s5  }
0x95: {  	s5 =	sld [smem:$0x3FFC];
	_ =	sdelay $0x3  }
0x96: {  	_ =	strace s5  }
0x97: {  	s5 =	sld [smem:$0x3FFD];
	_ =	sdelay $0x3  }
0x98: {  	_ =	strace s5  }
0x99: {  	_ =	strace $0x8FFFFFFF  }
0x9a: {  	s19 =	sld [smem:$0x3FDB];
	_ =	sdelay $0x1  }
0x9b: {  	s6 =	simm.s32 $_scs_section_size  }
0x9c: {  	s7 =	simm.s32 $_size__tile_overlayer_lowered;
	s8 =	simm.s32 $_tile_overlayer_lowered  }
0x9d: {  	s22 =	simm.s32 $0x1BFF;
	s21 =	sshll.u32 s8, $0x1;
	s5 =	sadd.s32 s6, s19  }
0x9e: {  	s9 =	simm.s32 $0x0;
	s20 =	sshll.u32 s7, $0x1;
	s7 =	sadd.s32 s21, s5  }
0x9f: {  	[timem:s9], [sflag:s22] =	dma.local [hbm:s7], s20  }
0xa0: {  	_ =	swait.ge [sflag:s22], s20  }
0xa1: {  	s6 =	ssub.s32 $0x0, s20;
	[sflag:s22] =	ssyncset.done $0x0  }
0xa2: {  	[sflag:s22] =	ssyncadd.s32 s6;
	_ =	sdelay $0x1  }
0xa3: {  	s23 =	simm.s32 $0x1B8B  }
0xa4: {  	_ =	swait.ge [sflag:s23], $0x1  }
0xa5: {  	[sflag:s23] =	ssyncset.done $0x0  }
0xa6: {  	s25 =	simm.s32 $0x1B8E;
	s24 =	sld [smem:$0x3FFE];
	[sflag:s23] =	ssyncadd.s32 $0xFFFFFFFF  }
0xa7: {  	s26 =	simm.s32 $execute0_lowered;
	[smem:$0x3FD2] =	sst s25  }
0xa8: {  	s7 =	sshll.u32 s26, $0x1;
	_ =	strace $0x80000046;
	[dreg:$0x1] =	wrdreg $0xFFFFFFFF  }
0xa9: {  	s28 =	simm.s32 $_size_execute0_lowered;
	s5 =	sadd.s32 s5, s7;
	[dreg:$0x0] =	wrdreg $0x0  }
0xaa: {  	s7 =	sshll.u32 s28, $0x1;
	[dreg:$0x2] =	wrdreg s5  }
0xab: {  	[dreg:$0x3] =	wrdreg s7  }
0xac: {  	[dreg:$0x4] =	wrdreg $0xC0  }
0xad: {  	_ =	task [dreg:s9], $0x5FFFF  }
0xae: {  	[dreg:$0x1] =	wrdreg $0xFFFFFFFF  }
0xaf: {  	[dreg:$0x0] =	wrdreg $0x60  }
0xb0: {  	[dreg:$0x2] =	wrdreg s2  }
0xb1: {  	[dreg:$0x3] =	wrdreg s18  }
0xb2: {  	[dreg:$0x4] =	wrdreg s24  }
0xb3: {  	[dreg:$0x5] =	wrdreg s4  }
0xb4: {  	[dreg:$0x6] =	wrdreg $0x1A7000  }
0xb5: {  	[dreg:$0x7] =	wrdreg $0x9  }
0xb6: {  	_ =	task.clear_ibuf [dreg:s9], $0x8FFFF;
	_ =	strace $0x90000046  }
0xb7: {  	s29 =	simm.s32 $0x9;
	_ =	strace $0x80000048  }
0xb8: {  	_ =	swait.ge [sflag:s29], $0x1  }
0xb9: {  	[sflag:s29] =	ssyncadd.s32 $0xFFFFFFFF  }
0xba: {  	_ =	strace $0x90000048  }
0xbb: {  	_ =	sfence  }
0xbc: {  	s30 =	sld [smem:$0x0];
	_ =	sdelay $0x2  }
0xbd: {  	s31 =	sshll.u32 s1, $0xD;
	s1 =	sshrl.u32 s1, $0x2  }
0xbe: {  	s3 =	sand.u32 $0x4000, s31;
	s1 =	sadd.s32 s1, s30  }
0xbf: {  	s0 =	sor.u32 s3, s0;
	s1 =	sshll.u32 s1, $0x11  }
0xc0: {  	s0 =	sor.u32 s1, s0  }
0xc1: {  	s0 =	sadd.s32 $0x8F2B, s0  }
0xc2: {  	[sflag:s0] =	ssyncadd.remote.s32 $0x1  }
0xc3: {  	_ =	sfence.sel $0xFFFF  }
0xc4: {  	[dreg:$0x0] =	wrdreg $0xFFFFFFFF;
	(pc) =	sbr.abs _section_cstart, $3  }
0xc5: {  	[dreg:$0x1] =	wrdreg $0xFFFFFFFF  }
0xc6: {  	_ =	task.clear_ibuf [dreg:s9], $0x2FFFF;
	_ =	strace $0x9FFFFFFF  }
0xc7: {  	(tm) =	ssettm $0x7FFFFFFF  }
tec
execute0_lowered:
.L_overlay_start_1:
0x0: {  	(tag) =	ssettag $0x1  }
0x1: {  	s10 =	rddreg [dreg:$0x1];
	s0 =	srdreg.scid  }
0x2: {  	s17 =	stileid.u32;
	s2 =	rddreg [dreg:$0x2];
	s28 =	simm.s32 $0x380  }
0x3: {  	s29 =	simm.s32 $0x580;
	s30 =	simm.s32 $0x3;
	s31 =	simm.s32 $0x16700  }
0x4: {  	s0 =	sand.u32 $0x1, s0;
	s1 =	sshll.u32 s17, $0x1;
	s11 =	sadd.s32 $0x1000, s2  }
0x5: {  	s12 =	sadd.s32 $0x3800, s2;
	s1 =	sor.u32 s0, s1;
	s0 =	ssub.s32 $0x2, s0  }
0x6: {  	s2 =	sadd.s32 $0x6000, s2;
	s9 =	sshll.u32 s1, $0x8;
	s4 =	sshrl.u32 s0, $0x1  }
0x7: {  	s5 =	smul.u32 $0x140, s1;
	s16 =	sshll.u32 s1, $0x5;
	s3 =	sor.u32 $0x20, s9  }
0x8: {  	s0 =	ssub.s32 s0, s4;
	s4 =	sadd.s32 s10, s16;
	s6 =	smul.u32 $0xA, s3  }
0x9: {  	s7 =	sadd.s32 s11, s5;
	[dreg:$0x7] =	wrdreg s4;
	s18 =	sadd.s32 s12, s5  }
0xa: {  	s19 =	sshrl.u32 s3, $0x3;
	s4 =	sor.u32 $0x40, s9;
	[dreg:$0x6] =	wrdreg s7  }
0xb: {  	s0 =	smax.u32 s0, $0x1;
	[dreg:$0x8] =	wrdreg s18;
	s5 =	sadd.s32 s10, s19  }
0xc: {  	s14 =	smul.u32 $0xA, s4;
	s20 =	sshrl.u32 s4, $0x3;
	s13 =	sshrl.u32 s6, $0x3  }
0xd: {  	[dreg:$0x9] =	wrdreg s5;
	s5 =	sor.u32 $0x60, s9;
	s7 =	sadd.s32 s10, s20  }
0xe: {  	s6 =	sor.u32 $0x80, s9;
	s8 =	sshrl.u32 s5, $0x3;
	[dreg:$0xa] =	wrdreg s7  }
0xf: {  	s22 =	sshrl.u32 s6, $0x3;
	s25 =	sadd.s32 s11, s13;
	s26 =	smul.u32 $0xA, s5  }
0x10: {  	s13 =	sadd.s32 s12, s13;
	s14 =	sshrl.u32 s14, $0x3;
	[dreg:$0x10] =	wrdreg s25  }
0x11: {  	s21 =	sadd.s32 s10, s8;
	s7 =	sadd.s32 s10, s22;
	[dreg:$0x11] =	wrdreg s13  }
0x12: {  	s8 =	sor.u32 $0xA0, s9;
	s18 =	sadd.s32 s11, s14;
	[dreg:$0xb] =	wrdreg s21  }
0x13: {  	s13 =	sadd.s32 s12, s14;
	[dreg:$0xc] =	wrdreg s7;
	s7 =	sor.u32 $0xC0, s9  }
0x14: {  	s15 =	sshrl.u32 s8, $0x3;
	s9 =	sor.u32 $0xE0, s9;
	[dreg:$0x12] =	wrdreg s18  }
0x15: {  	[dreg:$0x13] =	wrdreg s13;
	s21 =	smul.u32 $0xA, s8;
	s18 =	sshll.u32 s1, $0xE  }
0x16: {  	s1 =	sshll.u32 s1, $0xC;
	s16 =	sshrl.u32 s7, $0x3;
	s15 =	sadd.s32 s10, s15  }
0x17: {  	s24 =	sshrl.u32 s9, $0x3;
	[dreg:$0xd] =	wrdreg s15;
	s23 =	sadd.s32 s10, s16  }
0x18: {  	s25 =	smul.u32 $0xA, s9;
	s10 =	sadd.s32 s10, s24;
	[dreg:$0xe] =	wrdreg s23  }
0x19: {  	s16 =	smul.u32 $0xA, s6;
	s24 =	sshrl.u32 s21, $0x3;
	[dreg:$0xf] =	wrdreg s10  }
0x1a: {  	s10 =	sshrl.u32 s26, $0x3;
	s23 =	smul.u32 $0xA, s7;
	s26 =	sadd.s32 s11, s24  }
0x1b: {  	s19 =	sshrl.u32 s16, $0x3;
	s20 =	sadd.s32 s11, s10;
	[dreg:$0x18] =	wrdreg s26  }
0x1c: {  	s10 =	sadd.s32 s12, s10;
	s16 =	sshrl.u32 s25, $0x3;
	[dreg:$0x14] =	wrdreg s20  }
0x1d: {  	[dreg:$0x15] =	wrdreg s10;
	s22 =	sadd.s32 s11, s19;
	s13 =	sadd.s32 s12, s19  }
0x1e: {  	s10 =	sshrl.u32 s23, $0x3;
	s19 =	sshll.u32 s3, $0x6;
	[dreg:$0x16] =	wrdreg s22  }
0x1f: {  	s20 =	sadd.s32 s2, s18;
	s23 =	sshll.u32 s5, $0x6;
	[dreg:$0x17] =	wrdreg s13  }
0x20: {  	s18 =	sshll.u32 s4, $0x4;
	s13 =	sadd.s32 s12, s24;
	[dreg:$0x1e] =	wrdreg s20  }
0x21: {  	s15 =	sadd.s32 s11, s10;
	s10 =	sadd.s32 s12, s10;
	[dreg:$0x19] =	wrdreg s13  }
0x22: {  	s11 =	sadd.s32 s11, s16;
	s21 =	sadd.s32 s2, s19;
	[dreg:$0x1a] =	wrdreg s15  }
0x23: {  	s22 =	sshll.u32 s4, $0x6;
	s24 =	sshll.u32 s6, $0x6;
	[dreg:$0x1b] =	wrdreg s10  }
0x24: {  	s25 =	sadd.s32 s2, s23;
	s19 =	sshll.u32 s5, $0x4;
	[dreg:$0x1c] =	wrdreg s11  }
0x25: {  	s23 =	sshll.u32 s7, $0x4;
	s4 =	simm.s32 $0x15700;
	[dreg:$0x1f] =	wrdreg s21  }
0x26: {  	s5 =	simm.s32 $0xA700;
	s10 =	sadd.s32 s12, s16;
	[smem:$0x7F0] =	sst s25  }
0x27: {  	s26 =	sadd.s32 s2, s24;
	s11 =	sshll.u32 s8, $0x6;
	s15 =	rddreg [dreg:$0x3]  }
0x28: {  	s12 =	sshll.u32 s7, $0x6;
	s13 =	sshll.u32 s9, $0x6;
	s24 =	rddreg [dreg:$0x4]  }
0x29: {  	s16 =	sshll.u32 s3, $0x4;
	s21 =	sshll.u32 s6, $0x4;
	[dreg:$0x1d] =	wrdreg s10  }
0x2a: {  	s25 =	sshll.u32 s9, $0x4;
	s3 =	simm.s32 $0x2;
	[smem:$0x7F1] =	sst s26  }
0x2b: {  	s10 =	sadd.s32 s2, s22;
	s22 =	sshll.u32 s8, $0x4;
	s8 =	rddreg [dreg:$0x0]  }
0x2c: {  	s14 =	sadd.s32 s2, s12;
	s1 =	sadd.s32 s15, s1;
	[smem:$0x7EF] =	sst s10  }
0x2d: {  	s20 =	sadd.s32 s15, s19;
	s26 =	sshll.u32 s17, $0xE;
	[smem:$0x7F3] =	sst s14  }
0x2e: {  	s17 =	simm.s32 $0x1;
	s12 =	simm.s32 $0x4;
	[smem:$0x7F5] =	sst s1  }
0x2f: {  	s19 =	simm.s32 $0x20;
	s10 =	sadd.s32 s2, s11;
	[smem:$0x7F8] =	sst s20  }
0x30: {  	s2 =	sadd.s32 s2, s13;
	s1 =	sadd.s32 s15, s16;
	[smem:$0x7F2] =	sst s10  }
0x31: {  	s13 =	sadd.s32 s26, s24;
	s20 =	simm.s32 $0x80;
	[smem:$0x7F4] =	sst s2  }
0x32: {  	s26 =	simm.s32 $0x180;
	s2 =	simm.s32 $0x0;
	[smem:$0x7F6] =	sst s1  }
0x33: {  	s14 =	simm.s32 $0x5;
	s1 =	sadd.s32 s15, s18;
	[smem:$0x7FF] =	sst s2  }
0x34: {  	s10 =	simm.s32 $0x40;
	[smem:$0x7F7] =	sst s1;
	s1 =	sadd.s32 s15, s21  }
0x35: {  	s18 =	simm.s32 $0x400;
	[smem:$0x7F9] =	sst s1;
	s1 =	sadd.s32 s15, s22  }
0x36: {  	s21 =	simm.s32 $0x14700;
	[smem:$0x7FA] =	sst s1;
	s1 =	sadd.s32 s15, s23  }
0x37: {  	s22 =	simm.s32 $0x0;
	[smem:$0x7FB] =	sst s1;
	s1 =	sadd.s32 s15, s25  }
0x38: {  	s23 =	simm.s32 $0x700;
	[smem:$0x7FC] =	sst s1;
	s1 =	simm.s32 $0x140  }
0x39: {  	v0 =	vimm.f32 $0.0e+00;
	_ =	strace $0x80000047;
	[smem:$0x7FD] =	sst s0;
	s0 =	simm.s32 $0x6  }
.LBB2_1:
0x3a: {  	s24 =	simm.s32 $0x0;
	s25 =	simm.s32 $0x200  }
.LBB2_2:
0x3b: {  	p0 =	sne.s32 s25, $0xFE00;
	[tilespmem:s24+$0x16770] =	vst v0  }
0x3c: {  	[tilespmem:s24+$0x16700] =	vst v0  }
0x3d: {  	[tilespmem:s24+$0x16710] =	vst v0  }
.Ltmp0:
0x3e: {  	[tilespmem:s24+$0x16720] =	vst v0;
	(pc) =	sbr.rel @p0 .LBB2_2-.Ltmp0, $4  }
0x3f: {  	[tilespmem:s24+$0x16730] =	vst v0  }
0x40: {  	[tilespmem:s24+$0x16740] =	vst v0  }
0x41: {  	[tilespmem:s24+$0x16750] =	vst v0  }
0x42: {  	[tilespmem:s24+$0x16760] =	vst v0;
	s24 =	sshra.s32 s25, $0x2;
	s25 =	sadd.s32 $0x200, s25  }
0x43: {  	[tilespmem:s24+$0x16770] =	vst v0  }
0x44: {  	[tilespmem:s24+$0x16700] =	vst v0  }
0x45: {  	[tilespmem:s24+$0x16710] =	vst v0  }
0x46: {  	[tilespmem:s24+$0x16720] =	vst v0  }
0x47: {  	[tilespmem:s24+$0x16730] =	vst v0  }
0x48: {  	[tilespmem:s24+$0x16740] =	vst v0  }
0x49: {  	[tilespmem:s24+$0x16750] =	vst v0  }
0x4a: {  	[tilespmem:s24+$0x16760] =	vst v0;
	s9 =	rddreg [dreg:$0x6]  }
0x4b: {  	[tilespmem:s2], [sflag:$0x1] =	stream.linear.gather [hbm4b:s9+s2], $0x140, $0x38;
	[tilespmem:$0x1E700] =	vst v63  }
0x4c: {  	s11 =	rddreg [dreg:$0x7];
	s16 =	simm.s32 $0x300  }
0x4d: {  	[tilespmem:s16], [sflag:$0x1] =	stream.linear.gather [hbm4b:s11+s2], $0x20, $0x38;
	[tilespmem:$0x1E700] =	vst v63  }
0x4e: {  	s15 =	rddreg [dreg:$0x8]  }
0x4f: {  	[tilespmem:s18], [sflag:$0x1] =	stream.linear.gather [hbm4b:s15+s2], $0x140, $0x38;
	[tilespmem:$0x1E700] =	vst v63  }
0x50: {  	_ =	swait.ge [sflag:s17], $0x140  }
0x51: {  	[sflag:s17] =	ssyncset.done $0x0  }
0x52: {  	[sflag:s17] =	ssyncadd.s32 $0xFFFFFEC0  }
0x53: {  	_ =	swait.ge [sflag:s17], $0x20  }
0x54: {  	[sflag:s17] =	ssyncset.done $0x0  }
0x55: {  	[sflag:s17] =	ssyncadd.s32 $0xFFFFFFE0  }
0x56: {  	_ =	swait.ge [sflag:s17], $0x140  }
0x57: {  	[sflag:s17] =	ssyncset.done $0x0  }
0x58: {  	[sflag:s17] =	ssyncadd.s32 $0xFFFFFEC0  }
0x59: {  	[tilespmem:s21], [sflag:$0x3] =	stream.indirect.gather [hbm4b:s8+s19], $0x80, s16, s19, $0xb8;
	[tilespmem:$0x1E700] =	vst v63  }
0x5a: {  	_ = 	snop  }
0x5b: {  	[tilespmem:s23], [sflag:$0x3] =	stream.indirect.gather [hbm4b:s8+s20], $0x80, s2, s20, $0xb8;
	[tilespmem:$0x1E700] =	vst v63  }
0x5c: {  	s6 =	simm.s32 $0x4700  }
0x5d: {  	[tilespmem:s6], [sflag:$0x3] =	stream.indirect.gather [hbm4b:s8+s20], $0x80, s20, s20, $0xb8;
	[tilespmem:$0x1E700] =	vst v63  }
0x5e: {  	s24 =	simm.s32 $0x100;
	s9 =	simm.s32 $0x8700  }
0x5f: {  	[tilespmem:s9], [sflag:$0x3] =	stream.indirect.gather [hbm4b:s8+s10], $0x80, s24, s10, $0xb8;
	[tilespmem:$0x1E700] =	vst v63  }
0x60: {  	s25 =	rddreg [dreg:$0x10]  }
0x61: {  	[tilespmem:s26], [sflag:$0x2] =	stream.linear.gather [hbm4b:s25+s2], $0x140, $0x38;
	[tilespmem:$0x1E700] =	vst v63  }
0x62: {  	s15 =	rddreg [dreg:$0x9]  }
0x63: {  	[tilespmem:s28], [sflag:$0x2] =	stream.linear.gather [hbm4b:s15+s2], $0x20, $0x38;
	[tilespmem:$0x1E700] =	vst v63  }
0x64: {  	s24 =	rddreg [dreg:$0x11]  }
0x65: {  	[tilespmem:s29], [sflag:$0x2] =	stream.linear.gather [hbm4b:s24+s2], $0x140, $0x38;
	[tilespmem:$0x1E700] =	vst v63  }
0x66: {  	_ =	swait.ge [sflag:s30], $0x1000  }
0x67: {  	[sflag:s30] =	ssyncset.done $0x0  }
0x68: {  	[sflag:s30] =	ssyncadd.s32 $0xFFFFF000  }
0x69: {  	_ =	swait.ge [sflag:s30], $0x4000  }
0x6a: {  	[sflag:s30] =	ssyncset.done $0x0  }
0x6b: {  	[sflag:s30] =	ssyncadd.s32 $0xFFFFC000  }
0x6c: {  	_ =	swait.ge [sflag:s30], $0x4000  }
0x6d: {  	[sflag:s30] =	ssyncset.done $0x0  }
0x6e: {  	[sflag:s30] =	ssyncadd.s32 $0xFFFFC000  }
0x6f: {  	_ =	swait.ge [sflag:s30], $0x2000  }
0x70: {  	[sflag:s30] =	ssyncset.done $0x0  }
0x71: {  	[sflag:s30] =	ssyncadd.s32 $0xFFFFE000  }
0x72: {  	[spmem:s13] =	stream.linear.scatter [tilespmem:s31], [sflag:$0x6], $0x4000, $0x38;
	[tilespmem:$0x1E700] =	vst v63  }
0x73: {  	_ =	swait.ge [sflag:s0], $0x4000  }
0x74: {  	[sflag:s0] =	ssyncset.done $0x0  }
0x75: {  	[sflag:s0] =	ssyncadd.s32 $0xFFFFC000  }
0x76: {  	s15 =	rddreg [dreg:$0x4]  }
0x77: {  	[spmem:s15] =	stream.indirect.scatter.add.f32 [tilespmem:s23], [sflag:$0x6], $0x80, s18, s1, $0xb8;
	[tilespmem:$0x1E700] =	vst v63  }
0x78: {  	_ =	swait.ge [sflag:s0], $0xA000  }
0x79: {  	[sflag:s0] =	ssyncset.done $0x0  }
0x7a: {  	s25 =	rddreg [dreg:$0x12];
	[sflag:s0] =	ssyncadd.s32 $0xFFFF6000  }
0x7b: {  	[tilespmem:s2], [sflag:$0x1] =	stream.linear.gather [hbm4b:s25+s2], $0x140, $0x38;
	[tilespmem:$0x1E700] =	vst v63  }
0x7c: {  	s6 =	rddreg [dreg:$0xa]  }
0x7d: {  	[tilespmem:s16], [sflag:$0x1] =	stream.linear.gather [hbm4b:s6+s2], $0x20, $0x38;
	[tilespmem:$0x1E700] =	vst v63  }
0x7e: {  	s25 =	rddreg [dreg:$0x13]  }
0x7f: {  	[tilespmem:s18], [sflag:$0x1] =	stream.linear.gather [hbm4b:s25+s2], $0x140, $0x38;
	[tilespmem:$0x1E700] =	vst v63  }
0x80: {  	_ =	swait.ge [sflag:s3], $0x140  }
0x81: {  	[sflag:s3] =	ssyncset.done $0x0  }
0x82: {  	[sflag:s3] =	ssyncadd.s32 $0xFFFFFEC0  }
0x83: {  	_ =	swait.ge [sflag:s3], $0x20  }
0x84: {  	[sflag:s3] =	ssyncset.done $0x0  }
0x85: {  	[sflag:s3] =	ssyncadd.s32 $0xFFFFFFE0  }
0x86: {  	_ =	swait.ge [sflag:s3], $0x140  }
0x87: {  	[sflag:s3] =	ssyncset.done $0x0  }
0x88: {  	[sflag:s3] =	ssyncadd.s32 $0xFFFFFEC0  }
0x89: {  	[tilespmem:s4], [sflag:$0x4] =	stream.indirect.gather [hbm4b:s8+s19], $0x80, s28, s19, $0xb8;
	[tilespmem:$0x1E700] =	vst v63  }
0x8a: {  	_ = 	snop  }
0x8b: {  	[tilespmem:s5], [sflag:$0x4] =	stream.indirect.gather [hbm4b:s8+s20], $0x80, s26, s20, $0xb8;
	[tilespmem:$0x1E700] =	vst v63  }
0x8c: {  	s24 =	simm.s32 $0x200;
	s25 =	simm.s32 $0xE700  }
0x8d: {  	[tilespmem:s25], [sflag:$0x4] =	stream.indirect.gather [hbm4b:s8+s20], $0x80, s24, s20, $0xb8;
	[tilespmem:$0x1E700] =	vst v63  }
0x8e: {  	s6 =	stileid.u32;
	s24 =	simm.s32 $0x280;
	s25 =	simm.s32 $0x12700  }
0x8f: {  	[tilespmem:s25], [sflag:$0x4] =	stream.indirect.gather [hbm4b:s8+s10], $0x80, s24, s10, $0xb8;
	[tilespmem:$0x1E700] =	vst v63  }
0x90: {  	s24 =	sshll.u32 s6, $0x6  }
0x91: {  	s25 =	sshrl.u32 s13, $0x3;
	s6 =	rddreg [dreg:$0x1e];
	s24 =	sor.u32 $0x1C05, s24  }
0x92: {  	[hbm:s6], [sflag:s24] =	dma.local [spmem:s25], $0x800  }
0x93: {  	s6 =	sld [smem:$0x7F5];
	_ =	sdelay $0x2  }
0x94: {  	[hbm4b:s6+s2] =	stream.linear.scatter [tilespmem:s21], [sflag:$0x6], $0x1000, $0x38;
	[tilespmem:$0x1E700] =	vst v63  }
0x95: {  	_ =	swait.ge [sflag:s0], $0x1000  }
0x96: {  	[sflag:s0] =	ssyncset.done $0x0  }
0x97: {  	[sflag:s0] =	ssyncadd.s32 $0xFFFFF000  }
0x98: {  	_ =	swait.ge [sflag:s12], $0x1000  }
0x99: {  	[sflag:s12] =	ssyncset.done $0x0  }
0x9a: {  	[sflag:s12] =	ssyncadd.s32 $0xFFFFF000  }
0x9b: {  	_ =	swait.ge [sflag:s12], $0x4000  }
0x9c: {  	[sflag:s12] =	ssyncset.done $0x0  }
0x9d: {  	[sflag:s12] =	ssyncadd.s32 $0xFFFFC000  }
0x9e: {  	_ =	swait.ge [sflag:s12], $0x4000  }
0x9f: {  	[sflag:s12] =	ssyncset.done $0x0  }
0xa0: {  	[sflag:s12] =	ssyncadd.s32 $0xFFFFC000  }
0xa1: {  	_ =	swait.ge [sflag:s12], $0x2000  }
0xa2: {  	[sflag:s12] =	ssyncset.done $0x0  }
0xa3: {  	[sflag:s12] =	ssyncadd.s32 $0xFFFFE000  }
0xa4: {  	_ =	swait.ge [sflag:s14], $0x800  }
0xa5: {  	[sflag:s14] =	ssyncset.done $0x0  }
0xa6: {  	[sflag:s14] =	ssyncadd.s32 $0xFFFFF800  }
0xa7: {  	[spmem:s13] =	stream.linear.scatter [tilespmem:s31], [sflag:$0x6], $0x4000, $0x38;
	[tilespmem:$0x1E700] =	vst v63  }
0xa8: {  	_ =	swait.ge [sflag:s0], $0x4000  }
0xa9: {  	[sflag:s0] =	ssyncset.done $0x0  }
0xaa: {  	[sflag:s0] =	ssyncadd.s32 $0xFFFFC000  }
0xab: {  	[spmem:s15] =	stream.indirect.scatter.add.f32 [tilespmem:s5], [sflag:$0x6], $0x80, s29, s1, $0xb8;
	[tilespmem:$0x1E700] =	vst v63  }
0xac: {  	_ =	swait.ge [sflag:s0], $0xA000  }
0xad: {  	[sflag:s0] =	ssyncset.done $0x0  }
0xae: {  	s6 =	rddreg [dreg:$0x14];
	[sflag:s0] =	ssyncadd.s32 $0xFFFF6000  }
0xaf: {  	[tilespmem:s26], [sflag:$0x2] =	stream.linear.gather [hbm4b:s6+s2], $0x140, $0x38;
	[tilespmem:$0x1E700] =	vst v63  }
0xb0: {  	s6 =	rddreg [dreg:$0xb]  }
0xb1: {  	[tilespmem:s28], [sflag:$0x2] =	stream.linear.gather [hbm4b:s6+s2], $0x20, $0x38;
	[tilespmem:$0x1E700] =	vst v63  }
0xb2: {  	s6 =	rddreg [dreg:$0x15]  }
0xb3: {  	[tilespmem:s29], [sflag:$0x2] =	stream.linear.gather [hbm4b:s6+s2], $0x140, $0x38;
	[tilespmem:$0x1E700] =	vst v63  }
0xb4: {  	_ =	swait.ge [sflag:s17], $0x140  }
0xb5: {  	[sflag:s17] =	ssyncset.done $0x0  }
0xb6: {  	[sflag:s17] =	ssyncadd.s32 $0xFFFFFEC0  }
0xb7: {  	_ =	swait.ge [sflag:s17], $0x20  }
0xb8: {  	[sflag:s17] =	ssyncset.done $0x0  }
0xb9: {  	[sflag:s17] =	ssyncadd.s32 $0xFFFFFFE0  }
0xba: {  	_ =	swait.ge [sflag:s17], $0x140  }
0xbb: {  	[sflag:s17] =	ssyncset.done $0x0  }
0xbc: {  	[sflag:s17] =	ssyncadd.s32 $0xFFFFFEC0  }
0xbd: {  	[tilespmem:s21], [sflag:$0x3] =	stream.indirect.gather [hbm4b:s8+s19], $0x80, s16, s19, $0xb8;
	[tilespmem:$0x1E700] =	vst v63  }
0xbe: {  	_ = 	snop  }
0xbf: {  	[tilespmem:s23], [sflag:$0x3] =	stream.indirect.gather [hbm4b:s8+s20], $0x80, s2, s20, $0xb8;
	[tilespmem:$0x1E700] =	vst v63  }
0xc0: {  	s11 =	simm.s32 $0x4700  }
0xc1: {  	[tilespmem:s11], [sflag:$0x3] =	stream.indirect.gather [hbm4b:s8+s20], $0x80, s20, s20, $0xb8;
	[tilespmem:$0x1E700] =	vst v63  }
0xc2: {  	s7 =	simm.s32 $0x8700;
	s9 =	simm.s32 $0x100  }
0xc3: {  	[tilespmem:s7], [sflag:$0x3] =	stream.indirect.gather [hbm4b:s8+s10], $0x80, s9, s10, $0xb8;
	[tilespmem:$0x1E700] =	vst v63  }
0xc4: {  	s9 =	rddreg [dreg:$0x1f]  }
0xc5: {  	[hbm:s9], [sflag:s24] =	dma.local [spmem:s25], $0x800  }
0xc6: {  	s6 =	sld [smem:$0x7F6];
	_ =	sdelay $0x2  }
0xc7: {  	[hbm4b:s6+s2] =	stream.linear.scatter [tilespmem:s4], [sflag:$0x6], $0x1000, $0x38;
	[tilespmem:$0x1E700] =	vst v63  }
0xc8: {  	_ =	swait.ge [sflag:s0], $0x1000  }
0xc9: {  	[sflag:s0] =	ssyncset.done $0x0  }
0xca: {  	[sflag:s0] =	ssyncadd.s32 $0xFFFFF000  }
0xcb: {  	_ =	swait.ge [sflag:s30], $0x1000  }
0xcc: {  	[sflag:s30] =	ssyncset.done $0x0  }
0xcd: {  	[sflag:s30] =	ssyncadd.s32 $0xFFFFF000  }
0xce: {  	_ =	swait.ge [sflag:s30], $0x4000  }
0xcf: {  	[sflag:s30] =	ssyncset.done $0x0  }
0xd0: {  	[sflag:s30] =	ssyncadd.s32 $0xFFFFC000  }
0xd1: {  	_ =	swait.ge [sflag:s30], $0x4000  }
0xd2: {  	[sflag:s30] =	ssyncset.done $0x0  }
0xd3: {  	[sflag:s30] =	ssyncadd.s32 $0xFFFFC000  }
0xd4: {  	_ =	swait.ge [sflag:s30], $0x2000  }
0xd5: {  	[sflag:s30] =	ssyncset.done $0x0  }
0xd6: {  	[sflag:s30] =	ssyncadd.s32 $0xFFFFE000  }
0xd7: {  	_ =	swait.ge [sflag:s14], $0x800  }
0xd8: {  	[sflag:s14] =	ssyncset.done $0x0  }
0xd9: {  	[sflag:s14] =	ssyncadd.s32 $0xFFFFF800  }
0xda: {  	[spmem:s13] =	stream.linear.scatter [tilespmem:s31], [sflag:$0x6], $0x4000, $0x38;
	[tilespmem:$0x1E700] =	vst v63  }
0xdb: {  	_ =	swait.ge [sflag:s0], $0x4000  }
0xdc: {  	[sflag:s0] =	ssyncset.done $0x0  }
0xdd: {  	[sflag:s0] =	ssyncadd.s32 $0xFFFFC000  }
0xde: {  	[spmem:s15] =	stream.indirect.scatter.add.f32 [tilespmem:s23], [sflag:$0x6], $0x80, s18, s1, $0xb8;
	[tilespmem:$0x1E700] =	vst v63  }
0xdf: {  	_ =	swait.ge [sflag:s0], $0xA000  }
0xe0: {  	[sflag:s0] =	ssyncset.done $0x0  }
0xe1: {  	s9 =	rddreg [dreg:$0x16];
	[sflag:s0] =	ssyncadd.s32 $0xFFFF6000  }
0xe2: {  	[tilespmem:s2], [sflag:$0x1] =	stream.linear.gather [hbm4b:s9+s2], $0x140, $0x38;
	[tilespmem:$0x1E700] =	vst v63  }
0xe3: {  	s9 =	rddreg [dreg:$0xc]  }
0xe4: {  	[tilespmem:s16], [sflag:$0x1] =	stream.linear.gather [hbm4b:s9+s2], $0x20, $0x38;
	[tilespmem:$0x1E700] =	vst v63  }
0xe5: {  	s9 =	rddreg [dreg:$0x17]  }
0xe6: {  	[tilespmem:s18], [sflag:$0x1] =	stream.linear.gather [hbm4b:s9+s2], $0x140, $0x38;
	[tilespmem:$0x1E700] =	vst v63  }
0xe7: {  	_ =	swait.ge [sflag:s3], $0x140  }
0xe8: {  	[sflag:s3] =	ssyncset.done $0x0  }
0xe9: {  	[sflag:s3] =	ssyncadd.s32 $0xFFFFFEC0  }
0xea: {  	_ =	swait.ge [sflag:s3], $0x20  }
0xeb: {  	[sflag:s3] =	ssyncset.done $0x0  }
0xec: {  	[sflag:s3] =	ssyncadd.s32 $0xFFFFFFE0  }
0xed: {  	_ =	swait.ge [sflag:s3], $0x140  }
0xee: {  	[sflag:s3] =	ssyncset.done $0x0  }
0xef: {  	[sflag:s3] =	ssyncadd.s32 $0xFFFFFEC0  }
0xf0: {  	[tilespmem:s4], [sflag:$0x4] =	stream.indirect.gather [hbm4b:s8+s19], $0x80, s28, s19, $0xb8;
	[tilespmem:$0x1E700] =	vst v63  }
0xf1: {  	_ = 	snop  }
0xf2: {  	[tilespmem:s5], [sflag:$0x4] =	stream.indirect.gather [hbm4b:s8+s20], $0x80, s26, s20, $0xb8;
	[tilespmem:$0x1E700] =	vst v63  }
0xf3: {  	s6 =	simm.s32 $0xE700;
	s9 =	simm.s32 $0x200  }
0xf4: {  	[tilespmem:s6], [sflag:$0x4] =	stream.indirect.gather [hbm4b:s8+s20], $0x80, s9, s20, $0xb8;
	[tilespmem:$0x1E700] =	vst v63  }
0xf5: {  	s6 =	simm.s32 $0x12700;
	s9 =	simm.s32 $0x280  }
0xf6: {  	[tilespmem:s6], [sflag:$0x4] =	stream.indirect.gather [hbm4b:s8+s10], $0x80, s9, s10, $0xb8;
	[tilespmem:$0x1E700] =	vst v63  }
0xf7: {  	s6 =	sld [smem:$0x7EF];
	_ =	sdelay $0x2  }
0xf8: {  	[hbm:s6], [sflag:s24] =	dma.local [spmem:s25], $0x800  }
0xf9: {  	s6 =	sld [smem:$0x7F7];
	_ =	sdelay $0x2  }
0xfa: {  	[hbm4b:s6+s2] =	stream.linear.scatter [tilespmem:s21], [sflag:$0x6], $0x1000, $0x38;
	[tilespmem:$0x1E700] =	vst v63  }
0xfb: {  	_ =	swait.ge [sflag:s0], $0x1000  }
0xfc: {  	[sflag:s0] =	ssyncset.done $0x0  }
0xfd: {  	[sflag:s0] =	ssyncadd.s32 $0xFFFFF000  }
0xfe: {  	_ =	swait.ge [sflag:s12], $0x1000  }
0xff: {  	[sflag:s12] =	ssyncset.done $0x0  }
0x100: {  	[sflag:s12] =	ssyncadd.s32 $0xFFFFF000  }
0x101: {  	_ =	swait.ge [sflag:s12], $0x4000  }
0x102: {  	[sflag:s12] =	ssyncset.done $0x0  }
0x103: {  	[sflag:s12] =	ssyncadd.s32 $0xFFFFC000  }
0x104: {  	_ =	swait.ge [sflag:s12], $0x4000  }
0x105: {  	[sflag:s12] =	ssyncset.done $0x0  }
0x106: {  	[sflag:s12] =	ssyncadd.s32 $0xFFFFC000  }
0x107: {  	_ =	swait.ge [sflag:s12], $0x2000  }
0x108: {  	[sflag:s12] =	ssyncset.done $0x0  }
0x109: {  	[sflag:s12] =	ssyncadd.s32 $0xFFFFE000  }
0x10a: {  	_ =	swait.ge [sflag:s14], $0x800  }
0x10b: {  	[sflag:s14] =	ssyncset.done $0x0  }
0x10c: {  	[sflag:s14] =	ssyncadd.s32 $0xFFFFF800  }
0x10d: {  	[spmem:s13] =	stream.linear.scatter [tilespmem:s31], [sflag:$0x6], $0x4000, $0x38;
	[tilespmem:$0x1E700] =	vst v63  }
0x10e: {  	_ =	swait.ge [sflag:s0], $0x4000  }
0x10f: {  	[sflag:s0] =	ssyncset.done $0x0  }
0x110: {  	[sflag:s0] =	ssyncadd.s32 $0xFFFFC000  }
0x111: {  	[spmem:s15] =	stream.indirect.scatter.add.f32 [tilespmem:s5], [sflag:$0x6], $0x80, s29, s1, $0xb8;
	[tilespmem:$0x1E700] =	vst v63  }
0x112: {  	_ =	swait.ge [sflag:s0], $0xA000  }
0x113: {  	[sflag:s0] =	ssyncset.done $0x0  }
0x114: {  	s6 =	rddreg [dreg:$0x18];
	[sflag:s0] =	ssyncadd.s32 $0xFFFF6000  }
0x115: {  	[tilespmem:s26], [sflag:$0x2] =	stream.linear.gather [hbm4b:s6+s2], $0x140, $0x38;
	[tilespmem:$0x1E700] =	vst v63  }
0x116: {  	s6 =	rddreg [dreg:$0xd]  }
0x117: {  	[tilespmem:s28], [sflag:$0x2] =	stream.linear.gather [hbm4b:s6+s2], $0x20, $0x38;
	[tilespmem:$0x1E700] =	vst v63  }
0x118: {  	s6 =	rddreg [dreg:$0x19]  }
0x119: {  	[tilespmem:s29], [sflag:$0x2] =	stream.linear.gather [hbm4b:s6+s2], $0x140, $0x38;
	[tilespmem:$0x1E700] =	vst v63  }
0x11a: {  	_ =	swait.ge [sflag:s17], $0x140  }
0x11b: {  	[sflag:s17] =	ssyncset.done $0x0  }
0x11c: {  	[sflag:s17] =	ssyncadd.s32 $0xFFFFFEC0  }
0x11d: {  	_ =	swait.ge [sflag:s17], $0x20  }
0x11e: {  	[sflag:s17] =	ssyncset.done $0x0  }
0x11f: {  	[sflag:s17] =	ssyncadd.s32 $0xFFFFFFE0  }
0x120: {  	_ =	swait.ge [sflag:s17], $0x140  }
0x121: {  	[sflag:s17] =	ssyncset.done $0x0  }
0x122: {  	[sflag:s17] =	ssyncadd.s32 $0xFFFFFEC0  }
0x123: {  	[tilespmem:s21], [sflag:$0x3] =	stream.indirect.gather [hbm4b:s8+s19], $0x80, s16, s19, $0xb8;
	[tilespmem:$0x1E700] =	vst v63  }
0x124: {  	_ = 	snop  }
0x125: {  	[tilespmem:s23], [sflag:$0x3] =	stream.indirect.gather [hbm4b:s8+s20], $0x80, s2, s20, $0xb8;
	[tilespmem:$0x1E700] =	vst v63  }
0x126: {  	s6 =	simm.s32 $0x4700  }
0x127: {  	[tilespmem:s6], [sflag:$0x3] =	stream.indirect.gather [hbm4b:s8+s20], $0x80, s20, s20, $0xb8;
	[tilespmem:$0x1E700] =	vst v63  }
0x128: {  	s11 =	simm.s32 $0x100;
	s7 =	simm.s32 $0x8700  }
0x129: {  	[tilespmem:s7], [sflag:$0x3] =	stream.indirect.gather [hbm4b:s8+s10], $0x80, s11, s10, $0xb8;
	[tilespmem:$0x1E700] =	vst v63  }
0x12a: {  	s7 =	sld [smem:$0x7F0];
	_ =	sdelay $0x2  }
0x12b: {  	[hbm:s7], [sflag:s24] =	dma.local [spmem:s25], $0x800  }
0x12c: {  	s6 =	sld [smem:$0x7F8];
	_ =	sdelay $0x2  }
0x12d: {  	[hbm4b:s6+s2] =	stream.linear.scatter [tilespmem:s4], [sflag:$0x6], $0x1000, $0x38;
	[tilespmem:$0x1E700] =	vst v63  }
0x12e: {  	_ =	swait.ge [sflag:s0], $0x1000  }
0x12f: {  	[sflag:s0] =	ssyncset.done $0x0  }
0x130: {  	[sflag:s0] =	ssyncadd.s32 $0xFFFFF000  }
0x131: {  	_ =	swait.ge [sflag:s30], $0x1000  }
0x132: {  	[sflag:s30] =	ssyncset.done $0x0  }
0x133: {  	[sflag:s30] =	ssyncadd.s32 $0xFFFFF000  }
0x134: {  	_ =	swait.ge [sflag:s30], $0x4000  }
0x135: {  	[sflag:s30] =	ssyncset.done $0x0  }
0x136: {  	[sflag:s30] =	ssyncadd.s32 $0xFFFFC000  }
0x137: {  	_ =	swait.ge [sflag:s30], $0x4000  }
0x138: {  	[sflag:s30] =	ssyncset.done $0x0  }
0x139: {  	[sflag:s30] =	ssyncadd.s32 $0xFFFFC000  }
0x13a: {  	_ =	swait.ge [sflag:s30], $0x2000  }
0x13b: {  	[sflag:s30] =	ssyncset.done $0x0  }
0x13c: {  	[sflag:s30] =	ssyncadd.s32 $0xFFFFE000  }
0x13d: {  	_ =	swait.ge [sflag:s14], $0x800  }
0x13e: {  	[sflag:s14] =	ssyncset.done $0x0  }
0x13f: {  	[sflag:s14] =	ssyncadd.s32 $0xFFFFF800  }
0x140: {  	[spmem:s13] =	stream.linear.scatter [tilespmem:s31], [sflag:$0x6], $0x4000, $0x38;
	[tilespmem:$0x1E700] =	vst v63  }
0x141: {  	_ =	swait.ge [sflag:s0], $0x4000  }
0x142: {  	[sflag:s0] =	ssyncset.done $0x0  }
0x143: {  	[sflag:s0] =	ssyncadd.s32 $0xFFFFC000  }
0x144: {  	[spmem:s15] =	stream.indirect.scatter.add.f32 [tilespmem:s23], [sflag:$0x6], $0x80, s18, s1, $0xb8;
	[tilespmem:$0x1E700] =	vst v63  }
0x145: {  	_ =	swait.ge [sflag:s0], $0xA000  }
0x146: {  	[sflag:s0] =	ssyncset.done $0x0  }
0x147: {  	s11 =	rddreg [dreg:$0x1a];
	[sflag:s0] =	ssyncadd.s32 $0xFFFF6000  }
0x148: {  	[tilespmem:s2], [sflag:$0x1] =	stream.linear.gather [hbm4b:s11+s2], $0x140, $0x38;
	[tilespmem:$0x1E700] =	vst v63  }
0x149: {  	s7 =	rddreg [dreg:$0xe]  }
0x14a: {  	[tilespmem:s16], [sflag:$0x1] =	stream.linear.gather [hbm4b:s7+s2], $0x20, $0x38;
	[tilespmem:$0x1E700] =	vst v63  }
0x14b: {  	s11 =	rddreg [dreg:$0x1b]  }
0x14c: {  	[tilespmem:s18], [sflag:$0x1] =	stream.linear.gather [hbm4b:s11+s2], $0x140, $0x38;
	[tilespmem:$0x1E700] =	vst v63  }
0x14d: {  	_ =	swait.ge [sflag:s3], $0x140  }
0x14e: {  	[sflag:s3] =	ssyncset.done $0x0  }
0x14f: {  	[sflag:s3] =	ssyncadd.s32 $0xFFFFFEC0  }
0x150: {  	_ =	swait.ge [sflag:s3], $0x20  }
0x151: {  	[sflag:s3] =	ssyncset.done $0x0  }
0x152: {  	[sflag:s3] =	ssyncadd.s32 $0xFFFFFFE0  }
0x153: {  	_ =	swait.ge [sflag:s3], $0x140  }
0x154: {  	[sflag:s3] =	ssyncset.done $0x0  }
0x155: {  	[sflag:s3] =	ssyncadd.s32 $0xFFFFFEC0  }
0x156: {  	[tilespmem:s4], [sflag:$0x4] =	stream.indirect.gather [hbm4b:s8+s19], $0x80, s28, s19, $0xb8;
	[tilespmem:$0x1E700] =	vst v63  }
0x157: {  	_ = 	snop  }
0x158: {  	[tilespmem:s5], [sflag:$0x4] =	stream.indirect.gather [hbm4b:s8+s20], $0x80, s26, s20, $0xb8;
	[tilespmem:$0x1E700] =	vst v63  }
0x159: {  	s7 =	simm.s32 $0xE700;
	s11 =	simm.s32 $0x200;
	s6 =	sld [smem:$0x7F1]  }
0x15a: {  	[tilespmem:s7], [sflag:$0x4] =	stream.indirect.gather [hbm4b:s8+s20], $0x80, s11, s20, $0xb8;
	[tilespmem:$0x1E700] =	vst v63  }
0x15b: {  	s9 =	simm.s32 $0x280;
	s11 =	simm.s32 $0x12700  }
0x15c: {  	[tilespmem:s11], [sflag:$0x4] =	stream.indirect.gather [hbm4b:s8+s10], $0x80, s9, s10, $0xb8;
	[tilespmem:$0x1E700] =	vst v63  }
0x15d: {  	[hbm:s6], [sflag:s24] =	dma.local [spmem:s25], $0x800  }
0x15e: {  	s6 =	sld [smem:$0x7F9];
	_ =	sdelay $0x2  }
0x15f: {  	[hbm4b:s6+s2] =	stream.linear.scatter [tilespmem:s21], [sflag:$0x6], $0x1000, $0x38;
	[tilespmem:$0x1E700] =	vst v63  }
0x160: {  	_ =	swait.ge [sflag:s0], $0x1000  }
0x161: {  	[sflag:s0] =	ssyncset.done $0x0  }
0x162: {  	[sflag:s0] =	ssyncadd.s32 $0xFFFFF000  }
0x163: {  	_ =	swait.ge [sflag:s12], $0x1000  }
0x164: {  	[sflag:s12] =	ssyncset.done $0x0  }
0x165: {  	[sflag:s12] =	ssyncadd.s32 $0xFFFFF000  }
0x166: {  	_ =	swait.ge [sflag:s12], $0x4000  }
0x167: {  	[sflag:s12] =	ssyncset.done $0x0  }
0x168: {  	[sflag:s12] =	ssyncadd.s32 $0xFFFFC000  }
0x169: {  	_ =	swait.ge [sflag:s12], $0x4000  }
0x16a: {  	[sflag:s12] =	ssyncset.done $0x0  }
0x16b: {  	[sflag:s12] =	ssyncadd.s32 $0xFFFFC000  }
0x16c: {  	_ =	swait.ge [sflag:s12], $0x2000  }
0x16d: {  	[sflag:s12] =	ssyncset.done $0x0  }
0x16e: {  	[sflag:s12] =	ssyncadd.s32 $0xFFFFE000  }
0x16f: {  	_ =	swait.ge [sflag:s14], $0x800  }
0x170: {  	[sflag:s14] =	ssyncset.done $0x0  }
0x171: {  	[sflag:s14] =	ssyncadd.s32 $0xFFFFF800  }
0x172: {  	[spmem:s13] =	stream.linear.scatter [tilespmem:s31], [sflag:$0x6], $0x4000, $0x38;
	[tilespmem:$0x1E700] =	vst v63  }
0x173: {  	_ =	swait.ge [sflag:s0], $0x4000  }
0x174: {  	[sflag:s0] =	ssyncset.done $0x0  }
0x175: {  	[sflag:s0] =	ssyncadd.s32 $0xFFFFC000  }
0x176: {  	[spmem:s15] =	stream.indirect.scatter.add.f32 [tilespmem:s5], [sflag:$0x6], $0x80, s29, s1, $0xb8;
	[tilespmem:$0x1E700] =	vst v63  }
0x177: {  	_ =	swait.ge [sflag:s0], $0xA000  }
0x178: {  	[sflag:s0] =	ssyncset.done $0x0  }
0x179: {  	s6 =	rddreg [dreg:$0x1c];
	[sflag:s0] =	ssyncadd.s32 $0xFFFF6000  }
0x17a: {  	[tilespmem:s26], [sflag:$0x2] =	stream.linear.gather [hbm4b:s6+s2], $0x140, $0x38;
	[tilespmem:$0x1E700] =	vst v63  }
0x17b: {  	s6 =	rddreg [dreg:$0xf]  }
0x17c: {  	[tilespmem:s28], [sflag:$0x2] =	stream.linear.gather [hbm4b:s6+s2], $0x20, $0x38;
	[tilespmem:$0x1E700] =	vst v63  }
0x17d: {  	s6 =	rddreg [dreg:$0x1d]  }
0x17e: {  	[tilespmem:s29], [sflag:$0x2] =	stream.linear.gather [hbm4b:s6+s2], $0x140, $0x38;
	[tilespmem:$0x1E700] =	vst v63  }
0x17f: {  	_ =	swait.ge [sflag:s17], $0x140  }
0x180: {  	[sflag:s17] =	ssyncset.done $0x0  }
0x181: {  	[sflag:s17] =	ssyncadd.s32 $0xFFFFFEC0  }
0x182: {  	_ =	swait.ge [sflag:s17], $0x20  }
0x183: {  	[sflag:s17] =	ssyncset.done $0x0  }
0x184: {  	[sflag:s17] =	ssyncadd.s32 $0xFFFFFFE0  }
0x185: {  	_ =	swait.ge [sflag:s17], $0x140  }
0x186: {  	[sflag:s17] =	ssyncset.done $0x0  }
0x187: {  	[sflag:s17] =	ssyncadd.s32 $0xFFFFFEC0  }
0x188: {  	[tilespmem:s21], [sflag:$0x3] =	stream.indirect.gather [hbm4b:s8+s19], $0x80, s16, s19, $0xb8;
	[tilespmem:$0x1E700] =	vst v63  }
0x189: {  	_ = 	snop  }
0x18a: {  	[tilespmem:s23], [sflag:$0x3] =	stream.indirect.gather [hbm4b:s8+s20], $0x80, s2, s20, $0xb8;
	[tilespmem:$0x1E700] =	vst v63  }
0x18b: {  	s16 =	simm.s32 $0x4700  }
0x18c: {  	[tilespmem:s16], [sflag:$0x3] =	stream.indirect.gather [hbm4b:s8+s20], $0x80, s20, s20, $0xb8;
	[tilespmem:$0x1E700] =	vst v63  }
0x18d: {  	s6 =	simm.s32 $0x8700;
	s16 =	simm.s32 $0x100  }
0x18e: {  	[tilespmem:s6], [sflag:$0x3] =	stream.indirect.gather [hbm4b:s8+s10], $0x80, s16, s10, $0xb8;
	[tilespmem:$0x1E700] =	vst v63  }
0x18f: {  	s16 =	sld [smem:$0x7F2];
	_ =	sdelay $0x2  }
0x190: {  	[hbm:s16], [sflag:s24] =	dma.local [spmem:s25], $0x800  }
0x191: {  	s6 =	sld [smem:$0x7FA];
	_ =	sdelay $0x2  }
0x192: {  	[hbm4b:s6+s2] =	stream.linear.scatter [tilespmem:s4], [sflag:$0x6], $0x1000, $0x38;
	[tilespmem:$0x1E700] =	vst v63  }
0x193: {  	_ =	swait.ge [sflag:s0], $0x1000  }
0x194: {  	[sflag:s0] =	ssyncset.done $0x0  }
0x195: {  	[sflag:s0] =	ssyncadd.s32 $0xFFFFF000  }
0x196: {  	_ =	swait.ge [sflag:s30], $0x1000  }
0x197: {  	[sflag:s30] =	ssyncset.done $0x0  }
0x198: {  	[sflag:s30] =	ssyncadd.s32 $0xFFFFF000  }
0x199: {  	_ =	swait.ge [sflag:s30], $0x4000  }
0x19a: {  	[sflag:s30] =	ssyncset.done $0x0  }
0x19b: {  	[sflag:s30] =	ssyncadd.s32 $0xFFFFC000  }
0x19c: {  	_ =	swait.ge [sflag:s30], $0x4000  }
0x19d: {  	[sflag:s30] =	ssyncset.done $0x0  }
0x19e: {  	[sflag:s30] =	ssyncadd.s32 $0xFFFFC000  }
0x19f: {  	_ =	swait.ge [sflag:s30], $0x2000  }
0x1a0: {  	[sflag:s30] =	ssyncset.done $0x0  }
0x1a1: {  	[sflag:s30] =	ssyncadd.s32 $0xFFFFE000  }
0x1a2: {  	_ =	swait.ge [sflag:s14], $0x800  }
0x1a3: {  	[sflag:s14] =	ssyncset.done $0x0  }
0x1a4: {  	[sflag:s14] =	ssyncadd.s32 $0xFFFFF800  }
0x1a5: {  	[spmem:s13] =	stream.linear.scatter [tilespmem:s31], [sflag:$0x6], $0x4000, $0x38;
	[tilespmem:$0x1E700] =	vst v63  }
0x1a6: {  	_ =	swait.ge [sflag:s0], $0x4000  }
0x1a7: {  	[sflag:s0] =	ssyncset.done $0x0  }
0x1a8: {  	[sflag:s0] =	ssyncadd.s32 $0xFFFFC000  }
0x1a9: {  	[spmem:s15] =	stream.indirect.scatter.add.f32 [tilespmem:s23], [sflag:$0x6], $0x80, s18, s1, $0xb8;
	[tilespmem:$0x1E700] =	vst v63  }
0x1aa: {  	_ =	swait.ge [sflag:s0], $0xA000  }
0x1ab: {  	[sflag:s0] =	ssyncset.done $0x0  }
0x1ac: {  	[sflag:s0] =	ssyncadd.s32 $0xFFFF6000  }
0x1ad: {  	_ =	swait.ge [sflag:s3], $0x140  }
0x1ae: {  	[sflag:s3] =	ssyncset.done $0x0  }
0x1af: {  	[sflag:s3] =	ssyncadd.s32 $0xFFFFFEC0  }
0x1b0: {  	_ =	swait.ge [sflag:s3], $0x20  }
0x1b1: {  	[sflag:s3] =	ssyncset.done $0x0  }
0x1b2: {  	[sflag:s3] =	ssyncadd.s32 $0xFFFFFFE0  }
0x1b3: {  	_ =	swait.ge [sflag:s3], $0x140  }
0x1b4: {  	[sflag:s3] =	ssyncset.done $0x0  }
0x1b5: {  	[sflag:s3] =	ssyncadd.s32 $0xFFFFFEC0  }
0x1b6: {  	[tilespmem:s4], [sflag:$0x4] =	stream.indirect.gather [hbm4b:s8+s19], $0x80, s28, s19, $0xb8;
	[tilespmem:$0x1E700] =	vst v63  }
0x1b7: {  	_ = 	snop  }
0x1b8: {  	[tilespmem:s5], [sflag:$0x4] =	stream.indirect.gather [hbm4b:s8+s20], $0x80, s26, s20, $0xb8;
	[tilespmem:$0x1E700] =	vst v63  }
0x1b9: {  	s7 =	simm.s32 $0xE700;
	s16 =	simm.s32 $0x200  }
0x1ba: {  	[tilespmem:s7], [sflag:$0x4] =	stream.indirect.gather [hbm4b:s8+s20], $0x80, s16, s20, $0xb8;
	[tilespmem:$0x1E700] =	vst v63  }
0x1bb: {  	s9 =	simm.s32 $0x280  }
0x1bc: {  	[tilespmem:s11], [sflag:$0x4] =	stream.indirect.gather [hbm4b:s8+s10], $0x80, s9, s10, $0xb8;
	[tilespmem:$0x1E700] =	vst v63  }
0x1bd: {  	s11 =	sld [smem:$0x7F3];
	_ =	sdelay $0x2  }
0x1be: {  	[hbm:s11], [sflag:s24] =	dma.local [spmem:s25], $0x800  }
0x1bf: {  	s6 =	sld [smem:$0x7FB];
	_ =	sdelay $0x2  }
0x1c0: {  	[hbm4b:s6+s2] =	stream.linear.scatter [tilespmem:s21], [sflag:$0x6], $0x1000, $0x38;
	[tilespmem:$0x1E700] =	vst v63  }
0x1c1: {  	_ =	swait.ge [sflag:s0], $0x1000  }
0x1c2: {  	[sflag:s0] =	ssyncset.done $0x0  }
0x1c3: {  	[sflag:s0] =	ssyncadd.s32 $0xFFFFF000  }
0x1c4: {  	_ =	swait.ge [sflag:s12], $0x1000  }
0x1c5: {  	[sflag:s12] =	ssyncset.done $0x0  }
0x1c6: {  	[sflag:s12] =	ssyncadd.s32 $0xFFFFF000  }
0x1c7: {  	_ =	swait.ge [sflag:s12], $0x4000  }
0x1c8: {  	[sflag:s12] =	ssyncset.done $0x0  }
0x1c9: {  	[sflag:s12] =	ssyncadd.s32 $0xFFFFC000  }
0x1ca: {  	_ =	swait.ge [sflag:s12], $0x4000  }
0x1cb: {  	[sflag:s12] =	ssyncset.done $0x0  }
0x1cc: {  	[sflag:s12] =	ssyncadd.s32 $0xFFFFC000  }
0x1cd: {  	_ =	swait.ge [sflag:s12], $0x2000  }
0x1ce: {  	[sflag:s12] =	ssyncset.done $0x0  }
0x1cf: {  	[sflag:s12] =	ssyncadd.s32 $0xFFFFE000  }
0x1d0: {  	_ =	swait.ge [sflag:s14], $0x800  }
0x1d1: {  	[sflag:s14] =	ssyncset.done $0x0  }
0x1d2: {  	[sflag:s14] =	ssyncadd.s32 $0xFFFFF800  }
0x1d3: {  	[spmem:s13] =	stream.linear.scatter [tilespmem:s31], [sflag:$0x6], $0x4000, $0x38;
	[tilespmem:$0x1E700] =	vst v63  }
0x1d4: {  	_ =	swait.ge [sflag:s0], $0x4000  }
0x1d5: {  	[sflag:s0] =	ssyncset.done $0x0  }
0x1d6: {  	[sflag:s0] =	ssyncadd.s32 $0xFFFFC000  }
0x1d7: {  	[spmem:s15] =	stream.indirect.scatter.add.f32 [tilespmem:s5], [sflag:$0x6], $0x80, s29, s1, $0xb8;
	[tilespmem:$0x1E700] =	vst v63  }
0x1d8: {  	_ =	swait.ge [sflag:s0], $0xA000  }
0x1d9: {  	s16 =	sld [smem:$0x7F4]  }
0x1da: {  	[sflag:s0] =	ssyncset.done $0x0  }
0x1db: {  	[sflag:s0] =	ssyncadd.s32 $0xFFFF6000  }
0x1dc: {  	[hbm:s16], [sflag:s24] =	dma.local [spmem:s25], $0x800  }
0x1dd: {  	s6 =	sld [smem:$0x7FC];
	_ =	sdelay $0x2  }
0x1de: {  	[hbm4b:s6+s2] =	stream.linear.scatter [tilespmem:s4], [sflag:$0x6], $0x1000, $0x38;
	[tilespmem:$0x1E700] =	vst v63  }
0x1df: {  	_ =	swait.ge [sflag:s0], $0x1000  }
0x1e0: {  	[sflag:s0] =	ssyncset.done $0x0  }
0x1e1: {  	[sflag:s0] =	ssyncadd.s32 $0xFFFFF000  }
0x1e2: {  	_ =	swait.ge [sflag:s14], $0x800  }
0x1e3: {  	s25 =	sld [smem:$0x7FD];
	_ =	sdelay $0x1  }
0x1e4: {  	s22 =	sadd.s32 $0x1, s22  }
0x1e5: {  	p0 =	sne.s32 s22, s25  }
.Ltmp1:
0x1e6: {  	_ = 	snop;
	(pc) =	sbr.rel @p0 .LBB2_1-.Ltmp1, $3  }
0x1e7: {  	_ =	sdelay $0x1  }
0x1e8: {  	[sflag:s14] =	ssyncset.done $0x0  }
0x1e9: {  	[sflag:s14] =	ssyncadd.s32 $0xFFFFF800  }
0x1ea: {  	_ =	sfence.sel $0x180000  }
0x1eb: {  	[bflag:$0x0] =	sbarrier.arrive $0xFFFF  }
0x1ec: {  	_ =	strace $0x90000047  }
0x1ed: {  	s0 =	stileid.u32;
	[bflag:$0x2] =	sbarrier.arrive $0xFFFF  }
0x1ee: {  	p0 =	sne.s32 s0, $0x0;
	s0 =	rddreg [dreg:$0x5]  }
0x1ef: {  	s0 =	sadd.s32 @!p0 $0x100000, s0  }
0x1f0: {  	[sflag:s0] =	ssyncadd.tile.s32 @!p0 $0x1;
	_ =	shalt  }
.Lfunc_end2:
_tile_overlayer_lowered:
.L_overlay_start_2:
0x1f1: {  	(tag) =	ssettag $0x2  }
0x1f2: {  	s0 =	rddreg [dreg:$0x0];
	s2 =	stileid.u32  }
0x1f3: {  	s1 =	rddreg [dreg:$0x1];
	p0 =	sne.s32 s2, $0x0  }
0x1f4: {  	s3 =	rddreg [dreg:$0x2];
	[bflag:$0x3] =	sbarrier.arrive $0xFFFF;
	s2 =	simm.s32 @!p0 $0x1C06  }
0x1f5: {  	[timem:s3], [sflag:s2] =	dma.local @!p0 [hbm:s0], s1  }
0x1f6: {  	s0 =	simm.s32 @!p0 $0x6  }
0x1f7: {  	_ =	swait.ge @!p0 [sflag:s0], s1  }
0x1f8: {  	s1 =	ssub.s32 @!p0 $0x0, s1;
	[sflag:s0] =	ssyncset.done @!p0 $0x0  }
0x1f9: {  	[sflag:s0] =	ssyncadd.s32 @!p0 s1  }
0x1fa: {  	[bflag:$0x3] =	sbarrier.arrive $0xFFFF  }
0x1fb: {  	_ =	shalt  }

</sc_bundles>
